<compile_context>
chip_gen: v7x
topology: tpu7x:2x2x1
jax: 0.10.2.dev20260603
libtpu: 0.0.44.dev20260713+nightly
codegen_flags: <defaults>
</compile_context>

<pallas_src>
import functools

import jax
import jax.numpy as jnp
from jax import lax
from jax.experimental import pallas as pl
from jax.experimental.pallas import tpu as pltpu
from jax.experimental.pallas import tpu_sc as plsc

B = 128
N = 512
L = 16
NC = 2
NS = 16
NW = NC * NS
RPW = B // NW
WPR = 2 * N
NCHUNK = WPR // L

_LN2 = 0.6931471805599453


def _vlog(k_f32):
    i = plsc.bitcast(k_f32, jnp.int32)
    e = (i >> 23) - 127
    m = plsc.bitcast((i & 0x007FFFFF) | 0x3F800000, jnp.float32)
    t = (m - 1.0) / (m + 1.0)
    t2 = t * t
    p = 1.0 / 11.0
    for c in (1.0 / 9.0, 1.0 / 7.0, 1.0 / 5.0, 1.0 / 3.0, 1.0):
        p = p * t2 + c
    return e.astype(jnp.float32) * _LN2 + 2.0 * t * p


def _vsqrt(v):
    i = plsc.bitcast(v, jnp.int32)
    y = plsc.bitcast(0x5F3759DF - (i >> 1), jnp.float32)
    for _ in range(2):
        y = y * (1.5 - 0.5 * v * y * y)
    return v * y


def _tour_body(in_hbm, out_hbm, vb, ov, *sems):
    wid = lax.axis_index("c") * NS + lax.axis_index("s")
    cps = [
        pltpu.async_copy(
            in_hbm.at[wid * RPW + r], vb.at[pl.ds(r * WPR, WPR)], sems[r]
        )
        for r in range(RPW)
    ]

    lane = lax.iota(jnp.int32, L)
    zero = jnp.zeros((L,), jnp.float32)
    even = (lane & 1) == 0
    vb[pl.ds(RPW * WPR, L)] = zero

    ll_acc = zero
    lane_f = lane.astype(jnp.float32)
    for c in range(N // (8 * L)):
        s = (c * L + lane_f) * 8.0 + 1.0
        p = s
        for j in range(1, 8):
            p = p * (s + j)
        ll_acc = ll_acc + _vlog(p)
    ll_s = -jnp.sum(ll_acc)

    def edge_group(off):
        d0 = vb[pl.ds(off, L)] - vb[pl.ds(off + 2, L)]
        d1 = vb[pl.ds(off + 1, L)] - vb[pl.ds(off + 3, L)]
        return jnp.where(even, _vsqrt(d0 * d0 + d1 * d1), 0.0)

    res = jnp.where((lane >= RPW) & (lane < 2 * RPW), ll_s, zero)
    for r in range(RPW):
        base = r * WPR
        cps[r].wait()
        first = vb[pl.ds(base, L)]

        def quad(c, acc, base=base):
            off = base + c * (4 * L)
            return (acc + edge_group(off) + edge_group(off + L)
                    + edge_group(off + 2 * L) + edge_group(off + 3 * L))

        acc = lax.fori_loop(0, NCHUNK // 4 - 1, quad, zero)
        off = base + WPR - 4 * L
        acc = acc + edge_group(off) + edge_group(off + L) + edge_group(off + 2 * L)
        off = off + 3 * L
        d0 = vb[pl.ds(off, L)] - vb[pl.ds(off + 2, L)]
        d1 = vb[pl.ds(off + 1, L)] - vb[pl.ds(off + 3, L)]
        d0 = jnp.where(lane == L - 2, vb[pl.ds(off, L)] - first[0], d0)
        d1 = jnp.where(lane == L - 2, vb[pl.ds(off + 1, L)] - first[1], d1)
        acc = acc + jnp.where(even, _vsqrt(d0 * d0 + d1 * d1), 0.0)
        res = jnp.where(lane == r, jnp.sum(acc), res)

    ov[...] = res
    pltpu.sync_copy(ov, out_hbm.at[wid])


@functools.partial(
    pl.kernel,
    out_type=jax.ShapeDtypeStruct((NW, L), jnp.float32),
    mesh=plsc.VectorSubcoreMesh(
        core_axis_name="c", subcore_axis_name="s", num_cores=NC, num_subcores=NS
    ),
    scratch_types=(
        pltpu.VMEM((RPW * WPR + L,), jnp.float32),
        pltpu.VMEM((L,), jnp.float32),
    ) + (pltpu.SemaphoreType.DMA,) * RPW,
    compiler_params=pltpu.CompilerParams(
        needs_layout_passes=False,
        skip_device_barrier=True,
        disable_bounds_checks=True,
        disable_semaphore_checks=True,
    ),
)
def _tour_kernel(in_hbm, out_hbm, vb, ov, *sems):
    _tour_body(in_hbm, out_hbm, vb, ov, *sems)


def kernel(input):
    out = _tour_kernel(input.reshape(B, WPR))
    return out[:, :RPW].reshape(B), out[:, RPW:2 * RPW].reshape(B)

# --- scband reference (transcript-rebuilt; emitter-appended) ---
"""Pipeline reference for scband-random-model-79422535237866 (READ-ONLY COPY).

The authoritative reference and input builder live on the scoring server;
editing this copy changes nothing except your own understanding.
"""

import jax, jax.numpy as jnp
import numpy as np

B = 128
N = 512
TEMP = 1.0


def setup_inputs(seed: int = 0) -> dict:
    key = jax.random.key(seed)
    # (batch_size, graph_size, node_dim=2) node coordinates in [0,1)^2 (TSP)
    x = jax.random.uniform(key, (B, N, 2), dtype=jnp.float32)
    return {"input": x}


def reference(input):
    # RandomModel.forward with decode_type='greedy' on a TSP problem.
    # _inner: roll out graph_size steps; at each step the "policy" is a
    # uniform distribution over unvisited nodes (_get_log_p builds ones,
    # sets masked entries to -inf, then log_softmax / temp).
    b, n, _ = input.shape

    def step(visited, _):
        # _get_log_p: mask = state.get_mask(); log_p = ones; log_p[mask] = -inf
        logits = jnp.where(visited, -jnp.inf, jnp.float32(1.0))
        log_p = jax.nn.log_softmax(logits / TEMP, axis=-1)  # [b, n]
        # _select_node greedy: probs.max(1) -> argmax index
        probs = jnp.exp(log_p)
        selected = jnp.argmax(probs, axis=-1)  # [b]
        # state.update(selected): mark node visited
        visited = visited.at[jnp.arange(b), selected].set(True)
        return visited, (log_p, selected)

    visited0 = jnp.zeros((b, n), dtype=bool)
    _, (log_ps, pis) = jax.lax.scan(step, visited0, None, length=n)
    _log_p = jnp.transpose(log_ps, (1, 0, 2))  # [b, steps, n]
    pi = jnp.transpose(pis, (1, 0))            # [b, steps]

    # problem.get_costs (TSP): total tour length over permutation pi
    d = jnp.take_along_axis(input, pi[:, :, None], axis=1)  # [b, n, 2] gathered coords
    cost = jnp.linalg.norm(d - jnp.roll(d, -1, axis=1), axis=-1).sum(axis=1)  # [b]

    # _calc_log_likelihood: gather log_p at chosen actions, sum over steps (mask is None for TSP)
    ll = jnp.take_along_axis(_log_p, pi[:, :, None], axis=2).squeeze(-1).sum(axis=1)  # [b]

    return (cost, ll)

if __name__ == "__main__":
    import jax
    _d = setup_inputs()
    print(jax.jit(kernel)(*tuple(_d.values())))

</pallas_src>

<mosaic_0001>
#map = affine_map<(d0, d1) -> (0, 0)>
module attributes {stable_mosaic.version = 14 : i64} {
  func.func @_tour_kernel(%arg0: i32, %arg1: i32, %arg2: memref<128x1024xf32, #tpu.memory_space<hbm>>, %arg3: memref<32x16xf32, #tpu.memory_space<hbm>>, %arg4: memref<4112xf32, #tpu.memory_space<vmem>>, %arg5: memref<16xf32, #tpu.memory_space<vmem>>, %arg6: memref<!tpu.dma_semaphore, #tpu.memory_space<semaphore_mem>>, %arg7: memref<!tpu.dma_semaphore, #tpu.memory_space<semaphore_mem>>, %arg8: memref<!tpu.dma_semaphore, #tpu.memory_space<semaphore_mem>>, %arg9: memref<!tpu.dma_semaphore, #tpu.memory_space<semaphore_mem>>) attributes {dimension_semantics = [#tpu.dimension_semantics<core_parallel>, #tpu.dimension_semantics<subcore_parallel>], iteration_bounds = array<i64: 2, 16>, scalar_prefetch = 0 : i64, scratch_operands = 6 : i64, tpu.core_type = #tpu.core_type<sc_vector_subcore>, window_params = [{transform_indices = #map}, {transform_indices = #map}]} {
    %mul3A = arith.constant 16 : i32
    %mul3A_0 = arith.muli %arg0, %mul3A : i32
    %add3A = arith.addi %mul3A_0, %arg1 : i32
    %mul3A_1 = arith.constant 4 : i32
    %mul3A_2 = arith.muli %add3A, %mul3A_1 : i32
    %add3A_3 = arith.constant 0 : i32
    %add3A_4 = arith.addi %mul3A_2, %add3A_3 : i32
    %dma_start3A = arith.constant 0 : i32
    %dma_start3A_5 = tpu.memref_slice %arg4[%dma_start3A] : memref<4112xf32, #tpu.memory_space<vmem>> -> memref<1024xf32, #tpu.memory_space<vmem>>
    %dma_start3A_6 = arith.constant 0 : i32
    %dma_start3A_7 = tpu.memref_slice %arg2[%add3A_4, %dma_start3A_6] : memref<128x1024xf32, #tpu.memory_space<hbm>> -> memref<1x1024xf32, #tpu.memory_space<hbm>>
    %dma_start3A_8 = tpu.memref_squeeze %dma_start3A_7 : memref<1x1024xf32, #tpu.memory_space<hbm>> -> memref<1024xf32, #tpu.memory_space<hbm>>
    %dma_start3A_9 = arith.constant 0 : i32
    %dma_start3A_10 = tpu.memref_slice %arg4[%dma_start3A_9] : memref<4112xf32, #tpu.memory_space<vmem>> -> memref<1024xf32, #tpu.memory_space<vmem>>
    %dma_start3A_11 = arith.constant 0 : i32
    %dma_start3A_12 = tpu.memref_slice %arg2[%add3A_4, %dma_start3A_11] : memref<128x1024xf32, #tpu.memory_space<hbm>> -> memref<1x1024xf32, #tpu.memory_space<hbm>>
    %dma_start3A_13 = tpu.memref_squeeze %dma_start3A_12 : memref<1x1024xf32, #tpu.memory_space<hbm>> -> memref<1024xf32, #tpu.memory_space<hbm>>
    tpu.enqueue_dma source(%dma_start3A_13 : memref<1024xf32, #tpu.memory_space<hbm>>) target(%dma_start3A_10 : memref<1024xf32, #tpu.memory_space<vmem>>) target_semaphore(%arg6 : memref<!tpu.dma_semaphore, #tpu.memory_space<semaphore_mem>>)
    %mul3A_14 = arith.constant 4 : i32
    %mul3A_15 = arith.muli %add3A, %mul3A_14 : i32
    %add3A_16 = arith.constant 1 : i32
    %add3A_17 = arith.addi %mul3A_15, %add3A_16 : i32
    %dma_start3A_18 = arith.constant 1024 : i32
    %dma_start3A_19 = tpu.memref_slice %arg4[%dma_start3A_18] : memref<4112xf32, #tpu.memory_space<vmem>> -> memref<1024xf32, #tpu.memory_space<vmem>>
    %dma_start3A_20 = arith.constant 0 : i32
    %dma_start3A_21 = tpu.memref_slice %arg2[%add3A_17, %dma_start3A_20] : memref<128x1024xf32, #tpu.memory_space<hbm>> -> memref<1x1024xf32, #tpu.memory_space<hbm>>
    %dma_start3A_22 = tpu.memref_squeeze %dma_start3A_21 : memref<1x1024xf32, #tpu.memory_space<hbm>> -> memref<1024xf32, #tpu.memory_space<hbm>>
    %dma_start3A_23 = arith.constant 1024 : i32
    %dma_start3A_24 = tpu.memref_slice %arg4[%dma_start3A_23] : memref<4112xf32, #tpu.memory_space<vmem>> -> memref<1024xf32, #tpu.memory_space<vmem>>
    %dma_start3A_25 = arith.constant 0 : i32
    %dma_start3A_26 = tpu.memref_slice %arg2[%add3A_17, %dma_start3A_25] : memref<128x1024xf32, #tpu.memory_space<hbm>> -> memref<1x1024xf32, #tpu.memory_space<hbm>>
    %dma_start3A_27 = tpu.memref_squeeze %dma_start3A_26 : memref<1x1024xf32, #tpu.memory_space<hbm>> -> memref<1024xf32, #tpu.memory_space<hbm>>
    tpu.enqueue_dma source(%dma_start3A_27 : memref<1024xf32, #tpu.memory_space<hbm>>) target(%dma_start3A_24 : memref<1024xf32, #tpu.memory_space<vmem>>) target_semaphore(%arg7 : memref<!tpu.dma_semaphore, #tpu.memory_space<semaphore_mem>>)
    %mul3A_28 = arith.constant 4 : i32
    %mul3A_29 = arith.muli %add3A, %mul3A_28 : i32
    %add3A_30 = arith.constant 2 : i32
    %add3A_31 = arith.addi %mul3A_29, %add3A_30 : i32
    %dma_start3A_32 = arith.constant 2048 : i32
    %dma_start3A_33 = tpu.memref_slice %arg4[%dma_start3A_32] : memref<4112xf32, #tpu.memory_space<vmem>> -> memref<1024xf32, #tpu.memory_space<vmem>>
    %dma_start3A_34 = arith.constant 0 : i32
    %dma_start3A_35 = tpu.memref_slice %arg2[%add3A_31, %dma_start3A_34] : memref<128x1024xf32, #tpu.memory_space<hbm>> -> memref<1x1024xf32, #tpu.memory_space<hbm>>
    %dma_start3A_36 = tpu.memref_squeeze %dma_start3A_35 : memref<1x1024xf32, #tpu.memory_space<hbm>> -> memref<1024xf32, #tpu.memory_space<hbm>>
    %dma_start3A_37 = arith.constant 2048 : i32
    %dma_start3A_38 = tpu.memref_slice %arg4[%dma_start3A_37] : memref<4112xf32, #tpu.memory_space<vmem>> -> memref<1024xf32, #tpu.memory_space<vmem>>
    %dma_start3A_39 = arith.constant 0 : i32
    %dma_start3A_40 = tpu.memref_slice %arg2[%add3A_31, %dma_start3A_39] : memref<128x1024xf32, #tpu.memory_space<hbm>> -> memref<1x1024xf32, #tpu.memory_space<hbm>>
    %dma_start3A_41 = tpu.memref_squeeze %dma_start3A_40 : memref<1x1024xf32, #tpu.memory_space<hbm>> -> memref<1024xf32, #tpu.memory_space<hbm>>
    tpu.enqueue_dma source(%dma_start3A_41 : memref<1024xf32, #tpu.memory_space<hbm>>) target(%dma_start3A_38 : memref<1024xf32, #tpu.memory_space<vmem>>) target_semaphore(%arg8 : memref<!tpu.dma_semaphore, #tpu.memory_space<semaphore_mem>>)
    %mul3A_42 = arith.constant 4 : i32
    %mul3A_43 = arith.muli %add3A, %mul3A_42 : i32
    %add3A_44 = arith.constant 3 : i32
    %add3A_45 = arith.addi %mul3A_43, %add3A_44 : i32
    %dma_start3A_46 = arith.constant 3072 : i32
    %dma_start3A_47 = tpu.memref_slice %arg4[%dma_start3A_46] : memref<4112xf32, #tpu.memory_space<vmem>> -> memref<1024xf32, #tpu.memory_space<vmem>>
    %dma_start3A_48 = arith.constant 0 : i32
    %dma_start3A_49 = tpu.memref_slice %arg2[%add3A_45, %dma_start3A_48] : memref<128x1024xf32, #tpu.memory_space<hbm>> -> memref<1x1024xf32, #tpu.memory_space<hbm>>
    %dma_start3A_50 = tpu.memref_squeeze %dma_start3A_49 : memref<1x1024xf32, #tpu.memory_space<hbm>> -> memref<1024xf32, #tpu.memory_space<hbm>>
    %dma_start3A_51 = arith.constant 3072 : i32
    %dma_start3A_52 = tpu.memref_slice %arg4[%dma_start3A_51] : memref<4112xf32, #tpu.memory_space<vmem>> -> memref<1024xf32, #tpu.memory_space<vmem>>
    %dma_start3A_53 = arith.constant 0 : i32
    %dma_start3A_54 = tpu.memref_slice %arg2[%add3A_45, %dma_start3A_53] : memref<128x1024xf32, #tpu.memory_space<hbm>> -> memref<1x1024xf32, #tpu.memory_space<hbm>>
    %dma_start3A_55 = tpu.memref_squeeze %dma_start3A_54 : memref<1x1024xf32, #tpu.memory_space<hbm>> -> memref<1024xf32, #tpu.memory_space<hbm>>
    tpu.enqueue_dma source(%dma_start3A_55 : memref<1024xf32, #tpu.memory_space<hbm>>) target(%dma_start3A_52 : memref<1024xf32, #tpu.memory_space<vmem>>) target_semaphore(%arg9 : memref<!tpu.dma_semaphore, #tpu.memory_space<semaphore_mem>>)
    %iota3A = tpu.iota {dimensions = array<i32: 0>} : vector<16xi32>
    %broadcast_in_dim3A = arith.constant 0.000000e+00 : f32
    %broadcast_in_dim3A_56 = vector.broadcast %broadcast_in_dim3A : f32 to vector<16xf32>
    %and3A = arith.constant 1 : i32
    %and3A_57 = vector.broadcast %and3A : i32 to vector<16xi32>
    %and3A_58 = arith.andi %iota3A, %and3A_57 : vector<16xi32>
    %eq3A = arith.constant 0 : i32
    %eq3A_59 = vector.broadcast %eq3A : i32 to vector<16xi32>
    %eq3A_60 = arith.cmpi eq, %and3A_58, %eq3A_59 : vector<16xi32>
    %swap3A = arith.constant 4096 : index
    %swap3A_61 = tpu.vector_load %arg4[%swap3A] {strides = array<i32>} : memref<4112xf32, #tpu.memory_space<vmem>>, vector<16xf32>,
    tpu.vector_store %arg4[%swap3A], %broadcast_in_dim3A_56 {strides = array<i32>} : memref<4112xf32, #tpu.memory_space<vmem>>, vector<16xf32>,
    %convert_element_type3A = arith.sitofp %iota3A : vector<16xi32> to vector<16xf32>
    %add3A_62 = arith.constant 0.000000e+00 : f32
    %add3A_63 = vector.broadcast %add3A_62 : f32 to vector<16xf32>
    %add3A_64 = arith.addf %add3A_63, %convert_element_type3A : vector<16xf32>
    %mul3A_65 = arith.constant 8.000000e+00 : f32
    %mul3A_66 = vector.broadcast %mul3A_65 : f32 to vector<16xf32>
    %mul3A_67 = arith.mulf %add3A_64, %mul3A_66 : vector<16xf32>
    %add3A_68 = arith.constant 1.000000e+00 : f32
    %add3A_69 = vector.broadcast %add3A_68 : f32 to vector<16xf32>
    %add3A_70 = arith.addf %mul3A_67, %add3A_69 : vector<16xf32>
    %add3A_71 = arith.constant 1.000000e+00 : f32
    %add3A_72 = vector.broadcast %add3A_71 : f32 to vector<16xf32>
    %add3A_73 = arith.addf %add3A_70, %add3A_72 : vector<16xf32>
    %mul3A_74 = arith.mulf %add3A_70, %add3A_73 : vector<16xf32>
    %add3A_75 = arith.constant 2.000000e+00 : f32
    %add3A_76 = vector.broadcast %add3A_75 : f32 to vector<16xf32>
    %add3A_77 = arith.addf %add3A_70, %add3A_76 : vector<16xf32>
    %mul3A_78 = arith.mulf %mul3A_74, %add3A_77 : vector<16xf32>
    %add3A_79 = arith.constant 3.000000e+00 : f32
    %add3A_80 = vector.broadcast %add3A_79 : f32 to vector<16xf32>
    %add3A_81 = arith.addf %add3A_70, %add3A_80 : vector<16xf32>
    %mul3A_82 = arith.mulf %mul3A_78, %add3A_81 : vector<16xf32>
    %add3A_83 = arith.constant 4.000000e+00 : f32
    %add3A_84 = vector.broadcast %add3A_83 : f32 to vector<16xf32>
    %add3A_85 = arith.addf %add3A_70, %add3A_84 : vector<16xf32>
    %mul3A_86 = arith.mulf %mul3A_82, %add3A_85 : vector<16xf32>
    %add3A_87 = arith.constant 5.000000e+00 : f32
    %add3A_88 = vector.broadcast %add3A_87 : f32 to vector<16xf32>
    %add3A_89 = arith.addf %add3A_70, %add3A_88 : vector<16xf32>
    %mul3A_90 = arith.mulf %mul3A_86, %add3A_89 : vector<16xf32>
    %add3A_91 = arith.constant 6.000000e+00 : f32
    %add3A_92 = vector.broadcast %add3A_91 : f32 to vector<16xf32>
    %add3A_93 = arith.addf %add3A_70, %add3A_92 : vector<16xf32>
    %mul3A_94 = arith.mulf %mul3A_90, %add3A_93 : vector<16xf32>
    %add3A_95 = arith.constant 7.000000e+00 : f32
    %add3A_96 = vector.broadcast %add3A_95 : f32 to vector<16xf32>
    %add3A_97 = arith.addf %add3A_70, %add3A_96 : vector<16xf32>
    %mul3A_98 = arith.mulf %mul3A_94, %add3A_97 : vector<16xf32>
    %bitcast3A = vector.bitcast %mul3A_98 : vector<16xf32> to vector<16xi32>
    %shift_right_arithmetic3A = arith.constant 23 : i32
    %shift_right_arithmetic3A_99 = vector.broadcast %shift_right_arithmetic3A : i32 to vector<16xi32>
    %shift_right_arithmetic3A_100 = arith.shrsi %bitcast3A, %shift_right_arithmetic3A_99 : vector<16xi32>
    %sub3A = arith.constant 127 : i32
    %sub3A_101 = vector.broadcast %sub3A : i32 to vector<16xi32>
    %sub3A_102 = arith.subi %shift_right_arithmetic3A_100, %sub3A_101 : vector<16xi32>
    %and3A_103 = arith.constant 8388607 : i32
    %and3A_104 = vector.broadcast %and3A_103 : i32 to vector<16xi32>
    %and3A_105 = arith.andi %bitcast3A, %and3A_104 : vector<16xi32>
    %or3A = arith.constant 1065353216 : i32
    %or3A_106 = vector.broadcast %or3A : i32 to vector<16xi32>
    %or3A_107 = arith.ori %and3A_105, %or3A_106 : vector<16xi32>
    %bitcast3A_108 = vector.bitcast %or3A_107 : vector<16xi32> to vector<16xf32>
    %sub3A_109 = arith.constant 1.000000e+00 : f32
    %sub3A_110 = vector.broadcast %sub3A_109 : f32 to vector<16xf32>
    %sub3A_111 = arith.subf %bitcast3A_108, %sub3A_110 : vector<16xf32>
    %add3A_112 = arith.constant 1.000000e+00 : f32
    %add3A_113 = vector.broadcast %add3A_112 : f32 to vector<16xf32>
    %add3A_114 = arith.addf %bitcast3A_108, %add3A_113 : vector<16xf32>
    %div3A = arith.divf %sub3A_111, %add3A_114 : vector<16xf32>
    %mul3A_115 = arith.mulf %div3A, %div3A : vector<16xf32>
    %mul3A_116 = arith.constant 0.0909090936 : f32
    %mul3A_117 = vector.broadcast %mul3A_116 : f32 to vector<16xf32>
    %mul3A_118 = arith.mulf %mul3A_117, %mul3A_115 : vector<16xf32>
    %add3A_119 = arith.constant 0.111111112 : f32
    %add3A_120 = vector.broadcast %add3A_119 : f32 to vector<16xf32>
    %add3A_121 = arith.addf %mul3A_118, %add3A_120 : vector<16xf32>
    %mul3A_122 = arith.mulf %add3A_121, %mul3A_115 : vector<16xf32>
    %add3A_123 = arith.constant 0.142857149 : f32
    %add3A_124 = vector.broadcast %add3A_123 : f32 to vector<16xf32>
    %add3A_125 = arith.addf %mul3A_122, %add3A_124 : vector<16xf32>
    %mul3A_126 = arith.mulf %add3A_125, %mul3A_115 : vector<16xf32>
    %add3A_127 = arith.constant 2.000000e-01 : f32
    %add3A_128 = vector.broadcast %add3A_127 : f32 to vector<16xf32>
    %add3A_129 = arith.addf %mul3A_126, %add3A_128 : vector<16xf32>
    %mul3A_130 = arith.mulf %add3A_129, %mul3A_115 : vector<16xf32>
    %add3A_131 = arith.constant 0.333333343 : f32
    %add3A_132 = vector.broadcast %add3A_131 : f32 to vector<16xf32>
    %add3A_133 = arith.addf %mul3A_130, %add3A_132 : vector<16xf32>
    %mul3A_134 = arith.mulf %add3A_133, %mul3A_115 : vector<16xf32>
    %add3A_135 = arith.constant 1.000000e+00 : f32
    %add3A_136 = vector.broadcast %add3A_135 : f32 to vector<16xf32>
    %add3A_137 = arith.addf %mul3A_134, %add3A_136 : vector<16xf32>
    %convert_element_type3A_138 = arith.sitofp %sub3A_102 : vector<16xi32> to vector<16xf32>
    %mul3A_139 = arith.constant 0.693147182 : f32
    %mul3A_140 = vector.broadcast %mul3A_139 : f32 to vector<16xf32>
    %mul3A_141 = arith.mulf %convert_element_type3A_138, %mul3A_140 : vector<16xf32>
    %mul3A_142 = arith.constant 2.000000e+00 : f32
    %mul3A_143 = vector.broadcast %mul3A_142 : f32 to vector<16xf32>
    %mul3A_144 = arith.mulf %mul3A_143, %div3A : vector<16xf32>
    %mul3A_145 = arith.mulf %mul3A_144, %add3A_137 : vector<16xf32>
    %add3A_146 = arith.addf %mul3A_141, %mul3A_145 : vector<16xf32>
    %add3A_147 = arith.addf %broadcast_in_dim3A_56, %add3A_146 : vector<16xf32>
    %add3A_148 = arith.constant 1.600000e+01 : f32
    %add3A_149 = vector.broadcast %add3A_148 : f32 to vector<16xf32>
    %add3A_150 = arith.addf %add3A_149, %convert_element_type3A : vector<16xf32>
    %mul3A_151 = arith.constant 8.000000e+00 : f32
    %mul3A_152 = vector.broadcast %mul3A_151 : f32 to vector<16xf32>
    %mul3A_153 = arith.mulf %add3A_150, %mul3A_152 : vector<16xf32>
    %add3A_154 = arith.constant 1.000000e+00 : f32
    %add3A_155 = vector.broadcast %add3A_154 : f32 to vector<16xf32>
    %add3A_156 = arith.addf %mul3A_153, %add3A_155 : vector<16xf32>
    %add3A_157 = arith.constant 1.000000e+00 : f32
    %add3A_158 = vector.broadcast %add3A_157 : f32 to vector<16xf32>
    %add3A_159 = arith.addf %add3A_156, %add3A_158 : vector<16xf32>
    %mul3A_160 = arith.mulf %add3A_156, %add3A_159 : vector<16xf32>
    %add3A_161 = arith.constant 2.000000e+00 : f32
    %add3A_162 = vector.broadcast %add3A_161 : f32 to vector<16xf32>
    %add3A_163 = arith.addf %add3A_156, %add3A_162 : vector<16xf32>
    %mul3A_164 = arith.mulf %mul3A_160, %add3A_163 : vector<16xf32>
    %add3A_165 = arith.constant 3.000000e+00 : f32
    %add3A_166 = vector.broadcast %add3A_165 : f32 to vector<16xf32>
    %add3A_167 = arith.addf %add3A_156, %add3A_166 : vector<16xf32>
    %mul3A_168 = arith.mulf %mul3A_164, %add3A_167 : vector<16xf32>
    %add3A_169 = arith.constant 4.000000e+00 : f32
    %add3A_170 = vector.broadcast %add3A_169 : f32 to vector<16xf32>
    %add3A_171 = arith.addf %add3A_156, %add3A_170 : vector<16xf32>
    %mul3A_172 = arith.mulf %mul3A_168, %add3A_171 : vector<16xf32>
    %add3A_173 = arith.constant 5.000000e+00 : f32
    %add3A_174 = vector.broadcast %add3A_173 : f32 to vector<16xf32>
    %add3A_175 = arith.addf %add3A_156, %add3A_174 : vector<16xf32>
    %mul3A_176 = arith.mulf %mul3A_172, %add3A_175 : vector<16xf32>
    %add3A_177 = arith.constant 6.000000e+00 : f32
    %add3A_178 = vector.broadcast %add3A_177 : f32 to vector<16xf32>
    %add3A_179 = arith.addf %add3A_156, %add3A_178 : vector<16xf32>
    %mul3A_180 = arith.mulf %mul3A_176, %add3A_179 : vector<16xf32>
    %add3A_181 = arith.constant 7.000000e+00 : f32
    %add3A_182 = vector.broadcast %add3A_181 : f32 to vector<16xf32>
    %add3A_183 = arith.addf %add3A_156, %add3A_182 : vector<16xf32>
    %mul3A_184 = arith.mulf %mul3A_180, %add3A_183 : vector<16xf32>
    %bitcast3A_185 = vector.bitcast %mul3A_184 : vector<16xf32> to vector<16xi32>
    %shift_right_arithmetic3A_186 = arith.constant 23 : i32
    %shift_right_arithmetic3A_187 = vector.broadcast %shift_right_arithmetic3A_186 : i32 to vector<16xi32>
    %shift_right_arithmetic3A_188 = arith.shrsi %bitcast3A_185, %shift_right_arithmetic3A_187 : vector<16xi32>
    %sub3A_189 = arith.constant 127 : i32
    %sub3A_190 = vector.broadcast %sub3A_189 : i32 to vector<16xi32>
    %sub3A_191 = arith.subi %shift_right_arithmetic3A_188, %sub3A_190 : vector<16xi32>
    %and3A_192 = arith.constant 8388607 : i32
    %and3A_193 = vector.broadcast %and3A_192 : i32 to vector<16xi32>
    %and3A_194 = arith.andi %bitcast3A_185, %and3A_193 : vector<16xi32>
    %or3A_195 = arith.constant 1065353216 : i32
    %or3A_196 = vector.broadcast %or3A_195 : i32 to vector<16xi32>
    %or3A_197 = arith.ori %and3A_194, %or3A_196 : vector<16xi32>
    %bitcast3A_198 = vector.bitcast %or3A_197 : vector<16xi32> to vector<16xf32>
    %sub3A_199 = arith.constant 1.000000e+00 : f32
    %sub3A_200 = vector.broadcast %sub3A_199 : f32 to vector<16xf32>
    %sub3A_201 = arith.subf %bitcast3A_198, %sub3A_200 : vector<16xf32>
    %add3A_202 = arith.constant 1.000000e+00 : f32
    %add3A_203 = vector.broadcast %add3A_202 : f32 to vector<16xf32>
    %add3A_204 = arith.addf %bitcast3A_198, %add3A_203 : vector<16xf32>
    %div3A_205 = arith.divf %sub3A_201, %add3A_204 : vector<16xf32>
    %mul3A_206 = arith.mulf %div3A_205, %div3A_205 : vector<16xf32>
    %mul3A_207 = arith.constant 0.0909090936 : f32
    %mul3A_208 = vector.broadcast %mul3A_207 : f32 to vector<16xf32>
    %mul3A_209 = arith.mulf %mul3A_208, %mul3A_206 : vector<16xf32>
    %add3A_210 = arith.constant 0.111111112 : f32
    %add3A_211 = vector.broadcast %add3A_210 : f32 to vector<16xf32>
    %add3A_212 = arith.addf %mul3A_209, %add3A_211 : vector<16xf32>
    %mul3A_213 = arith.mulf %add3A_212, %mul3A_206 : vector<16xf32>
    %add3A_214 = arith.constant 0.142857149 : f32
    %add3A_215 = vector.broadcast %add3A_214 : f32 to vector<16xf32>
    %add3A_216 = arith.addf %mul3A_213, %add3A_215 : vector<16xf32>
    %mul3A_217 = arith.mulf %add3A_216, %mul3A_206 : vector<16xf32>
    %add3A_218 = arith.constant 2.000000e-01 : f32
    %add3A_219 = vector.broadcast %add3A_218 : f32 to vector<16xf32>
    %add3A_220 = arith.addf %mul3A_217, %add3A_219 : vector<16xf32>
    %mul3A_221 = arith.mulf %add3A_220, %mul3A_206 : vector<16xf32>
    %add3A_222 = arith.constant 0.333333343 : f32
    %add3A_223 = vector.broadcast %add3A_222 : f32 to vector<16xf32>
    %add3A_224 = arith.addf %mul3A_221, %add3A_223 : vector<16xf32>
    %mul3A_225 = arith.mulf %add3A_224, %mul3A_206 : vector<16xf32>
    %add3A_226 = arith.constant 1.000000e+00 : f32
    %add3A_227 = vector.broadcast %add3A_226 : f32 to vector<16xf32>
    %add3A_228 = arith.addf %mul3A_225, %add3A_227 : vector<16xf32>
    %convert_element_type3A_229 = arith.sitofp %sub3A_191 : vector<16xi32> to vector<16xf32>
    %mul3A_230 = arith.constant 0.693147182 : f32
    %mul3A_231 = vector.broadcast %mul3A_230 : f32 to vector<16xf32>
    %mul3A_232 = arith.mulf %convert_element_type3A_229, %mul3A_231 : vector<16xf32>
    %mul3A_233 = arith.constant 2.000000e+00 : f32
    %mul3A_234 = vector.broadcast %mul3A_233 : f32 to vector<16xf32>
    %mul3A_235 = arith.mulf %mul3A_234, %div3A_205 : vector<16xf32>
    %mul3A_236 = arith.mulf %mul3A_235, %add3A_228 : vector<16xf32>
    %add3A_237 = arith.addf %mul3A_232, %mul3A_236 : vector<16xf32>
    %add3A_238 = arith.addf %add3A_147, %add3A_237 : vector<16xf32>
    %add3A_239 = arith.constant 3.200000e+01 : f32
    %add3A_240 = vector.broadcast %add3A_239 : f32 to vector<16xf32>
    %add3A_241 = arith.addf %add3A_240, %convert_element_type3A : vector<16xf32>
    %mul3A_242 = arith.constant 8.000000e+00 : f32
    %mul3A_243 = vector.broadcast %mul3A_242 : f32 to vector<16xf32>
    %mul3A_244 = arith.mulf %add3A_241, %mul3A_243 : vector<16xf32>
    %add3A_245 = arith.constant 1.000000e+00 : f32
    %add3A_246 = vector.broadcast %add3A_245 : f32 to vector<16xf32>
    %add3A_247 = arith.addf %mul3A_244, %add3A_246 : vector<16xf32>
    %add3A_248 = arith.constant 1.000000e+00 : f32
    %add3A_249 = vector.broadcast %add3A_248 : f32 to vector<16xf32>
    %add3A_250 = arith.addf %add3A_247, %add3A_249 : vector<16xf32>
    %mul3A_251 = arith.mulf %add3A_247, %add3A_250 : vector<16xf32>
    %add3A_252 = arith.constant 2.000000e+00 : f32
    %add3A_253 = vector.broadcast %add3A_252 : f32 to vector<16xf32>
    %add3A_254 = arith.addf %add3A_247, %add3A_253 : vector<16xf32>
    %mul3A_255 = arith.mulf %mul3A_251, %add3A_254 : vector<16xf32>
    %add3A_256 = arith.constant 3.000000e+00 : f32
    %add3A_257 = vector.broadcast %add3A_256 : f32 to vector<16xf32>
    %add3A_258 = arith.addf %add3A_247, %add3A_257 : vector<16xf32>
    %mul3A_259 = arith.mulf %mul3A_255, %add3A_258 : vector<16xf32>
    %add3A_260 = arith.constant 4.000000e+00 : f32
    %add3A_261 = vector.broadcast %add3A_260 : f32 to vector<16xf32>
    %add3A_262 = arith.addf %add3A_247, %add3A_261 : vector<16xf32>
    %mul3A_263 = arith.mulf %mul3A_259, %add3A_262 : vector<16xf32>
    %add3A_264 = arith.constant 5.000000e+00 : f32
    %add3A_265 = vector.broadcast %add3A_264 : f32 to vector<16xf32>
    %add3A_266 = arith.addf %add3A_247, %add3A_265 : vector<16xf32>
    %mul3A_267 = arith.mulf %mul3A_263, %add3A_266 : vector<16xf32>
    %add3A_268 = arith.constant 6.000000e+00 : f32
    %add3A_269 = vector.broadcast %add3A_268 : f32 to vector<16xf32>
    %add3A_270 = arith.addf %add3A_247, %add3A_269 : vector<16xf32>
    %mul3A_271 = arith.mulf %mul3A_267, %add3A_270 : vector<16xf32>
    %add3A_272 = arith.constant 7.000000e+00 : f32
    %add3A_273 = vector.broadcast %add3A_272 : f32 to vector<16xf32>
    %add3A_274 = arith.addf %add3A_247, %add3A_273 : vector<16xf32>
    %mul3A_275 = arith.mulf %mul3A_271, %add3A_274 : vector<16xf32>
    %bitcast3A_276 = vector.bitcast %mul3A_275 : vector<16xf32> to vector<16xi32>
    %shift_right_arithmetic3A_277 = arith.constant 23 : i32
    %shift_right_arithmetic3A_278 = vector.broadcast %shift_right_arithmetic3A_277 : i32 to vector<16xi32>
    %shift_right_arithmetic3A_279 = arith.shrsi %bitcast3A_276, %shift_right_arithmetic3A_278 : vector<16xi32>
    %sub3A_280 = arith.constant 127 : i32
    %sub3A_281 = vector.broadcast %sub3A_280 : i32 to vector<16xi32>
    %sub3A_282 = arith.subi %shift_right_arithmetic3A_279, %sub3A_281 : vector<16xi32>
    %and3A_283 = arith.constant 8388607 : i32
    %and3A_284 = vector.broadcast %and3A_283 : i32 to vector<16xi32>
    %and3A_285 = arith.andi %bitcast3A_276, %and3A_284 : vector<16xi32>
    %or3A_286 = arith.constant 1065353216 : i32
    %or3A_287 = vector.broadcast %or3A_286 : i32 to vector<16xi32>
    %or3A_288 = arith.ori %and3A_285, %or3A_287 : vector<16xi32>
    %bitcast3A_289 = vector.bitcast %or3A_288 : vector<16xi32> to vector<16xf32>
    %sub3A_290 = arith.constant 1.000000e+00 : f32
    %sub3A_291 = vector.broadcast %sub3A_290 : f32 to vector<16xf32>
    %sub3A_292 = arith.subf %bitcast3A_289, %sub3A_291 : vector<16xf32>
    %add3A_293 = arith.constant 1.000000e+00 : f32
    %add3A_294 = vector.broadcast %add3A_293 : f32 to vector<16xf32>
    %add3A_295 = arith.addf %bitcast3A_289, %add3A_294 : vector<16xf32>
    %div3A_296 = arith.divf %sub3A_292, %add3A_295 : vector<16xf32>
    %mul3A_297 = arith.mulf %div3A_296, %div3A_296 : vector<16xf32>
    %mul3A_298 = arith.constant 0.0909090936 : f32
    %mul3A_299 = vector.broadcast %mul3A_298 : f32 to vector<16xf32>
    %mul3A_300 = arith.mulf %mul3A_299, %mul3A_297 : vector<16xf32>
    %add3A_301 = arith.constant 0.111111112 : f32
    %add3A_302 = vector.broadcast %add3A_301 : f32 to vector<16xf32>
    %add3A_303 = arith.addf %mul3A_300, %add3A_302 : vector<16xf32>
    %mul3A_304 = arith.mulf %add3A_303, %mul3A_297 : vector<16xf32>
    %add3A_305 = arith.constant 0.142857149 : f32
    %add3A_306 = vector.broadcast %add3A_305 : f32 to vector<16xf32>
    %add3A_307 = arith.addf %mul3A_304, %add3A_306 : vector<16xf32>
    %mul3A_308 = arith.mulf %add3A_307, %mul3A_297 : vector<16xf32>
    %add3A_309 = arith.constant 2.000000e-01 : f32
    %add3A_310 = vector.broadcast %add3A_309 : f32 to vector<16xf32>
    %add3A_311 = arith.addf %mul3A_308, %add3A_310 : vector<16xf32>
    %mul3A_312 = arith.mulf %add3A_311, %mul3A_297 : vector<16xf32>
    %add3A_313 = arith.constant 0.333333343 : f32
    %add3A_314 = vector.broadcast %add3A_313 : f32 to vector<16xf32>
    %add3A_315 = arith.addf %mul3A_312, %add3A_314 : vector<16xf32>
    %mul3A_316 = arith.mulf %add3A_315, %mul3A_297 : vector<16xf32>
    %add3A_317 = arith.constant 1.000000e+00 : f32
    %add3A_318 = vector.broadcast %add3A_317 : f32 to vector<16xf32>
    %add3A_319 = arith.addf %mul3A_316, %add3A_318 : vector<16xf32>
    %convert_element_type3A_320 = arith.sitofp %sub3A_282 : vector<16xi32> to vector<16xf32>
    %mul3A_321 = arith.constant 0.693147182 : f32
    %mul3A_322 = vector.broadcast %mul3A_321 : f32 to vector<16xf32>
    %mul3A_323 = arith.mulf %convert_element_type3A_320, %mul3A_322 : vector<16xf32>
    %mul3A_324 = arith.constant 2.000000e+00 : f32
    %mul3A_325 = vector.broadcast %mul3A_324 : f32 to vector<16xf32>
    %mul3A_326 = arith.mulf %mul3A_325, %div3A_296 : vector<16xf32>
    %mul3A_327 = arith.mulf %mul3A_326, %add3A_319 : vector<16xf32>
    %add3A_328 = arith.addf %mul3A_323, %mul3A_327 : vector<16xf32>
    %add3A_329 = arith.addf %add3A_238, %add3A_328 : vector<16xf32>
    %add3A_330 = arith.constant 4.800000e+01 : f32
    %add3A_331 = vector.broadcast %add3A_330 : f32 to vector<16xf32>
    %add3A_332 = arith.addf %add3A_331, %convert_element_type3A : vector<16xf32>
    %mul3A_333 = arith.constant 8.000000e+00 : f32
    %mul3A_334 = vector.broadcast %mul3A_333 : f32 to vector<16xf32>
    %mul3A_335 = arith.mulf %add3A_332, %mul3A_334 : vector<16xf32>
    %add3A_336 = arith.constant 1.000000e+00 : f32
    %add3A_337 = vector.broadcast %add3A_336 : f32 to vector<16xf32>
    %add3A_338 = arith.addf %mul3A_335, %add3A_337 : vector<16xf32>
    %add3A_339 = arith.constant 1.000000e+00 : f32
    %add3A_340 = vector.broadcast %add3A_339 : f32 to vector<16xf32>
    %add3A_341 = arith.addf %add3A_338, %add3A_340 : vector<16xf32>
    %mul3A_342 = arith.mulf %add3A_338, %add3A_341 : vector<16xf32>
    %add3A_343 = arith.constant 2.000000e+00 : f32
    %add3A_344 = vector.broadcast %add3A_343 : f32 to vector<16xf32>
    %add3A_345 = arith.addf %add3A_338, %add3A_344 : vector<16xf32>
    %mul3A_346 = arith.mulf %mul3A_342, %add3A_345 : vector<16xf32>
    %add3A_347 = arith.constant 3.000000e+00 : f32
    %add3A_348 = vector.broadcast %add3A_347 : f32 to vector<16xf32>
    %add3A_349 = arith.addf %add3A_338, %add3A_348 : vector<16xf32>
    %mul3A_350 = arith.mulf %mul3A_346, %add3A_349 : vector<16xf32>
    %add3A_351 = arith.constant 4.000000e+00 : f32
    %add3A_352 = vector.broadcast %add3A_351 : f32 to vector<16xf32>
    %add3A_353 = arith.addf %add3A_338, %add3A_352 : vector<16xf32>
    %mul3A_354 = arith.mulf %mul3A_350, %add3A_353 : vector<16xf32>
    %add3A_355 = arith.constant 5.000000e+00 : f32
    %add3A_356 = vector.broadcast %add3A_355 : f32 to vector<16xf32>
    %add3A_357 = arith.addf %add3A_338, %add3A_356 : vector<16xf32>
    %mul3A_358 = arith.mulf %mul3A_354, %add3A_357 : vector<16xf32>
    %add3A_359 = arith.constant 6.000000e+00 : f32
    %add3A_360 = vector.broadcast %add3A_359 : f32 to vector<16xf32>
    %add3A_361 = arith.addf %add3A_338, %add3A_360 : vector<16xf32>
    %mul3A_362 = arith.mulf %mul3A_358, %add3A_361 : vector<16xf32>
    %add3A_363 = arith.constant 7.000000e+00 : f32
    %add3A_364 = vector.broadcast %add3A_363 : f32 to vector<16xf32>
    %add3A_365 = arith.addf %add3A_338, %add3A_364 : vector<16xf32>
    %mul3A_366 = arith.mulf %mul3A_362, %add3A_365 : vector<16xf32>
    %bitcast3A_367 = vector.bitcast %mul3A_366 : vector<16xf32> to vector<16xi32>
    %shift_right_arithmetic3A_368 = arith.constant 23 : i32
    %shift_right_arithmetic3A_369 = vector.broadcast %shift_right_arithmetic3A_368 : i32 to vector<16xi32>
    %shift_right_arithmetic3A_370 = arith.shrsi %bitcast3A_367, %shift_right_arithmetic3A_369 : vector<16xi32>
    %sub3A_371 = arith.constant 127 : i32
    %sub3A_372 = vector.broadcast %sub3A_371 : i32 to vector<16xi32>
    %sub3A_373 = arith.subi %shift_right_arithmetic3A_370, %sub3A_372 : vector<16xi32>
    %and3A_374 = arith.constant 8388607 : i32
    %and3A_375 = vector.broadcast %and3A_374 : i32 to vector<16xi32>
    %and3A_376 = arith.andi %bitcast3A_367, %and3A_375 : vector<16xi32>
    %or3A_377 = arith.constant 1065353216 : i32
    %or3A_378 = vector.broadcast %or3A_377 : i32 to vector<16xi32>
    %or3A_379 = arith.ori %and3A_376, %or3A_378 : vector<16xi32>
    %bitcast3A_380 = vector.bitcast %or3A_379 : vector<16xi32> to vector<16xf32>
    %sub3A_381 = arith.constant 1.000000e+00 : f32
    %sub3A_382 = vector.broadcast %sub3A_381 : f32 to vector<16xf32>
    %sub3A_383 = arith.subf %bitcast3A_380, %sub3A_382 : vector<16xf32>
    %add3A_384 = arith.constant 1.000000e+00 : f32
    %add3A_385 = vector.broadcast %add3A_384 : f32 to vector<16xf32>
    %add3A_386 = arith.addf %bitcast3A_380, %add3A_385 : vector<16xf32>
    %div3A_387 = arith.divf %sub3A_383, %add3A_386 : vector<16xf32>
    %mul3A_388 = arith.mulf %div3A_387, %div3A_387 : vector<16xf32>
    %mul3A_389 = arith.constant 0.0909090936 : f32
    %mul3A_390 = vector.broadcast %mul3A_389 : f32 to vector<16xf32>
    %mul3A_391 = arith.mulf %mul3A_390, %mul3A_388 : vector<16xf32>
    %add3A_392 = arith.constant 0.111111112 : f32
    %add3A_393 = vector.broadcast %add3A_392 : f32 to vector<16xf32>
    %add3A_394 = arith.addf %mul3A_391, %add3A_393 : vector<16xf32>
    %mul3A_395 = arith.mulf %add3A_394, %mul3A_388 : vector<16xf32>
    %add3A_396 = arith.constant 0.142857149 : f32
    %add3A_397 = vector.broadcast %add3A_396 : f32 to vector<16xf32>
    %add3A_398 = arith.addf %mul3A_395, %add3A_397 : vector<16xf32>
    %mul3A_399 = arith.mulf %add3A_398, %mul3A_388 : vector<16xf32>
    %add3A_400 = arith.constant 2.000000e-01 : f32
    %add3A_401 = vector.broadcast %add3A_400 : f32 to vector<16xf32>
    %add3A_402 = arith.addf %mul3A_399, %add3A_401 : vector<16xf32>
    %mul3A_403 = arith.mulf %add3A_402, %mul3A_388 : vector<16xf32>
    %add3A_404 = arith.constant 0.333333343 : f32
    %add3A_405 = vector.broadcast %add3A_404 : f32 to vector<16xf32>
    %add3A_406 = arith.addf %mul3A_403, %add3A_405 : vector<16xf32>
    %mul3A_407 = arith.mulf %add3A_406, %mul3A_388 : vector<16xf32>
    %add3A_408 = arith.constant 1.000000e+00 : f32
    %add3A_409 = vector.broadcast %add3A_408 : f32 to vector<16xf32>
    %add3A_410 = arith.addf %mul3A_407, %add3A_409 : vector<16xf32>
    %convert_element_type3A_411 = arith.sitofp %sub3A_373 : vector<16xi32> to vector<16xf32>
    %mul3A_412 = arith.constant 0.693147182 : f32
    %mul3A_413 = vector.broadcast %mul3A_412 : f32 to vector<16xf32>
    %mul3A_414 = arith.mulf %convert_element_type3A_411, %mul3A_413 : vector<16xf32>
    %mul3A_415 = arith.constant 2.000000e+00 : f32
    %mul3A_416 = vector.broadcast %mul3A_415 : f32 to vector<16xf32>
    %mul3A_417 = arith.mulf %mul3A_416, %div3A_387 : vector<16xf32>
    %mul3A_418 = arith.mulf %mul3A_417, %add3A_410 : vector<16xf32>
    %add3A_419 = arith.addf %mul3A_414, %mul3A_418 : vector<16xf32>
    %add3A_420 = arith.addf %add3A_329, %add3A_419 : vector<16xf32>
    %reduce_sum3A = arith.constant true
    %reduce_sum3A_421 = vector.broadcast %reduce_sum3A : i1 to vector<16xi1>
    %reduce_sum3A_422 = tpu.scan <sum>, %add3A_420 masked %reduce_sum3A_421 : vector<16xf32>, vector<16xi1> -> vector<16xf32>
    %reduce_sum3A_423 = vector.extract %reduce_sum3A_422[15] : f32 from vector<16xf32>
    %neg3A = arith.constant 0.000000e+00 : f32
    %neg3A_424 = arith.subf %neg3A, %reduce_sum3A_423 : f32
    %ge3A = arith.constant 4 : i32
    %ge3A_425 = vector.broadcast %ge3A : i32 to vector<16xi32>
    %ge3A_426 = arith.cmpi sge, %iota3A, %ge3A_425 : vector<16xi32>
    %lt3A = arith.constant 8 : i32
    %lt3A_427 = vector.broadcast %lt3A : i32 to vector<16xi32>
    %lt3A_428 = arith.cmpi slt, %iota3A, %lt3A_427 : vector<16xi32>
    %and3A_429 = arith.andi %ge3A_426, %lt3A_428 : vector<16xi1>
    %broadcast_in_dim3A_430 = vector.broadcast %neg3A_424 : f32 to vector<16xf32>
    %select_n3A = arith.select %and3A_429, %broadcast_in_dim3A_430, %broadcast_in_dim3A_56 : vector<16xi1>, vector<16xf32>
    %dma_wait3A = arith.constant 0 : i32
    %dma_wait3A_431 = tpu.memref_slice %arg4[%dma_wait3A] : memref<4112xf32, #tpu.memory_space<vmem>> -> memref<1024xf32, #tpu.memory_space<vmem>>
    %dma_wait3A_432 = arith.constant 0 : i32
    %dma_wait3A_433 = tpu.memref_slice %arg2[%add3A_4, %dma_wait3A_432] : memref<128x1024xf32, #tpu.memory_space<hbm>> -> memref<1x1024xf32, #tpu.memory_space<hbm>>
    %dma_wait3A_434 = tpu.memref_squeeze %dma_wait3A_433 : memref<1x1024xf32, #tpu.memory_space<hbm>> -> memref<1024xf32, #tpu.memory_space<hbm>>
    %dma_wait3A_435 = arith.constant 0 : i32
    %dma_wait3A_436 = tpu.memref_slice %arg4[%dma_wait3A_435] : memref<4112xf32, #tpu.memory_space<vmem>> -> memref<1024xf32, #tpu.memory_space<vmem>>
    %dma_wait3A_437 = arith.constant 0 : i32
    %dma_wait3A_438 = tpu.memref_slice %arg2[%add3A_4, %dma_wait3A_437] : memref<128x1024xf32, #tpu.memory_space<hbm>> -> memref<1x1024xf32, #tpu.memory_space<hbm>>
    %dma_wait3A_439 = tpu.memref_squeeze %dma_wait3A_438 : memref<1x1024xf32, #tpu.memory_space<hbm>> -> memref<1024xf32, #tpu.memory_space<hbm>>
    tpu.wait_dma2 semaphore(%arg6 : memref<!tpu.dma_semaphore, #tpu.memory_space<semaphore_mem>>) src(%dma_wait3A_439 : memref<1024xf32, #tpu.memory_space<hbm>>) dst(%dma_wait3A_436 : memref<1024xf32, #tpu.memory_space<vmem>>)
    %get3A = arith.constant 0 : index
    %get3A_440 = tpu.vector_load %arg4[%get3A] {strides = array<i32>} : memref<4112xf32, #tpu.memory_space<vmem>>, vector<16xf32>,
    %scan3A = arith.constant 0 : i32
    %scan3A_441 = arith.constant 15 : i32
    %scan3A_442 = arith.addi %scan3A, %scan3A_441 : i32
    %scan3A_443 = arith.constant 1 : i32
    %scan3A_444 = scf.for %scan3A_1319 = %scan3A to %scan3A_442 step %scan3A_443 iter_args(%scan3A_1320 = %broadcast_in_dim3A_56) -> (vector<16xf32>)  : i32 {
      %mul3A_1321 = arith.constant 64 : i32
      %mul3A_1322 = arith.muli %scan3A_1319, %mul3A_1321 : i32
      %add3A_1323 = arith.constant 0 : i32
      %add3A_1324 = arith.addi %add3A_1323, %mul3A_1322 : i32
      %get3A_1325 = arith.index_cast %add3A_1324 : i32 to index
      %get3A_1326 = tpu.vector_load %arg4[%get3A_1325] {strides = array<i32>} : memref<4112xf32, #tpu.memory_space<vmem>>, vector<16xf32>,
      %add3A_1327 = arith.constant 2 : i32
      %add3A_1328 = arith.addi %add3A_1324, %add3A_1327 : i32
      %get3A_1329 = arith.index_cast %add3A_1328 : i32 to index
      %get3A_1330 = tpu.vector_load %arg4[%get3A_1329] {strides = array<i32>} : memref<4112xf32, #tpu.memory_space<vmem>>, vector<16xf32>,
      %sub3A_1331 = arith.subf %get3A_1326, %get3A_1330 : vector<16xf32>
      %add3A_1332 = arith.constant 1 : i32
      %add3A_1333 = arith.addi %add3A_1324, %add3A_1332 : i32
      %get3A_1334 = arith.index_cast %add3A_1333 : i32 to index
      %get3A_1335 = tpu.vector_load %arg4[%get3A_1334] {strides = array<i32>} : memref<4112xf32, #tpu.memory_space<vmem>>, vector<16xf32>,
      %add3A_1336 = arith.constant 3 : i32
      %add3A_1337 = arith.addi %add3A_1324, %add3A_1336 : i32
      %get3A_1338 = arith.index_cast %add3A_1337 : i32 to index
      %get3A_1339 = tpu.vector_load %arg4[%get3A_1338] {strides = array<i32>} : memref<4112xf32, #tpu.memory_space<vmem>>, vector<16xf32>,
      %sub3A_1340 = arith.subf %get3A_1335, %get3A_1339 : vector<16xf32>
      %mul3A_1341 = arith.mulf %sub3A_1331, %sub3A_1331 : vector<16xf32>
      %mul3A_1342 = arith.mulf %sub3A_1340, %sub3A_1340 : vector<16xf32>
      %add3A_1343 = arith.addf %mul3A_1341, %mul3A_1342 : vector<16xf32>
      %bitcast3A_1344 = vector.bitcast %add3A_1343 : vector<16xf32> to vector<16xi32>
      %shift_right_arithmetic3A_1345 = arith.constant 1 : i32
      %shift_right_arithmetic3A_1346 = vector.broadcast %shift_right_arithmetic3A_1345 : i32 to vector<16xi32>
      %shift_right_arithmetic3A_1347 = arith.shrsi %bitcast3A_1344, %shift_right_arithmetic3A_1346 : vector<16xi32>
      %sub3A_1348 = arith.constant 1597463007 : i32
      %sub3A_1349 = vector.broadcast %sub3A_1348 : i32 to vector<16xi32>
      %sub3A_1350 = arith.subi %sub3A_1349, %shift_right_arithmetic3A_1347 : vector<16xi32>
      %bitcast3A_1351 = vector.bitcast %sub3A_1350 : vector<16xi32> to vector<16xf32>
      %mul3A_1352 = arith.constant 5.000000e-01 : f32
      %mul3A_1353 = vector.broadcast %mul3A_1352 : f32 to vector<16xf32>
      %mul3A_1354 = arith.mulf %mul3A_1353, %add3A_1343 : vector<16xf32>
      %mul3A_1355 = arith.mulf %mul3A_1354, %bitcast3A_1351 : vector<16xf32>
      %mul3A_1356 = arith.mulf %mul3A_1355, %bitcast3A_1351 : vector<16xf32>
      %sub3A_1357 = arith.constant 1.500000e+00 : f32
      %sub3A_1358 = vector.broadcast %sub3A_1357 : f32 to vector<16xf32>
      %sub3A_1359 = arith.subf %sub3A_1358, %mul3A_1356 : vector<16xf32>
      %mul3A_1360 = arith.mulf %bitcast3A_1351, %sub3A_1359 : vector<16xf32>
      %mul3A_1361 = arith.constant 5.000000e-01 : f32
      %mul3A_1362 = vector.broadcast %mul3A_1361 : f32 to vector<16xf32>
      %mul3A_1363 = arith.mulf %mul3A_1362, %add3A_1343 : vector<16xf32>
      %mul3A_1364 = arith.mulf %mul3A_1363, %mul3A_1360 : vector<16xf32>
      %mul3A_1365 = arith.mulf %mul3A_1364, %mul3A_1360 : vector<16xf32>
      %sub3A_1366 = arith.constant 1.500000e+00 : f32
      %sub3A_1367 = vector.broadcast %sub3A_1366 : f32 to vector<16xf32>
      %sub3A_1368 = arith.subf %sub3A_1367, %mul3A_1365 : vector<16xf32>
      %mul3A_1369 = arith.mulf %mul3A_1360, %sub3A_1368 : vector<16xf32>
      %mul3A_1370 = arith.mulf %add3A_1343, %mul3A_1369 : vector<16xf32>
      %jit3A_1371 = arith.constant 0.000000e+00 : f32
      %broadcast_in_dim3A_1372 = vector.broadcast %jit3A_1371 : f32 to vector<16xf32>
      %select_n3A_1373 = arith.select %eq3A_60, %mul3A_1370, %broadcast_in_dim3A_1372 : vector<16xi1>, vector<16xf32>
      %add3A_1374 = arith.addf %scan3A_1320, %select_n3A_1373 : vector<16xf32>
      %add3A_1375 = arith.constant 16 : i32
      %add3A_1376 = arith.addi %add3A_1324, %add3A_1375 : i32
      %get3A_1377 = arith.index_cast %add3A_1376 : i32 to index
      %get3A_1378 = tpu.vector_load %arg4[%get3A_1377] {strides = array<i32>} : memref<4112xf32, #tpu.memory_space<vmem>>, vector<16xf32>,
      %add3A_1379 = arith.constant 2 : i32
      %add3A_1380 = arith.addi %add3A_1376, %add3A_1379 : i32
      %get3A_1381 = arith.index_cast %add3A_1380 : i32 to index
      %get3A_1382 = tpu.vector_load %arg4[%get3A_1381] {strides = array<i32>} : memref<4112xf32, #tpu.memory_space<vmem>>, vector<16xf32>,
      %sub3A_1383 = arith.subf %get3A_1378, %get3A_1382 : vector<16xf32>
      %add3A_1384 = arith.constant 1 : i32
      %add3A_1385 = arith.addi %add3A_1376, %add3A_1384 : i32
      %get3A_1386 = arith.index_cast %add3A_1385 : i32 to index
      %get3A_1387 = tpu.vector_load %arg4[%get3A_1386] {strides = array<i32>} : memref<4112xf32, #tpu.memory_space<vmem>>, vector<16xf32>,
      %add3A_1388 = arith.constant 3 : i32
      %add3A_1389 = arith.addi %add3A_1376, %add3A_1388 : i32
      %get3A_1390 = arith.index_cast %add3A_1389 : i32 to index
      %get3A_1391 = tpu.vector_load %arg4[%get3A_1390] {strides = array<i32>} : memref<4112xf32, #tpu.memory_space<vmem>>, vector<16xf32>,
      %sub3A_1392 = arith.subf %get3A_1387, %get3A_1391 : vector<16xf32>
      %mul3A_1393 = arith.mulf %sub3A_1383, %sub3A_1383 : vector<16xf32>
      %mul3A_1394 = arith.mulf %sub3A_1392, %sub3A_1392 : vector<16xf32>
      %add3A_1395 = arith.addf %mul3A_1393, %mul3A_1394 : vector<16xf32>
      %bitcast3A_1396 = vector.bitcast %add3A_1395 : vector<16xf32> to vector<16xi32>
      %shift_right_arithmetic3A_1397 = arith.constant 1 : i32
      %shift_right_arithmetic3A_1398 = vector.broadcast %shift_right_arithmetic3A_1397 : i32 to vector<16xi32>
      %shift_right_arithmetic3A_1399 = arith.shrsi %bitcast3A_1396, %shift_right_arithmetic3A_1398 : vector<16xi32>
      %sub3A_1400 = arith.constant 1597463007 : i32
      %sub3A_1401 = vector.broadcast %sub3A_1400 : i32 to vector<16xi32>
      %sub3A_1402 = arith.subi %sub3A_1401, %shift_right_arithmetic3A_1399 : vector<16xi32>
      %bitcast3A_1403 = vector.bitcast %sub3A_1402 : vector<16xi32> to vector<16xf32>
      %mul3A_1404 = arith.constant 5.000000e-01 : f32
      %mul3A_1405 = vector.broadcast %mul3A_1404 : f32 to vector<16xf32>
      %mul3A_1406 = arith.mulf %mul3A_1405, %add3A_1395 : vector<16xf32>
      %mul3A_1407 = arith.mulf %mul3A_1406, %bitcast3A_1403 : vector<16xf32>
      %mul3A_1408 = arith.mulf %mul3A_1407, %bitcast3A_1403 : vector<16xf32>
      %sub3A_1409 = arith.constant 1.500000e+00 : f32
      %sub3A_1410 = vector.broadcast %sub3A_1409 : f32 to vector<16xf32>
      %sub3A_1411 = arith.subf %sub3A_1410, %mul3A_1408 : vector<16xf32>
      %mul3A_1412 = arith.mulf %bitcast3A_1403, %sub3A_1411 : vector<16xf32>
      %mul3A_1413 = arith.constant 5.000000e-01 : f32
      %mul3A_1414 = vector.broadcast %mul3A_1413 : f32 to vector<16xf32>
      %mul3A_1415 = arith.mulf %mul3A_1414, %add3A_1395 : vector<16xf32>
      %mul3A_1416 = arith.mulf %mul3A_1415, %mul3A_1412 : vector<16xf32>
      %mul3A_1417 = arith.mulf %mul3A_1416, %mul3A_1412 : vector<16xf32>
      %sub3A_1418 = arith.constant 1.500000e+00 : f32
      %sub3A_1419 = vector.broadcast %sub3A_1418 : f32 to vector<16xf32>
      %sub3A_1420 = arith.subf %sub3A_1419, %mul3A_1417 : vector<16xf32>
      %mul3A_1421 = arith.mulf %mul3A_1412, %sub3A_1420 : vector<16xf32>
      %mul3A_1422 = arith.mulf %add3A_1395, %mul3A_1421 : vector<16xf32>
      %jit3A_1423 = arith.constant 0.000000e+00 : f32
      %broadcast_in_dim3A_1424 = vector.broadcast %jit3A_1423 : f32 to vector<16xf32>
      %select_n3A_1425 = arith.select %eq3A_60, %mul3A_1422, %broadcast_in_dim3A_1424 : vector<16xi1>, vector<16xf32>
      %add3A_1426 = arith.addf %add3A_1374, %select_n3A_1425 : vector<16xf32>
      %add3A_1427 = arith.constant 32 : i32
      %add3A_1428 = arith.addi %add3A_1324, %add3A_1427 : i32
      %get3A_1429 = arith.index_cast %add3A_1428 : i32 to index
      %get3A_1430 = tpu.vector_load %arg4[%get3A_1429] {strides = array<i32>} : memref<4112xf32, #tpu.memory_space<vmem>>, vector<16xf32>,
      %add3A_1431 = arith.constant 2 : i32
      %add3A_1432 = arith.addi %add3A_1428, %add3A_1431 : i32
      %get3A_1433 = arith.index_cast %add3A_1432 : i32 to index
      %get3A_1434 = tpu.vector_load %arg4[%get3A_1433] {strides = array<i32>} : memref<4112xf32, #tpu.memory_space<vmem>>, vector<16xf32>,
      %sub3A_1435 = arith.subf %get3A_1430, %get3A_1434 : vector<16xf32>
      %add3A_1436 = arith.constant 1 : i32
      %add3A_1437 = arith.addi %add3A_1428, %add3A_1436 : i32
      %get3A_1438 = arith.index_cast %add3A_1437 : i32 to index
      %get3A_1439 = tpu.vector_load %arg4[%get3A_1438] {strides = array<i32>} : memref<4112xf32, #tpu.memory_space<vmem>>, vector<16xf32>,
      %add3A_1440 = arith.constant 3 : i32
      %add3A_1441 = arith.addi %add3A_1428, %add3A_1440 : i32
      %get3A_1442 = arith.index_cast %add3A_1441 : i32 to index
      %get3A_1443 = tpu.vector_load %arg4[%get3A_1442] {strides = array<i32>} : memref<4112xf32, #tpu.memory_space<vmem>>, vector<16xf32>,
      %sub3A_1444 = arith.subf %get3A_1439, %get3A_1443 : vector<16xf32>
      %mul3A_1445 = arith.mulf %sub3A_1435, %sub3A_1435 : vector<16xf32>
      %mul3A_1446 = arith.mulf %sub3A_1444, %sub3A_1444 : vector<16xf32>
      %add3A_1447 = arith.addf %mul3A_1445, %mul3A_1446 : vector<16xf32>
      %bitcast3A_1448 = vector.bitcast %add3A_1447 : vector<16xf32> to vector<16xi32>
      %shift_right_arithmetic3A_1449 = arith.constant 1 : i32
      %shift_right_arithmetic3A_1450 = vector.broadcast %shift_right_arithmetic3A_1449 : i32 to vector<16xi32>
      %shift_right_arithmetic3A_1451 = arith.shrsi %bitcast3A_1448, %shift_right_arithmetic3A_1450 : vector<16xi32>
      %sub3A_1452 = arith.constant 1597463007 : i32
      %sub3A_1453 = vector.broadcast %sub3A_1452 : i32 to vector<16xi32>
      %sub3A_1454 = arith.subi %sub3A_1453, %shift_right_arithmetic3A_1451 : vector<16xi32>
      %bitcast3A_1455 = vector.bitcast %sub3A_1454 : vector<16xi32> to vector<16xf32>
      %mul3A_1456 = arith.constant 5.000000e-01 : f32
      %mul3A_1457 = vector.broadcast %mul3A_1456 : f32 to vector<16xf32>
      %mul3A_1458 = arith.mulf %mul3A_1457, %add3A_1447 : vector<16xf32>
      %mul3A_1459 = arith.mulf %mul3A_1458, %bitcast3A_1455 : vector<16xf32>
      %mul3A_1460 = arith.mulf %mul3A_1459, %bitcast3A_1455 : vector<16xf32>
      %sub3A_1461 = arith.constant 1.500000e+00 : f32
      %sub3A_1462 = vector.broadcast %sub3A_1461 : f32 to vector<16xf32>
      %sub3A_1463 = arith.subf %sub3A_1462, %mul3A_1460 : vector<16xf32>
      %mul3A_1464 = arith.mulf %bitcast3A_1455, %sub3A_1463 : vector<16xf32>
      %mul3A_1465 = arith.constant 5.000000e-01 : f32
      %mul3A_1466 = vector.broadcast %mul3A_1465 : f32 to vector<16xf32>
      %mul3A_1467 = arith.mulf %mul3A_1466, %add3A_1447 : vector<16xf32>
      %mul3A_1468 = arith.mulf %mul3A_1467, %mul3A_1464 : vector<16xf32>
      %mul3A_1469 = arith.mulf %mul3A_1468, %mul3A_1464 : vector<16xf32>
      %sub3A_1470 = arith.constant 1.500000e+00 : f32
      %sub3A_1471 = vector.broadcast %sub3A_1470 : f32 to vector<16xf32>
      %sub3A_1472 = arith.subf %sub3A_1471, %mul3A_1469 : vector<16xf32>
      %mul3A_1473 = arith.mulf %mul3A_1464, %sub3A_1472 : vector<16xf32>
      %mul3A_1474 = arith.mulf %add3A_1447, %mul3A_1473 : vector<16xf32>
      %jit3A_1475 = arith.constant 0.000000e+00 : f32
      %broadcast_in_dim3A_1476 = vector.broadcast %jit3A_1475 : f32 to vector<16xf32>
      %select_n3A_1477 = arith.select %eq3A_60, %mul3A_1474, %broadcast_in_dim3A_1476 : vector<16xi1>, vector<16xf32>
      %add3A_1478 = arith.addf %add3A_1426, %select_n3A_1477 : vector<16xf32>
      %add3A_1479 = arith.constant 48 : i32
      %add3A_1480 = arith.addi %add3A_1324, %add3A_1479 : i32
      %get3A_1481 = arith.index_cast %add3A_1480 : i32 to index
      %get3A_1482 = tpu.vector_load %arg4[%get3A_1481] {strides = array<i32>} : memref<4112xf32, #tpu.memory_space<vmem>>, vector<16xf32>,
      %add3A_1483 = arith.constant 2 : i32
      %add3A_1484 = arith.addi %add3A_1480, %add3A_1483 : i32
      %get3A_1485 = arith.index_cast %add3A_1484 : i32 to index
      %get3A_1486 = tpu.vector_load %arg4[%get3A_1485] {strides = array<i32>} : memref<4112xf32, #tpu.memory_space<vmem>>, vector<16xf32>,
      %sub3A_1487 = arith.subf %get3A_1482, %get3A_1486 : vector<16xf32>
      %add3A_1488 = arith.constant 1 : i32
      %add3A_1489 = arith.addi %add3A_1480, %add3A_1488 : i32
      %get3A_1490 = arith.index_cast %add3A_1489 : i32 to index
      %get3A_1491 = tpu.vector_load %arg4[%get3A_1490] {strides = array<i32>} : memref<4112xf32, #tpu.memory_space<vmem>>, vector<16xf32>,
      %add3A_1492 = arith.constant 3 : i32
      %add3A_1493 = arith.addi %add3A_1480, %add3A_1492 : i32
      %get3A_1494 = arith.index_cast %add3A_1493 : i32 to index
      %get3A_1495 = tpu.vector_load %arg4[%get3A_1494] {strides = array<i32>} : memref<4112xf32, #tpu.memory_space<vmem>>, vector<16xf32>,
      %sub3A_1496 = arith.subf %get3A_1491, %get3A_1495 : vector<16xf32>
      %mul3A_1497 = arith.mulf %sub3A_1487, %sub3A_1487 : vector<16xf32>
      %mul3A_1498 = arith.mulf %sub3A_1496, %sub3A_1496 : vector<16xf32>
      %add3A_1499 = arith.addf %mul3A_1497, %mul3A_1498 : vector<16xf32>
      %bitcast3A_1500 = vector.bitcast %add3A_1499 : vector<16xf32> to vector<16xi32>
      %shift_right_arithmetic3A_1501 = arith.constant 1 : i32
      %shift_right_arithmetic3A_1502 = vector.broadcast %shift_right_arithmetic3A_1501 : i32 to vector<16xi32>
      %shift_right_arithmetic3A_1503 = arith.shrsi %bitcast3A_1500, %shift_right_arithmetic3A_1502 : vector<16xi32>
      %sub3A_1504 = arith.constant 1597463007 : i32
      %sub3A_1505 = vector.broadcast %sub3A_1504 : i32 to vector<16xi32>
      %sub3A_1506 = arith.subi %sub3A_1505, %shift_right_arithmetic3A_1503 : vector<16xi32>
      %bitcast3A_1507 = vector.bitcast %sub3A_1506 : vector<16xi32> to vector<16xf32>
      %mul3A_1508 = arith.constant 5.000000e-01 : f32
      %mul3A_1509 = vector.broadcast %mul3A_1508 : f32 to vector<16xf32>
      %mul3A_1510 = arith.mulf %mul3A_1509, %add3A_1499 : vector<16xf32>
      %mul3A_1511 = arith.mulf %mul3A_1510, %bitcast3A_1507 : vector<16xf32>
      %mul3A_1512 = arith.mulf %mul3A_1511, %bitcast3A_1507 : vector<16xf32>
      %sub3A_1513 = arith.constant 1.500000e+00 : f32
      %sub3A_1514 = vector.broadcast %sub3A_1513 : f32 to vector<16xf32>
      %sub3A_1515 = arith.subf %sub3A_1514, %mul3A_1512 : vector<16xf32>
      %mul3A_1516 = arith.mulf %bitcast3A_1507, %sub3A_1515 : vector<16xf32>
      %mul3A_1517 = arith.constant 5.000000e-01 : f32
      %mul3A_1518 = vector.broadcast %mul3A_1517 : f32 to vector<16xf32>
      %mul3A_1519 = arith.mulf %mul3A_1518, %add3A_1499 : vector<16xf32>
      %mul3A_1520 = arith.mulf %mul3A_1519, %mul3A_1516 : vector<16xf32>
      %mul3A_1521 = arith.mulf %mul3A_1520, %mul3A_1516 : vector<16xf32>
      %sub3A_1522 = arith.constant 1.500000e+00 : f32
      %sub3A_1523 = vector.broadcast %sub3A_1522 : f32 to vector<16xf32>
      %sub3A_1524 = arith.subf %sub3A_1523, %mul3A_1521 : vector<16xf32>
      %mul3A_1525 = arith.mulf %mul3A_1516, %sub3A_1524 : vector<16xf32>
      %mul3A_1526 = arith.mulf %add3A_1499, %mul3A_1525 : vector<16xf32>
      %jit3A_1527 = arith.constant 0.000000e+00 : f32
      %broadcast_in_dim3A_1528 = vector.broadcast %jit3A_1527 : f32 to vector<16xf32>
      %select_n3A_1529 = arith.select %eq3A_60, %mul3A_1526, %broadcast_in_dim3A_1528 : vector<16xi1>, vector<16xf32>
      %add3A_1530 = arith.addf %add3A_1478, %select_n3A_1529 : vector<16xf32>
      scf.yield %add3A_1530 : vector<16xf32>
    }
    %scan3A_445 = arith.constant 15 : i32
    %get3A_446 = arith.constant 960 : index
    %get3A_447 = tpu.vector_load %arg4[%get3A_446] {strides = array<i32>} : memref<4112xf32, #tpu.memory_space<vmem>>, vector<16xf32>,
    %get3A_448 = arith.constant 962 : index
    %get3A_449 = tpu.vector_load %arg4[%get3A_448] {strides = array<i32>} : memref<4112xf32, #tpu.memory_space<vmem>>, vector<16xf32>,
    %sub3A_450 = arith.subf %get3A_447, %get3A_449 : vector<16xf32>
    %get3A_451 = arith.constant 961 : index
    %get3A_452 = tpu.vector_load %arg4[%get3A_451] {strides = array<i32>} : memref<4112xf32, #tpu.memory_space<vmem>>, vector<16xf32>,
    %get3A_453 = arith.constant 963 : index
    %get3A_454 = tpu.vector_load %arg4[%get3A_453] {strides = array<i32>} : memref<4112xf32, #tpu.memory_space<vmem>>, vector<16xf32>,
    %sub3A_455 = arith.subf %get3A_452, %get3A_454 : vector<16xf32>
    %mul3A_456 = arith.mulf %sub3A_450, %sub3A_450 : vector<16xf32>
    %mul3A_457 = arith.mulf %sub3A_455, %sub3A_455 : vector<16xf32>
    %add3A_458 = arith.addf %mul3A_456, %mul3A_457 : vector<16xf32>
    %bitcast3A_459 = vector.bitcast %add3A_458 : vector<16xf32> to vector<16xi32>
    %shift_right_arithmetic3A_460 = arith.constant 1 : i32
    %shift_right_arithmetic3A_461 = vector.broadcast %shift_right_arithmetic3A_460 : i32 to vector<16xi32>
    %shift_right_arithmetic3A_462 = arith.shrsi %bitcast3A_459, %shift_right_arithmetic3A_461 : vector<16xi32>
    %sub3A_463 = arith.constant 1597463007 : i32
    %sub3A_464 = vector.broadcast %sub3A_463 : i32 to vector<16xi32>
    %sub3A_465 = arith.subi %sub3A_464, %shift_right_arithmetic3A_462 : vector<16xi32>
    %bitcast3A_466 = vector.bitcast %sub3A_465 : vector<16xi32> to vector<16xf32>
    %mul3A_467 = arith.constant 5.000000e-01 : f32
    %mul3A_468 = vector.broadcast %mul3A_467 : f32 to vector<16xf32>
    %mul3A_469 = arith.mulf %mul3A_468, %add3A_458 : vector<16xf32>
    %mul3A_470 = arith.mulf %mul3A_469, %bitcast3A_466 : vector<16xf32>
    %mul3A_471 = arith.mulf %mul3A_470, %bitcast3A_466 : vector<16xf32>
    %sub3A_472 = arith.constant 1.500000e+00 : f32
    %sub3A_473 = vector.broadcast %sub3A_472 : f32 to vector<16xf32>
    %sub3A_474 = arith.subf %sub3A_473, %mul3A_471 : vector<16xf32>
    %mul3A_475 = arith.mulf %bitcast3A_466, %sub3A_474 : vector<16xf32>
    %mul3A_476 = arith.constant 5.000000e-01 : f32
    %mul3A_477 = vector.broadcast %mul3A_476 : f32 to vector<16xf32>
    %mul3A_478 = arith.mulf %mul3A_477, %add3A_458 : vector<16xf32>
    %mul3A_479 = arith.mulf %mul3A_478, %mul3A_475 : vector<16xf32>
    %mul3A_480 = arith.mulf %mul3A_479, %mul3A_475 : vector<16xf32>
    %sub3A_481 = arith.constant 1.500000e+00 : f32
    %sub3A_482 = vector.broadcast %sub3A_481 : f32 to vector<16xf32>
    %sub3A_483 = arith.subf %sub3A_482, %mul3A_480 : vector<16xf32>
    %mul3A_484 = arith.mulf %mul3A_475, %sub3A_483 : vector<16xf32>
    %mul3A_485 = arith.mulf %add3A_458, %mul3A_484 : vector<16xf32>
    %jit3A = arith.constant 0.000000e+00 : f32
    %broadcast_in_dim3A_486 = vector.broadcast %jit3A : f32 to vector<16xf32>
    %select_n3A_487 = arith.select %eq3A_60, %mul3A_485, %broadcast_in_dim3A_486 : vector<16xi1>, vector<16xf32>
    %add3A_488 = arith.addf %scan3A_444, %select_n3A_487 : vector<16xf32>
    %get3A_489 = arith.constant 976 : index
    %get3A_490 = tpu.vector_load %arg4[%get3A_489] {strides = array<i32>} : memref<4112xf32, #tpu.memory_space<vmem>>, vector<16xf32>,
    %get3A_491 = arith.constant 978 : index
    %get3A_492 = tpu.vector_load %arg4[%get3A_491] {strides = array<i32>} : memref<4112xf32, #tpu.memory_space<vmem>>, vector<16xf32>,
    %sub3A_493 = arith.subf %get3A_490, %get3A_492 : vector<16xf32>
    %get3A_494 = arith.constant 977 : index
    %get3A_495 = tpu.vector_load %arg4[%get3A_494] {strides = array<i32>} : memref<4112xf32, #tpu.memory_space<vmem>>, vector<16xf32>,
    %get3A_496 = arith.constant 979 : index
    %get3A_497 = tpu.vector_load %arg4[%get3A_496] {strides = array<i32>} : memref<4112xf32, #tpu.memory_space<vmem>>, vector<16xf32>,
    %sub3A_498 = arith.subf %get3A_495, %get3A_497 : vector<16xf32>
    %mul3A_499 = arith.mulf %sub3A_493, %sub3A_493 : vector<16xf32>
    %mul3A_500 = arith.mulf %sub3A_498, %sub3A_498 : vector<16xf32>
    %add3A_501 = arith.addf %mul3A_499, %mul3A_500 : vector<16xf32>
    %bitcast3A_502 = vector.bitcast %add3A_501 : vector<16xf32> to vector<16xi32>
    %shift_right_arithmetic3A_503 = arith.constant 1 : i32
    %shift_right_arithmetic3A_504 = vector.broadcast %shift_right_arithmetic3A_503 : i32 to vector<16xi32>
    %shift_right_arithmetic3A_505 = arith.shrsi %bitcast3A_502, %shift_right_arithmetic3A_504 : vector<16xi32>
    %sub3A_506 = arith.constant 1597463007 : i32
    %sub3A_507 = vector.broadcast %sub3A_506 : i32 to vector<16xi32>
    %sub3A_508 = arith.subi %sub3A_507, %shift_right_arithmetic3A_505 : vector<16xi32>
    %bitcast3A_509 = vector.bitcast %sub3A_508 : vector<16xi32> to vector<16xf32>
    %mul3A_510 = arith.constant 5.000000e-01 : f32
    %mul3A_511 = vector.broadcast %mul3A_510 : f32 to vector<16xf32>
    %mul3A_512 = arith.mulf %mul3A_511, %add3A_501 : vector<16xf32>
    %mul3A_513 = arith.mulf %mul3A_512, %bitcast3A_509 : vector<16xf32>
    %mul3A_514 = arith.mulf %mul3A_513, %bitcast3A_509 : vector<16xf32>
    %sub3A_515 = arith.constant 1.500000e+00 : f32
    %sub3A_516 = vector.broadcast %sub3A_515 : f32 to vector<16xf32>
    %sub3A_517 = arith.subf %sub3A_516, %mul3A_514 : vector<16xf32>
    %mul3A_518 = arith.mulf %bitcast3A_509, %sub3A_517 : vector<16xf32>
    %mul3A_519 = arith.constant 5.000000e-01 : f32
    %mul3A_520 = vector.broadcast %mul3A_519 : f32 to vector<16xf32>
    %mul3A_521 = arith.mulf %mul3A_520, %add3A_501 : vector<16xf32>
    %mul3A_522 = arith.mulf %mul3A_521, %mul3A_518 : vector<16xf32>
    %mul3A_523 = arith.mulf %mul3A_522, %mul3A_518 : vector<16xf32>
    %sub3A_524 = arith.constant 1.500000e+00 : f32
    %sub3A_525 = vector.broadcast %sub3A_524 : f32 to vector<16xf32>
    %sub3A_526 = arith.subf %sub3A_525, %mul3A_523 : vector<16xf32>
    %mul3A_527 = arith.mulf %mul3A_518, %sub3A_526 : vector<16xf32>
    %mul3A_528 = arith.mulf %add3A_501, %mul3A_527 : vector<16xf32>
    %jit3A_529 = arith.constant 0.000000e+00 : f32
    %broadcast_in_dim3A_530 = vector.broadcast %jit3A_529 : f32 to vector<16xf32>
    %select_n3A_531 = arith.select %eq3A_60, %mul3A_528, %broadcast_in_dim3A_530 : vector<16xi1>, vector<16xf32>
    %add3A_532 = arith.addf %add3A_488, %select_n3A_531 : vector<16xf32>
    %get3A_533 = arith.constant 992 : index
    %get3A_534 = tpu.vector_load %arg4[%get3A_533] {strides = array<i32>} : memref<4112xf32, #tpu.memory_space<vmem>>, vector<16xf32>,
    %get3A_535 = arith.constant 994 : index
    %get3A_536 = tpu.vector_load %arg4[%get3A_535] {strides = array<i32>} : memref<4112xf32, #tpu.memory_space<vmem>>, vector<16xf32>,
    %sub3A_537 = arith.subf %get3A_534, %get3A_536 : vector<16xf32>
    %get3A_538 = arith.constant 993 : index
    %get3A_539 = tpu.vector_load %arg4[%get3A_538] {strides = array<i32>} : memref<4112xf32, #tpu.memory_space<vmem>>, vector<16xf32>,
    %get3A_540 = arith.constant 995 : index
    %get3A_541 = tpu.vector_load %arg4[%get3A_540] {strides = array<i32>} : memref<4112xf32, #tpu.memory_space<vmem>>, vector<16xf32>,
    %sub3A_542 = arith.subf %get3A_539, %get3A_541 : vector<16xf32>
    %mul3A_543 = arith.mulf %sub3A_537, %sub3A_537 : vector<16xf32>
    %mul3A_544 = arith.mulf %sub3A_542, %sub3A_542 : vector<16xf32>
    %add3A_545 = arith.addf %mul3A_543, %mul3A_544 : vector<16xf32>
    %bitcast3A_546 = vector.bitcast %add3A_545 : vector<16xf32> to vector<16xi32>
    %shift_right_arithmetic3A_547 = arith.constant 1 : i32
    %shift_right_arithmetic3A_548 = vector.broadcast %shift_right_arithmetic3A_547 : i32 to vector<16xi32>
    %shift_right_arithmetic3A_549 = arith.shrsi %bitcast3A_546, %shift_right_arithmetic3A_548 : vector<16xi32>
    %sub3A_550 = arith.constant 1597463007 : i32
    %sub3A_551 = vector.broadcast %sub3A_550 : i32 to vector<16xi32>
    %sub3A_552 = arith.subi %sub3A_551, %shift_right_arithmetic3A_549 : vector<16xi32>
    %bitcast3A_553 = vector.bitcast %sub3A_552 : vector<16xi32> to vector<16xf32>
    %mul3A_554 = arith.constant 5.000000e-01 : f32
    %mul3A_555 = vector.broadcast %mul3A_554 : f32 to vector<16xf32>
    %mul3A_556 = arith.mulf %mul3A_555, %add3A_545 : vector<16xf32>
    %mul3A_557 = arith.mulf %mul3A_556, %bitcast3A_553 : vector<16xf32>
    %mul3A_558 = arith.mulf %mul3A_557, %bitcast3A_553 : vector<16xf32>
    %sub3A_559 = arith.constant 1.500000e+00 : f32
    %sub3A_560 = vector.broadcast %sub3A_559 : f32 to vector<16xf32>
    %sub3A_561 = arith.subf %sub3A_560, %mul3A_558 : vector<16xf32>
    %mul3A_562 = arith.mulf %bitcast3A_553, %sub3A_561 : vector<16xf32>
    %mul3A_563 = arith.constant 5.000000e-01 : f32
    %mul3A_564 = vector.broadcast %mul3A_563 : f32 to vector<16xf32>
    %mul3A_565 = arith.mulf %mul3A_564, %add3A_545 : vector<16xf32>
    %mul3A_566 = arith.mulf %mul3A_565, %mul3A_562 : vector<16xf32>
    %mul3A_567 = arith.mulf %mul3A_566, %mul3A_562 : vector<16xf32>
    %sub3A_568 = arith.constant 1.500000e+00 : f32
    %sub3A_569 = vector.broadcast %sub3A_568 : f32 to vector<16xf32>
    %sub3A_570 = arith.subf %sub3A_569, %mul3A_567 : vector<16xf32>
    %mul3A_571 = arith.mulf %mul3A_562, %sub3A_570 : vector<16xf32>
    %mul3A_572 = arith.mulf %add3A_545, %mul3A_571 : vector<16xf32>
    %jit3A_573 = arith.constant 0.000000e+00 : f32
    %broadcast_in_dim3A_574 = vector.broadcast %jit3A_573 : f32 to vector<16xf32>
    %select_n3A_575 = arith.select %eq3A_60, %mul3A_572, %broadcast_in_dim3A_574 : vector<16xi1>, vector<16xf32>
    %add3A_576 = arith.addf %add3A_532, %select_n3A_575 : vector<16xf32>
    %get3A_577 = arith.constant 1008 : index
    %get3A_578 = tpu.vector_load %arg4[%get3A_577] {strides = array<i32>} : memref<4112xf32, #tpu.memory_space<vmem>>, vector<16xf32>,
    %get3A_579 = arith.constant 1010 : index
    %get3A_580 = tpu.vector_load %arg4[%get3A_579] {strides = array<i32>} : memref<4112xf32, #tpu.memory_space<vmem>>, vector<16xf32>,
    %sub3A_581 = arith.subf %get3A_578, %get3A_580 : vector<16xf32>
    %get3A_582 = arith.constant 1009 : index
    %get3A_583 = tpu.vector_load %arg4[%get3A_582] {strides = array<i32>} : memref<4112xf32, #tpu.memory_space<vmem>>, vector<16xf32>,
    %get3A_584 = arith.constant 1011 : index
    %get3A_585 = tpu.vector_load %arg4[%get3A_584] {strides = array<i32>} : memref<4112xf32, #tpu.memory_space<vmem>>, vector<16xf32>,
    %sub3A_586 = arith.subf %get3A_583, %get3A_585 : vector<16xf32>
    %eq3A_587 = arith.constant 14 : i32
    %eq3A_588 = vector.broadcast %eq3A_587 : i32 to vector<16xi32>
    %eq3A_589 = arith.cmpi eq, %iota3A, %eq3A_588 : vector<16xi32>
    %get3A_590 = arith.constant 1008 : index
    %get3A_591 = tpu.vector_load %arg4[%get3A_590] {strides = array<i32>} : memref<4112xf32, #tpu.memory_space<vmem>>, vector<16xf32>,
    %slice3A = vector.extract_strided_slice %get3A_440 {offsets = [0], sizes = [1], strides = [1]} : vector<16xf32> to vector<1xf32>
    %squeeze3A = vector.extract %slice3A[0] : f32 from vector<1xf32>
    %sub3A_592 = vector.broadcast %squeeze3A : f32 to vector<16xf32>
    %sub3A_593 = arith.subf %get3A_591, %sub3A_592 : vector<16xf32>
    %select_n3A_594 = arith.select %eq3A_589, %sub3A_593, %sub3A_581 : vector<16xi1>, vector<16xf32>
    %eq3A_595 = arith.constant 14 : i32
    %eq3A_596 = vector.broadcast %eq3A_595 : i32 to vector<16xi32>
    %eq3A_597 = arith.cmpi eq, %iota3A, %eq3A_596 : vector<16xi32>
    %get3A_598 = arith.constant 1009 : index
    %get3A_599 = tpu.vector_load %arg4[%get3A_598] {strides = array<i32>} : memref<4112xf32, #tpu.memory_space<vmem>>, vector<16xf32>,
    %slice3A_600 = vector.extract_strided_slice %get3A_440 {offsets = [1], sizes = [1], strides = [1]} : vector<16xf32> to vector<1xf32>
    %squeeze3A_601 = vector.extract %slice3A_600[0] : f32 from vector<1xf32>
    %sub3A_602 = vector.broadcast %squeeze3A_601 : f32 to vector<16xf32>
    %sub3A_603 = arith.subf %get3A_599, %sub3A_602 : vector<16xf32>
    %select_n3A_604 = arith.select %eq3A_597, %sub3A_603, %sub3A_586 : vector<16xi1>, vector<16xf32>
    %mul3A_605 = arith.mulf %select_n3A_594, %select_n3A_594 : vector<16xf32>
    %mul3A_606 = arith.mulf %select_n3A_604, %select_n3A_604 : vector<16xf32>
    %add3A_607 = arith.addf %mul3A_605, %mul3A_606 : vector<16xf32>
    %bitcast3A_608 = vector.bitcast %add3A_607 : vector<16xf32> to vector<16xi32>
    %shift_right_arithmetic3A_609 = arith.constant 1 : i32
    %shift_right_arithmetic3A_610 = vector.broadcast %shift_right_arithmetic3A_609 : i32 to vector<16xi32>
    %shift_right_arithmetic3A_611 = arith.shrsi %bitcast3A_608, %shift_right_arithmetic3A_610 : vector<16xi32>
    %sub3A_612 = arith.constant 1597463007 : i32
    %sub3A_613 = vector.broadcast %sub3A_612 : i32 to vector<16xi32>
    %sub3A_614 = arith.subi %sub3A_613, %shift_right_arithmetic3A_611 : vector<16xi32>
    %bitcast3A_615 = vector.bitcast %sub3A_614 : vector<16xi32> to vector<16xf32>
    %mul3A_616 = arith.constant 5.000000e-01 : f32
    %mul3A_617 = vector.broadcast %mul3A_616 : f32 to vector<16xf32>
    %mul3A_618 = arith.mulf %mul3A_617, %add3A_607 : vector<16xf32>
    %mul3A_619 = arith.mulf %mul3A_618, %bitcast3A_615 : vector<16xf32>
    %mul3A_620 = arith.mulf %mul3A_619, %bitcast3A_615 : vector<16xf32>
    %sub3A_621 = arith.constant 1.500000e+00 : f32
    %sub3A_622 = vector.broadcast %sub3A_621 : f32 to vector<16xf32>
    %sub3A_623 = arith.subf %sub3A_622, %mul3A_620 : vector<16xf32>
    %mul3A_624 = arith.mulf %bitcast3A_615, %sub3A_623 : vector<16xf32>
    %mul3A_625 = arith.constant 5.000000e-01 : f32
    %mul3A_626 = vector.broadcast %mul3A_625 : f32 to vector<16xf32>
    %mul3A_627 = arith.mulf %mul3A_626, %add3A_607 : vector<16xf32>
    %mul3A_628 = arith.mulf %mul3A_627, %mul3A_624 : vector<16xf32>
    %mul3A_629 = arith.mulf %mul3A_628, %mul3A_624 : vector<16xf32>
    %sub3A_630 = arith.constant 1.500000e+00 : f32
    %sub3A_631 = vector.broadcast %sub3A_630 : f32 to vector<16xf32>
    %sub3A_632 = arith.subf %sub3A_631, %mul3A_629 : vector<16xf32>
    %mul3A_633 = arith.mulf %mul3A_624, %sub3A_632 : vector<16xf32>
    %mul3A_634 = arith.mulf %add3A_607, %mul3A_633 : vector<16xf32>
    %jit3A_635 = arith.constant 0.000000e+00 : f32
    %broadcast_in_dim3A_636 = vector.broadcast %jit3A_635 : f32 to vector<16xf32>
    %select_n3A_637 = arith.select %eq3A_60, %mul3A_634, %broadcast_in_dim3A_636 : vector<16xi1>, vector<16xf32>
    %add3A_638 = arith.addf %add3A_576, %select_n3A_637 : vector<16xf32>
    %eq3A_639 = arith.constant 0 : i32
    %eq3A_640 = vector.broadcast %eq3A_639 : i32 to vector<16xi32>
    %eq3A_641 = arith.cmpi eq, %iota3A, %eq3A_640 : vector<16xi32>
    %reduce_sum3A_642 = arith.constant true
    %reduce_sum3A_643 = vector.broadcast %reduce_sum3A_642 : i1 to vector<16xi1>
    %reduce_sum3A_644 = tpu.scan <sum>, %add3A_638 masked %reduce_sum3A_643 : vector<16xf32>, vector<16xi1> -> vector<16xf32>
    %reduce_sum3A_645 = vector.extract %reduce_sum3A_644[15] : f32 from vector<16xf32>
    %broadcast_in_dim3A_646 = vector.broadcast %reduce_sum3A_645 : f32 to vector<16xf32>
    %select_n3A_647 = arith.select %eq3A_641, %broadcast_in_dim3A_646, %select_n3A : vector<16xi1>, vector<16xf32>
    %dma_wait3A_648 = arith.constant 1024 : i32
    %dma_wait3A_649 = tpu.memref_slice %arg4[%dma_wait3A_648] : memref<4112xf32, #tpu.memory_space<vmem>> -> memref<1024xf32, #tpu.memory_space<vmem>>
    %dma_wait3A_650 = arith.constant 0 : i32
    %dma_wait3A_651 = tpu.memref_slice %arg2[%add3A_17, %dma_wait3A_650] : memref<128x1024xf32, #tpu.memory_space<hbm>> -> memref<1x1024xf32, #tpu.memory_space<hbm>>
    %dma_wait3A_652 = tpu.memref_squeeze %dma_wait3A_651 : memref<1x1024xf32, #tpu.memory_space<hbm>> -> memref<1024xf32, #tpu.memory_space<hbm>>
    %dma_wait3A_653 = arith.constant 1024 : i32
    %dma_wait3A_654 = tpu.memref_slice %arg4[%dma_wait3A_653] : memref<4112xf32, #tpu.memory_space<vmem>> -> memref<1024xf32, #tpu.memory_space<vmem>>
    %dma_wait3A_655 = arith.constant 0 : i32
    %dma_wait3A_656 = tpu.memref_slice %arg2[%add3A_17, %dma_wait3A_655] : memref<128x1024xf32, #tpu.memory_space<hbm>> -> memref<1x1024xf32, #tpu.memory_space<hbm>>
    %dma_wait3A_657 = tpu.memref_squeeze %dma_wait3A_656 : memref<1x1024xf32, #tpu.memory_space<hbm>> -> memref<1024xf32, #tpu.memory_space<hbm>>
    tpu.wait_dma2 semaphore(%arg7 : memref<!tpu.dma_semaphore, #tpu.memory_space<semaphore_mem>>) src(%dma_wait3A_657 : memref<1024xf32, #tpu.memory_space<hbm>>) dst(%dma_wait3A_654 : memref<1024xf32, #tpu.memory_space<vmem>>)
    %get3A_658 = arith.constant 1024 : index
    %get3A_659 = tpu.vector_load %arg4[%get3A_658] {strides = array<i32>} : memref<4112xf32, #tpu.memory_space<vmem>>, vector<16xf32>,
    %scan3A_660 = arith.constant 0 : i32
    %scan3A_661 = arith.constant 15 : i32
    %scan3A_662 = arith.addi %scan3A_660, %scan3A_661 : i32
    %scan3A_663 = arith.constant 1 : i32
    %scan3A_664 = scf.for %scan3A_1319 = %scan3A_660 to %scan3A_662 step %scan3A_663 iter_args(%scan3A_1320 = %broadcast_in_dim3A_56) -> (vector<16xf32>)  : i32 {
      %mul3A_1321 = arith.constant 64 : i32
      %mul3A_1322 = arith.muli %scan3A_1319, %mul3A_1321 : i32
      %add3A_1323 = arith.constant 1024 : i32
      %add3A_1324 = arith.addi %add3A_1323, %mul3A_1322 : i32
      %get3A_1325 = arith.index_cast %add3A_1324 : i32 to index
      %get3A_1326 = tpu.vector_load %arg4[%get3A_1325] {strides = array<i32>} : memref<4112xf32, #tpu.memory_space<vmem>>, vector<16xf32>,
      %add3A_1327 = arith.constant 2 : i32
      %add3A_1328 = arith.addi %add3A_1324, %add3A_1327 : i32
      %get3A_1329 = arith.index_cast %add3A_1328 : i32 to index
      %get3A_1330 = tpu.vector_load %arg4[%get3A_1329] {strides = array<i32>} : memref<4112xf32, #tpu.memory_space<vmem>>, vector<16xf32>,
      %sub3A_1331 = arith.subf %get3A_1326, %get3A_1330 : vector<16xf32>
      %add3A_1332 = arith.constant 1 : i32
      %add3A_1333 = arith.addi %add3A_1324, %add3A_1332 : i32
      %get3A_1334 = arith.index_cast %add3A_1333 : i32 to index
      %get3A_1335 = tpu.vector_load %arg4[%get3A_1334] {strides = array<i32>} : memref<4112xf32, #tpu.memory_space<vmem>>, vector<16xf32>,
      %add3A_1336 = arith.constant 3 : i32
      %add3A_1337 = arith.addi %add3A_1324, %add3A_1336 : i32
      %get3A_1338 = arith.index_cast %add3A_1337 : i32 to index
      %get3A_1339 = tpu.vector_load %arg4[%get3A_1338] {strides = array<i32>} : memref<4112xf32, #tpu.memory_space<vmem>>, vector<16xf32>,
      %sub3A_1340 = arith.subf %get3A_1335, %get3A_1339 : vector<16xf32>
      %mul3A_1341 = arith.mulf %sub3A_1331, %sub3A_1331 : vector<16xf32>
      %mul3A_1342 = arith.mulf %sub3A_1340, %sub3A_1340 : vector<16xf32>
      %add3A_1343 = arith.addf %mul3A_1341, %mul3A_1342 : vector<16xf32>
      %bitcast3A_1344 = vector.bitcast %add3A_1343 : vector<16xf32> to vector<16xi32>
      %shift_right_arithmetic3A_1345 = arith.constant 1 : i32
      %shift_right_arithmetic3A_1346 = vector.broadcast %shift_right_arithmetic3A_1345 : i32 to vector<16xi32>
      %shift_right_arithmetic3A_1347 = arith.shrsi %bitcast3A_1344, %shift_right_arithmetic3A_1346 : vector<16xi32>
      %sub3A_1348 = arith.constant 1597463007 : i32
      %sub3A_1349 = vector.broadcast %sub3A_1348 : i32 to vector<16xi32>
      %sub3A_1350 = arith.subi %sub3A_1349, %shift_right_arithmetic3A_1347 : vector<16xi32>
      %bitcast3A_1351 = vector.bitcast %sub3A_1350 : vector<16xi32> to vector<16xf32>
      %mul3A_1352 = arith.constant 5.000000e-01 : f32
      %mul3A_1353 = vector.broadcast %mul3A_1352 : f32 to vector<16xf32>
      %mul3A_1354 = arith.mulf %mul3A_1353, %add3A_1343 : vector<16xf32>
      %mul3A_1355 = arith.mulf %mul3A_1354, %bitcast3A_1351 : vector<16xf32>
      %mul3A_1356 = arith.mulf %mul3A_1355, %bitcast3A_1351 : vector<16xf32>
      %sub3A_1357 = arith.constant 1.500000e+00 : f32
      %sub3A_1358 = vector.broadcast %sub3A_1357 : f32 to vector<16xf32>
      %sub3A_1359 = arith.subf %sub3A_1358, %mul3A_1356 : vector<16xf32>
      %mul3A_1360 = arith.mulf %bitcast3A_1351, %sub3A_1359 : vector<16xf32>
      %mul3A_1361 = arith.constant 5.000000e-01 : f32
      %mul3A_1362 = vector.broadcast %mul3A_1361 : f32 to vector<16xf32>
      %mul3A_1363 = arith.mulf %mul3A_1362, %add3A_1343 : vector<16xf32>
      %mul3A_1364 = arith.mulf %mul3A_1363, %mul3A_1360 : vector<16xf32>
      %mul3A_1365 = arith.mulf %mul3A_1364, %mul3A_1360 : vector<16xf32>
      %sub3A_1366 = arith.constant 1.500000e+00 : f32
      %sub3A_1367 = vector.broadcast %sub3A_1366 : f32 to vector<16xf32>
      %sub3A_1368 = arith.subf %sub3A_1367, %mul3A_1365 : vector<16xf32>
      %mul3A_1369 = arith.mulf %mul3A_1360, %sub3A_1368 : vector<16xf32>
      %mul3A_1370 = arith.mulf %add3A_1343, %mul3A_1369 : vector<16xf32>
      %jit3A_1371 = arith.constant 0.000000e+00 : f32
      %broadcast_in_dim3A_1372 = vector.broadcast %jit3A_1371 : f32 to vector<16xf32>
      %select_n3A_1373 = arith.select %eq3A_60, %mul3A_1370, %broadcast_in_dim3A_1372 : vector<16xi1>, vector<16xf32>
      %add3A_1374 = arith.addf %scan3A_1320, %select_n3A_1373 : vector<16xf32>
      %add3A_1375 = arith.constant 16 : i32
      %add3A_1376 = arith.addi %add3A_1324, %add3A_1375 : i32
      %get3A_1377 = arith.index_cast %add3A_1376 : i32 to index
      %get3A_1378 = tpu.vector_load %arg4[%get3A_1377] {strides = array<i32>} : memref<4112xf32, #tpu.memory_space<vmem>>, vector<16xf32>,
      %add3A_1379 = arith.constant 2 : i32
      %add3A_1380 = arith.addi %add3A_1376, %add3A_1379 : i32
      %get3A_1381 = arith.index_cast %add3A_1380 : i32 to index
      %get3A_1382 = tpu.vector_load %arg4[%get3A_1381] {strides = array<i32>} : memref<4112xf32, #tpu.memory_space<vmem>>, vector<16xf32>,
      %sub3A_1383 = arith.subf %get3A_1378, %get3A_1382 : vector<16xf32>
      %add3A_1384 = arith.constant 1 : i32
      %add3A_1385 = arith.addi %add3A_1376, %add3A_1384 : i32
      %get3A_1386 = arith.index_cast %add3A_1385 : i32 to index
      %get3A_1387 = tpu.vector_load %arg4[%get3A_1386] {strides = array<i32>} : memref<4112xf32, #tpu.memory_space<vmem>>, vector<16xf32>,
      %add3A_1388 = arith.constant 3 : i32
      %add3A_1389 = arith.addi %add3A_1376, %add3A_1388 : i32
      %get3A_1390 = arith.index_cast %add3A_1389 : i32 to index
      %get3A_1391 = tpu.vector_load %arg4[%get3A_1390] {strides = array<i32>} : memref<4112xf32, #tpu.memory_space<vmem>>, vector<16xf32>,
      %sub3A_1392 = arith.subf %get3A_1387, %get3A_1391 : vector<16xf32>
      %mul3A_1393 = arith.mulf %sub3A_1383, %sub3A_1383 : vector<16xf32>
      %mul3A_1394 = arith.mulf %sub3A_1392, %sub3A_1392 : vector<16xf32>
      %add3A_1395 = arith.addf %mul3A_1393, %mul3A_1394 : vector<16xf32>
      %bitcast3A_1396 = vector.bitcast %add3A_1395 : vector<16xf32> to vector<16xi32>
      %shift_right_arithmetic3A_1397 = arith.constant 1 : i32
      %shift_right_arithmetic3A_1398 = vector.broadcast %shift_right_arithmetic3A_1397 : i32 to vector<16xi32>
      %shift_right_arithmetic3A_1399 = arith.shrsi %bitcast3A_1396, %shift_right_arithmetic3A_1398 : vector<16xi32>
      %sub3A_1400 = arith.constant 1597463007 : i32
      %sub3A_1401 = vector.broadcast %sub3A_1400 : i32 to vector<16xi32>
      %sub3A_1402 = arith.subi %sub3A_1401, %shift_right_arithmetic3A_1399 : vector<16xi32>
      %bitcast3A_1403 = vector.bitcast %sub3A_1402 : vector<16xi32> to vector<16xf32>
      %mul3A_1404 = arith.constant 5.000000e-01 : f32
      %mul3A_1405 = vector.broadcast %mul3A_1404 : f32 to vector<16xf32>
      %mul3A_1406 = arith.mulf %mul3A_1405, %add3A_1395 : vector<16xf32>
      %mul3A_1407 = arith.mulf %mul3A_1406, %bitcast3A_1403 : vector<16xf32>
      %mul3A_1408 = arith.mulf %mul3A_1407, %bitcast3A_1403 : vector<16xf32>
      %sub3A_1409 = arith.constant 1.500000e+00 : f32
      %sub3A_1410 = vector.broadcast %sub3A_1409 : f32 to vector<16xf32>
      %sub3A_1411 = arith.subf %sub3A_1410, %mul3A_1408 : vector<16xf32>
      %mul3A_1412 = arith.mulf %bitcast3A_1403, %sub3A_1411 : vector<16xf32>
      %mul3A_1413 = arith.constant 5.000000e-01 : f32
      %mul3A_1414 = vector.broadcast %mul3A_1413 : f32 to vector<16xf32>
      %mul3A_1415 = arith.mulf %mul3A_1414, %add3A_1395 : vector<16xf32>
      %mul3A_1416 = arith.mulf %mul3A_1415, %mul3A_1412 : vector<16xf32>
      %mul3A_1417 = arith.mulf %mul3A_1416, %mul3A_1412 : vector<16xf32>
      %sub3A_1418 = arith.constant 1.500000e+00 : f32
      %sub3A_1419 = vector.broadcast %sub3A_1418 : f32 to vector<16xf32>
      %sub3A_1420 = arith.subf %sub3A_1419, %mul3A_1417 : vector<16xf32>
      %mul3A_1421 = arith.mulf %mul3A_1412, %sub3A_1420 : vector<16xf32>
      %mul3A_1422 = arith.mulf %add3A_1395, %mul3A_1421 : vector<16xf32>
      %jit3A_1423 = arith.constant 0.000000e+00 : f32
      %broadcast_in_dim3A_1424 = vector.broadcast %jit3A_1423 : f32 to vector<16xf32>
      %select_n3A_1425 = arith.select %eq3A_60, %mul3A_1422, %broadcast_in_dim3A_1424 : vector<16xi1>, vector<16xf32>
      %add3A_1426 = arith.addf %add3A_1374, %select_n3A_1425 : vector<16xf32>
      %add3A_1427 = arith.constant 32 : i32
      %add3A_1428 = arith.addi %add3A_1324, %add3A_1427 : i32
      %get3A_1429 = arith.index_cast %add3A_1428 : i32 to index
      %get3A_1430 = tpu.vector_load %arg4[%get3A_1429] {strides = array<i32>} : memref<4112xf32, #tpu.memory_space<vmem>>, vector<16xf32>,
      %add3A_1431 = arith.constant 2 : i32
      %add3A_1432 = arith.addi %add3A_1428, %add3A_1431 : i32
      %get3A_1433 = arith.index_cast %add3A_1432 : i32 to index
      %get3A_1434 = tpu.vector_load %arg4[%get3A_1433] {strides = array<i32>} : memref<4112xf32, #tpu.memory_space<vmem>>, vector<16xf32>,
      %sub3A_1435 = arith.subf %get3A_1430, %get3A_1434 : vector<16xf32>
      %add3A_1436 = arith.constant 1 : i32
      %add3A_1437 = arith.addi %add3A_1428, %add3A_1436 : i32
      %get3A_1438 = arith.index_cast %add3A_1437 : i32 to index
      %get3A_1439 = tpu.vector_load %arg4[%get3A_1438] {strides = array<i32>} : memref<4112xf32, #tpu.memory_space<vmem>>, vector<16xf32>,
      %add3A_1440 = arith.constant 3 : i32
      %add3A_1441 = arith.addi %add3A_1428, %add3A_1440 : i32
      %get3A_1442 = arith.index_cast %add3A_1441 : i32 to index
      %get3A_1443 = tpu.vector_load %arg4[%get3A_1442] {strides = array<i32>} : memref<4112xf32, #tpu.memory_space<vmem>>, vector<16xf32>,
      %sub3A_1444 = arith.subf %get3A_1439, %get3A_1443 : vector<16xf32>
      %mul3A_1445 = arith.mulf %sub3A_1435, %sub3A_1435 : vector<16xf32>
      %mul3A_1446 = arith.mulf %sub3A_1444, %sub3A_1444 : vector<16xf32>
      %add3A_1447 = arith.addf %mul3A_1445, %mul3A_1446 : vector<16xf32>
      %bitcast3A_1448 = vector.bitcast %add3A_1447 : vector<16xf32> to vector<16xi32>
      %shift_right_arithmetic3A_1449 = arith.constant 1 : i32
      %shift_right_arithmetic3A_1450 = vector.broadcast %shift_right_arithmetic3A_1449 : i32 to vector<16xi32>
      %shift_right_arithmetic3A_1451 = arith.shrsi %bitcast3A_1448, %shift_right_arithmetic3A_1450 : vector<16xi32>
      %sub3A_1452 = arith.constant 1597463007 : i32
      %sub3A_1453 = vector.broadcast %sub3A_1452 : i32 to vector<16xi32>
      %sub3A_1454 = arith.subi %sub3A_1453, %shift_right_arithmetic3A_1451 : vector<16xi32>
      %bitcast3A_1455 = vector.bitcast %sub3A_1454 : vector<16xi32> to vector<16xf32>
      %mul3A_1456 = arith.constant 5.000000e-01 : f32
      %mul3A_1457 = vector.broadcast %mul3A_1456 : f32 to vector<16xf32>
      %mul3A_1458 = arith.mulf %mul3A_1457, %add3A_1447 : vector<16xf32>
      %mul3A_1459 = arith.mulf %mul3A_1458, %bitcast3A_1455 : vector<16xf32>
      %mul3A_1460 = arith.mulf %mul3A_1459, %bitcast3A_1455 : vector<16xf32>
      %sub3A_1461 = arith.constant 1.500000e+00 : f32
      %sub3A_1462 = vector.broadcast %sub3A_1461 : f32 to vector<16xf32>
      %sub3A_1463 = arith.subf %sub3A_1462, %mul3A_1460 : vector<16xf32>
      %mul3A_1464 = arith.mulf %bitcast3A_1455, %sub3A_1463 : vector<16xf32>
      %mul3A_1465 = arith.constant 5.000000e-01 : f32
      %mul3A_1466 = vector.broadcast %mul3A_1465 : f32 to vector<16xf32>
      %mul3A_1467 = arith.mulf %mul3A_1466, %add3A_1447 : vector<16xf32>
      %mul3A_1468 = arith.mulf %mul3A_1467, %mul3A_1464 : vector<16xf32>
      %mul3A_1469 = arith.mulf %mul3A_1468, %mul3A_1464 : vector<16xf32>
      %sub3A_1470 = arith.constant 1.500000e+00 : f32
      %sub3A_1471 = vector.broadcast %sub3A_1470 : f32 to vector<16xf32>
      %sub3A_1472 = arith.subf %sub3A_1471, %mul3A_1469 : vector<16xf32>
      %mul3A_1473 = arith.mulf %mul3A_1464, %sub3A_1472 : vector<16xf32>
      %mul3A_1474 = arith.mulf %add3A_1447, %mul3A_1473 : vector<16xf32>
      %jit3A_1475 = arith.constant 0.000000e+00 : f32
      %broadcast_in_dim3A_1476 = vector.broadcast %jit3A_1475 : f32 to vector<16xf32>
      %select_n3A_1477 = arith.select %eq3A_60, %mul3A_1474, %broadcast_in_dim3A_1476 : vector<16xi1>, vector<16xf32>
      %add3A_1478 = arith.addf %add3A_1426, %select_n3A_1477 : vector<16xf32>
      %add3A_1479 = arith.constant 48 : i32
      %add3A_1480 = arith.addi %add3A_1324, %add3A_1479 : i32
      %get3A_1481 = arith.index_cast %add3A_1480 : i32 to index
      %get3A_1482 = tpu.vector_load %arg4[%get3A_1481] {strides = array<i32>} : memref<4112xf32, #tpu.memory_space<vmem>>, vector<16xf32>,
      %add3A_1483 = arith.constant 2 : i32
      %add3A_1484 = arith.addi %add3A_1480, %add3A_1483 : i32
      %get3A_1485 = arith.index_cast %add3A_1484 : i32 to index
      %get3A_1486 = tpu.vector_load %arg4[%get3A_1485] {strides = array<i32>} : memref<4112xf32, #tpu.memory_space<vmem>>, vector<16xf32>,
      %sub3A_1487 = arith.subf %get3A_1482, %get3A_1486 : vector<16xf32>
      %add3A_1488 = arith.constant 1 : i32
      %add3A_1489 = arith.addi %add3A_1480, %add3A_1488 : i32
      %get3A_1490 = arith.index_cast %add3A_1489 : i32 to index
      %get3A_1491 = tpu.vector_load %arg4[%get3A_1490] {strides = array<i32>} : memref<4112xf32, #tpu.memory_space<vmem>>, vector<16xf32>,
      %add3A_1492 = arith.constant 3 : i32
      %add3A_1493 = arith.addi %add3A_1480, %add3A_1492 : i32
      %get3A_1494 = arith.index_cast %add3A_1493 : i32 to index
      %get3A_1495 = tpu.vector_load %arg4[%get3A_1494] {strides = array<i32>} : memref<4112xf32, #tpu.memory_space<vmem>>, vector<16xf32>,
      %sub3A_1496 = arith.subf %get3A_1491, %get3A_1495 : vector<16xf32>
      %mul3A_1497 = arith.mulf %sub3A_1487, %sub3A_1487 : vector<16xf32>
      %mul3A_1498 = arith.mulf %sub3A_1496, %sub3A_1496 : vector<16xf32>
      %add3A_1499 = arith.addf %mul3A_1497, %mul3A_1498 : vector<16xf32>
      %bitcast3A_1500 = vector.bitcast %add3A_1499 : vector<16xf32> to vector<16xi32>
      %shift_right_arithmetic3A_1501 = arith.constant 1 : i32
      %shift_right_arithmetic3A_1502 = vector.broadcast %shift_right_arithmetic3A_1501 : i32 to vector<16xi32>
      %shift_right_arithmetic3A_1503 = arith.shrsi %bitcast3A_1500, %shift_right_arithmetic3A_1502 : vector<16xi32>
      %sub3A_1504 = arith.constant 1597463007 : i32
      %sub3A_1505 = vector.broadcast %sub3A_1504 : i32 to vector<16xi32>
      %sub3A_1506 = arith.subi %sub3A_1505, %shift_right_arithmetic3A_1503 : vector<16xi32>
      %bitcast3A_1507 = vector.bitcast %sub3A_1506 : vector<16xi32> to vector<16xf32>
      %mul3A_1508 = arith.constant 5.000000e-01 : f32
      %mul3A_1509 = vector.broadcast %mul3A_1508 : f32 to vector<16xf32>
      %mul3A_1510 = arith.mulf %mul3A_1509, %add3A_1499 : vector<16xf32>
      %mul3A_1511 = arith.mulf %mul3A_1510, %bitcast3A_1507 : vector<16xf32>
      %mul3A_1512 = arith.mulf %mul3A_1511, %bitcast3A_1507 : vector<16xf32>
      %sub3A_1513 = arith.constant 1.500000e+00 : f32
      %sub3A_1514 = vector.broadcast %sub3A_1513 : f32 to vector<16xf32>
      %sub3A_1515 = arith.subf %sub3A_1514, %mul3A_1512 : vector<16xf32>
      %mul3A_1516 = arith.mulf %bitcast3A_1507, %sub3A_1515 : vector<16xf32>
      %mul3A_1517 = arith.constant 5.000000e-01 : f32
      %mul3A_1518 = vector.broadcast %mul3A_1517 : f32 to vector<16xf32>
      %mul3A_1519 = arith.mulf %mul3A_1518, %add3A_1499 : vector<16xf32>
      %mul3A_1520 = arith.mulf %mul3A_1519, %mul3A_1516 : vector<16xf32>
      %mul3A_1521 = arith.mulf %mul3A_1520, %mul3A_1516 : vector<16xf32>
      %sub3A_1522 = arith.constant 1.500000e+00 : f32
      %sub3A_1523 = vector.broadcast %sub3A_1522 : f32 to vector<16xf32>
      %sub3A_1524 = arith.subf %sub3A_1523, %mul3A_1521 : vector<16xf32>
      %mul3A_1525 = arith.mulf %mul3A_1516, %sub3A_1524 : vector<16xf32>
      %mul3A_1526 = arith.mulf %add3A_1499, %mul3A_1525 : vector<16xf32>
      %jit3A_1527 = arith.constant 0.000000e+00 : f32
      %broadcast_in_dim3A_1528 = vector.broadcast %jit3A_1527 : f32 to vector<16xf32>
      %select_n3A_1529 = arith.select %eq3A_60, %mul3A_1526, %broadcast_in_dim3A_1528 : vector<16xi1>, vector<16xf32>
      %add3A_1530 = arith.addf %add3A_1478, %select_n3A_1529 : vector<16xf32>
      scf.yield %add3A_1530 : vector<16xf32>
    }
    %scan3A_665 = arith.constant 15 : i32
    %get3A_666 = arith.constant 1984 : index
    %get3A_667 = tpu.vector_load %arg4[%get3A_666] {strides = array<i32>} : memref<4112xf32, #tpu.memory_space<vmem>>, vector<16xf32>,
    %get3A_668 = arith.constant 1986 : index
    %get3A_669 = tpu.vector_load %arg4[%get3A_668] {strides = array<i32>} : memref<4112xf32, #tpu.memory_space<vmem>>, vector<16xf32>,
    %sub3A_670 = arith.subf %get3A_667, %get3A_669 : vector<16xf32>
    %get3A_671 = arith.constant 1985 : index
    %get3A_672 = tpu.vector_load %arg4[%get3A_671] {strides = array<i32>} : memref<4112xf32, #tpu.memory_space<vmem>>, vector<16xf32>,
    %get3A_673 = arith.constant 1987 : index
    %get3A_674 = tpu.vector_load %arg4[%get3A_673] {strides = array<i32>} : memref<4112xf32, #tpu.memory_space<vmem>>, vector<16xf32>,
    %sub3A_675 = arith.subf %get3A_672, %get3A_674 : vector<16xf32>
    %mul3A_676 = arith.mulf %sub3A_670, %sub3A_670 : vector<16xf32>
    %mul3A_677 = arith.mulf %sub3A_675, %sub3A_675 : vector<16xf32>
    %add3A_678 = arith.addf %mul3A_676, %mul3A_677 : vector<16xf32>
    %bitcast3A_679 = vector.bitcast %add3A_678 : vector<16xf32> to vector<16xi32>
    %shift_right_arithmetic3A_680 = arith.constant 1 : i32
    %shift_right_arithmetic3A_681 = vector.broadcast %shift_right_arithmetic3A_680 : i32 to vector<16xi32>
    %shift_right_arithmetic3A_682 = arith.shrsi %bitcast3A_679, %shift_right_arithmetic3A_681 : vector<16xi32>
    %sub3A_683 = arith.constant 1597463007 : i32
    %sub3A_684 = vector.broadcast %sub3A_683 : i32 to vector<16xi32>
    %sub3A_685 = arith.subi %sub3A_684, %shift_right_arithmetic3A_682 : vector<16xi32>
    %bitcast3A_686 = vector.bitcast %sub3A_685 : vector<16xi32> to vector<16xf32>
    %mul3A_687 = arith.constant 5.000000e-01 : f32
    %mul3A_688 = vector.broadcast %mul3A_687 : f32 to vector<16xf32>
    %mul3A_689 = arith.mulf %mul3A_688, %add3A_678 : vector<16xf32>
    %mul3A_690 = arith.mulf %mul3A_689, %bitcast3A_686 : vector<16xf32>
    %mul3A_691 = arith.mulf %mul3A_690, %bitcast3A_686 : vector<16xf32>
    %sub3A_692 = arith.constant 1.500000e+00 : f32
    %sub3A_693 = vector.broadcast %sub3A_692 : f32 to vector<16xf32>
    %sub3A_694 = arith.subf %sub3A_693, %mul3A_691 : vector<16xf32>
    %mul3A_695 = arith.mulf %bitcast3A_686, %sub3A_694 : vector<16xf32>
    %mul3A_696 = arith.constant 5.000000e-01 : f32
    %mul3A_697 = vector.broadcast %mul3A_696 : f32 to vector<16xf32>
    %mul3A_698 = arith.mulf %mul3A_697, %add3A_678 : vector<16xf32>
    %mul3A_699 = arith.mulf %mul3A_698, %mul3A_695 : vector<16xf32>
    %mul3A_700 = arith.mulf %mul3A_699, %mul3A_695 : vector<16xf32>
    %sub3A_701 = arith.constant 1.500000e+00 : f32
    %sub3A_702 = vector.broadcast %sub3A_701 : f32 to vector<16xf32>
    %sub3A_703 = arith.subf %sub3A_702, %mul3A_700 : vector<16xf32>
    %mul3A_704 = arith.mulf %mul3A_695, %sub3A_703 : vector<16xf32>
    %mul3A_705 = arith.mulf %add3A_678, %mul3A_704 : vector<16xf32>
    %jit3A_706 = arith.constant 0.000000e+00 : f32
    %broadcast_in_dim3A_707 = vector.broadcast %jit3A_706 : f32 to vector<16xf32>
    %select_n3A_708 = arith.select %eq3A_60, %mul3A_705, %broadcast_in_dim3A_707 : vector<16xi1>, vector<16xf32>
    %add3A_709 = arith.addf %scan3A_664, %select_n3A_708 : vector<16xf32>
    %get3A_710 = arith.constant 2000 : index
    %get3A_711 = tpu.vector_load %arg4[%get3A_710] {strides = array<i32>} : memref<4112xf32, #tpu.memory_space<vmem>>, vector<16xf32>,
    %get3A_712 = arith.constant 2002 : index
    %get3A_713 = tpu.vector_load %arg4[%get3A_712] {strides = array<i32>} : memref<4112xf32, #tpu.memory_space<vmem>>, vector<16xf32>,
    %sub3A_714 = arith.subf %get3A_711, %get3A_713 : vector<16xf32>
    %get3A_715 = arith.constant 2001 : index
    %get3A_716 = tpu.vector_load %arg4[%get3A_715] {strides = array<i32>} : memref<4112xf32, #tpu.memory_space<vmem>>, vector<16xf32>,
    %get3A_717 = arith.constant 2003 : index
    %get3A_718 = tpu.vector_load %arg4[%get3A_717] {strides = array<i32>} : memref<4112xf32, #tpu.memory_space<vmem>>, vector<16xf32>,
    %sub3A_719 = arith.subf %get3A_716, %get3A_718 : vector<16xf32>
    %mul3A_720 = arith.mulf %sub3A_714, %sub3A_714 : vector<16xf32>
    %mul3A_721 = arith.mulf %sub3A_719, %sub3A_719 : vector<16xf32>
    %add3A_722 = arith.addf %mul3A_720, %mul3A_721 : vector<16xf32>
    %bitcast3A_723 = vector.bitcast %add3A_722 : vector<16xf32> to vector<16xi32>
    %shift_right_arithmetic3A_724 = arith.constant 1 : i32
    %shift_right_arithmetic3A_725 = vector.broadcast %shift_right_arithmetic3A_724 : i32 to vector<16xi32>
    %shift_right_arithmetic3A_726 = arith.shrsi %bitcast3A_723, %shift_right_arithmetic3A_725 : vector<16xi32>
    %sub3A_727 = arith.constant 1597463007 : i32
    %sub3A_728 = vector.broadcast %sub3A_727 : i32 to vector<16xi32>
    %sub3A_729 = arith.subi %sub3A_728, %shift_right_arithmetic3A_726 : vector<16xi32>
    %bitcast3A_730 = vector.bitcast %sub3A_729 : vector<16xi32> to vector<16xf32>
    %mul3A_731 = arith.constant 5.000000e-01 : f32
    %mul3A_732 = vector.broadcast %mul3A_731 : f32 to vector<16xf32>
    %mul3A_733 = arith.mulf %mul3A_732, %add3A_722 : vector<16xf32>
    %mul3A_734 = arith.mulf %mul3A_733, %bitcast3A_730 : vector<16xf32>
    %mul3A_735 = arith.mulf %mul3A_734, %bitcast3A_730 : vector<16xf32>
    %sub3A_736 = arith.constant 1.500000e+00 : f32
    %sub3A_737 = vector.broadcast %sub3A_736 : f32 to vector<16xf32>
    %sub3A_738 = arith.subf %sub3A_737, %mul3A_735 : vector<16xf32>
    %mul3A_739 = arith.mulf %bitcast3A_730, %sub3A_738 : vector<16xf32>
    %mul3A_740 = arith.constant 5.000000e-01 : f32
    %mul3A_741 = vector.broadcast %mul3A_740 : f32 to vector<16xf32>
    %mul3A_742 = arith.mulf %mul3A_741, %add3A_722 : vector<16xf32>
    %mul3A_743 = arith.mulf %mul3A_742, %mul3A_739 : vector<16xf32>
    %mul3A_744 = arith.mulf %mul3A_743, %mul3A_739 : vector<16xf32>
    %sub3A_745 = arith.constant 1.500000e+00 : f32
    %sub3A_746 = vector.broadcast %sub3A_745 : f32 to vector<16xf32>
    %sub3A_747 = arith.subf %sub3A_746, %mul3A_744 : vector<16xf32>
    %mul3A_748 = arith.mulf %mul3A_739, %sub3A_747 : vector<16xf32>
    %mul3A_749 = arith.mulf %add3A_722, %mul3A_748 : vector<16xf32>
    %jit3A_750 = arith.constant 0.000000e+00 : f32
    %broadcast_in_dim3A_751 = vector.broadcast %jit3A_750 : f32 to vector<16xf32>
    %select_n3A_752 = arith.select %eq3A_60, %mul3A_749, %broadcast_in_dim3A_751 : vector<16xi1>, vector<16xf32>
    %add3A_753 = arith.addf %add3A_709, %select_n3A_752 : vector<16xf32>
    %get3A_754 = arith.constant 2016 : index
    %get3A_755 = tpu.vector_load %arg4[%get3A_754] {strides = array<i32>} : memref<4112xf32, #tpu.memory_space<vmem>>, vector<16xf32>,
    %get3A_756 = arith.constant 2018 : index
    %get3A_757 = tpu.vector_load %arg4[%get3A_756] {strides = array<i32>} : memref<4112xf32, #tpu.memory_space<vmem>>, vector<16xf32>,
    %sub3A_758 = arith.subf %get3A_755, %get3A_757 : vector<16xf32>
    %get3A_759 = arith.constant 2017 : index
    %get3A_760 = tpu.vector_load %arg4[%get3A_759] {strides = array<i32>} : memref<4112xf32, #tpu.memory_space<vmem>>, vector<16xf32>,
    %get3A_761 = arith.constant 2019 : index
    %get3A_762 = tpu.vector_load %arg4[%get3A_761] {strides = array<i32>} : memref<4112xf32, #tpu.memory_space<vmem>>, vector<16xf32>,
    %sub3A_763 = arith.subf %get3A_760, %get3A_762 : vector<16xf32>
    %mul3A_764 = arith.mulf %sub3A_758, %sub3A_758 : vector<16xf32>
    %mul3A_765 = arith.mulf %sub3A_763, %sub3A_763 : vector<16xf32>
    %add3A_766 = arith.addf %mul3A_764, %mul3A_765 : vector<16xf32>
    %bitcast3A_767 = vector.bitcast %add3A_766 : vector<16xf32> to vector<16xi32>
    %shift_right_arithmetic3A_768 = arith.constant 1 : i32
    %shift_right_arithmetic3A_769 = vector.broadcast %shift_right_arithmetic3A_768 : i32 to vector<16xi32>
    %shift_right_arithmetic3A_770 = arith.shrsi %bitcast3A_767, %shift_right_arithmetic3A_769 : vector<16xi32>
    %sub3A_771 = arith.constant 1597463007 : i32
    %sub3A_772 = vector.broadcast %sub3A_771 : i32 to vector<16xi32>
    %sub3A_773 = arith.subi %sub3A_772, %shift_right_arithmetic3A_770 : vector<16xi32>
    %bitcast3A_774 = vector.bitcast %sub3A_773 : vector<16xi32> to vector<16xf32>
    %mul3A_775 = arith.constant 5.000000e-01 : f32
    %mul3A_776 = vector.broadcast %mul3A_775 : f32 to vector<16xf32>
    %mul3A_777 = arith.mulf %mul3A_776, %add3A_766 : vector<16xf32>
    %mul3A_778 = arith.mulf %mul3A_777, %bitcast3A_774 : vector<16xf32>
    %mul3A_779 = arith.mulf %mul3A_778, %bitcast3A_774 : vector<16xf32>
    %sub3A_780 = arith.constant 1.500000e+00 : f32
    %sub3A_781 = vector.broadcast %sub3A_780 : f32 to vector<16xf32>
    %sub3A_782 = arith.subf %sub3A_781, %mul3A_779 : vector<16xf32>
    %mul3A_783 = arith.mulf %bitcast3A_774, %sub3A_782 : vector<16xf32>
    %mul3A_784 = arith.constant 5.000000e-01 : f32
    %mul3A_785 = vector.broadcast %mul3A_784 : f32 to vector<16xf32>
    %mul3A_786 = arith.mulf %mul3A_785, %add3A_766 : vector<16xf32>
    %mul3A_787 = arith.mulf %mul3A_786, %mul3A_783 : vector<16xf32>
    %mul3A_788 = arith.mulf %mul3A_787, %mul3A_783 : vector<16xf32>
    %sub3A_789 = arith.constant 1.500000e+00 : f32
    %sub3A_790 = vector.broadcast %sub3A_789 : f32 to vector<16xf32>
    %sub3A_791 = arith.subf %sub3A_790, %mul3A_788 : vector<16xf32>
    %mul3A_792 = arith.mulf %mul3A_783, %sub3A_791 : vector<16xf32>
    %mul3A_793 = arith.mulf %add3A_766, %mul3A_792 : vector<16xf32>
    %jit3A_794 = arith.constant 0.000000e+00 : f32
    %broadcast_in_dim3A_795 = vector.broadcast %jit3A_794 : f32 to vector<16xf32>
    %select_n3A_796 = arith.select %eq3A_60, %mul3A_793, %broadcast_in_dim3A_795 : vector<16xi1>, vector<16xf32>
    %add3A_797 = arith.addf %add3A_753, %select_n3A_796 : vector<16xf32>
    %get3A_798 = arith.constant 2032 : index
    %get3A_799 = tpu.vector_load %arg4[%get3A_798] {strides = array<i32>} : memref<4112xf32, #tpu.memory_space<vmem>>, vector<16xf32>,
    %get3A_800 = arith.constant 2034 : index
    %get3A_801 = tpu.vector_load %arg4[%get3A_800] {strides = array<i32>} : memref<4112xf32, #tpu.memory_space<vmem>>, vector<16xf32>,
    %sub3A_802 = arith.subf %get3A_799, %get3A_801 : vector<16xf32>
    %get3A_803 = arith.constant 2033 : index
    %get3A_804 = tpu.vector_load %arg4[%get3A_803] {strides = array<i32>} : memref<4112xf32, #tpu.memory_space<vmem>>, vector<16xf32>,
    %get3A_805 = arith.constant 2035 : index
    %get3A_806 = tpu.vector_load %arg4[%get3A_805] {strides = array<i32>} : memref<4112xf32, #tpu.memory_space<vmem>>, vector<16xf32>,
    %sub3A_807 = arith.subf %get3A_804, %get3A_806 : vector<16xf32>
    %eq3A_808 = arith.constant 14 : i32
    %eq3A_809 = vector.broadcast %eq3A_808 : i32 to vector<16xi32>
    %eq3A_810 = arith.cmpi eq, %iota3A, %eq3A_809 : vector<16xi32>
    %get3A_811 = arith.constant 2032 : index
    %get3A_812 = tpu.vector_load %arg4[%get3A_811] {strides = array<i32>} : memref<4112xf32, #tpu.memory_space<vmem>>, vector<16xf32>,
    %slice3A_813 = vector.extract_strided_slice %get3A_659 {offsets = [0], sizes = [1], strides = [1]} : vector<16xf32> to vector<1xf32>
    %squeeze3A_814 = vector.extract %slice3A_813[0] : f32 from vector<1xf32>
    %sub3A_815 = vector.broadcast %squeeze3A_814 : f32 to vector<16xf32>
    %sub3A_816 = arith.subf %get3A_812, %sub3A_815 : vector<16xf32>
    %select_n3A_817 = arith.select %eq3A_810, %sub3A_816, %sub3A_802 : vector<16xi1>, vector<16xf32>
    %eq3A_818 = arith.constant 14 : i32
    %eq3A_819 = vector.broadcast %eq3A_818 : i32 to vector<16xi32>
    %eq3A_820 = arith.cmpi eq, %iota3A, %eq3A_819 : vector<16xi32>
    %get3A_821 = arith.constant 2033 : index
    %get3A_822 = tpu.vector_load %arg4[%get3A_821] {strides = array<i32>} : memref<4112xf32, #tpu.memory_space<vmem>>, vector<16xf32>,
    %slice3A_823 = vector.extract_strided_slice %get3A_659 {offsets = [1], sizes = [1], strides = [1]} : vector<16xf32> to vector<1xf32>
    %squeeze3A_824 = vector.extract %slice3A_823[0] : f32 from vector<1xf32>
    %sub3A_825 = vector.broadcast %squeeze3A_824 : f32 to vector<16xf32>
    %sub3A_826 = arith.subf %get3A_822, %sub3A_825 : vector<16xf32>
    %select_n3A_827 = arith.select %eq3A_820, %sub3A_826, %sub3A_807 : vector<16xi1>, vector<16xf32>
    %mul3A_828 = arith.mulf %select_n3A_817, %select_n3A_817 : vector<16xf32>
    %mul3A_829 = arith.mulf %select_n3A_827, %select_n3A_827 : vector<16xf32>
    %add3A_830 = arith.addf %mul3A_828, %mul3A_829 : vector<16xf32>
    %bitcast3A_831 = vector.bitcast %add3A_830 : vector<16xf32> to vector<16xi32>
    %shift_right_arithmetic3A_832 = arith.constant 1 : i32
    %shift_right_arithmetic3A_833 = vector.broadcast %shift_right_arithmetic3A_832 : i32 to vector<16xi32>
    %shift_right_arithmetic3A_834 = arith.shrsi %bitcast3A_831, %shift_right_arithmetic3A_833 : vector<16xi32>
    %sub3A_835 = arith.constant 1597463007 : i32
    %sub3A_836 = vector.broadcast %sub3A_835 : i32 to vector<16xi32>
    %sub3A_837 = arith.subi %sub3A_836, %shift_right_arithmetic3A_834 : vector<16xi32>
    %bitcast3A_838 = vector.bitcast %sub3A_837 : vector<16xi32> to vector<16xf32>
    %mul3A_839 = arith.constant 5.000000e-01 : f32
    %mul3A_840 = vector.broadcast %mul3A_839 : f32 to vector<16xf32>
    %mul3A_841 = arith.mulf %mul3A_840, %add3A_830 : vector<16xf32>
    %mul3A_842 = arith.mulf %mul3A_841, %bitcast3A_838 : vector<16xf32>
    %mul3A_843 = arith.mulf %mul3A_842, %bitcast3A_838 : vector<16xf32>
    %sub3A_844 = arith.constant 1.500000e+00 : f32
    %sub3A_845 = vector.broadcast %sub3A_844 : f32 to vector<16xf32>
    %sub3A_846 = arith.subf %sub3A_845, %mul3A_843 : vector<16xf32>
    %mul3A_847 = arith.mulf %bitcast3A_838, %sub3A_846 : vector<16xf32>
    %mul3A_848 = arith.constant 5.000000e-01 : f32
    %mul3A_849 = vector.broadcast %mul3A_848 : f32 to vector<16xf32>
    %mul3A_850 = arith.mulf %mul3A_849, %add3A_830 : vector<16xf32>
    %mul3A_851 = arith.mulf %mul3A_850, %mul3A_847 : vector<16xf32>
    %mul3A_852 = arith.mulf %mul3A_851, %mul3A_847 : vector<16xf32>
    %sub3A_853 = arith.constant 1.500000e+00 : f32
    %sub3A_854 = vector.broadcast %sub3A_853 : f32 to vector<16xf32>
    %sub3A_855 = arith.subf %sub3A_854, %mul3A_852 : vector<16xf32>
    %mul3A_856 = arith.mulf %mul3A_847, %sub3A_855 : vector<16xf32>
    %mul3A_857 = arith.mulf %add3A_830, %mul3A_856 : vector<16xf32>
    %jit3A_858 = arith.constant 0.000000e+00 : f32
    %broadcast_in_dim3A_859 = vector.broadcast %jit3A_858 : f32 to vector<16xf32>
    %select_n3A_860 = arith.select %eq3A_60, %mul3A_857, %broadcast_in_dim3A_859 : vector<16xi1>, vector<16xf32>
    %add3A_861 = arith.addf %add3A_797, %select_n3A_860 : vector<16xf32>
    %eq3A_862 = arith.constant 1 : i32
    %eq3A_863 = vector.broadcast %eq3A_862 : i32 to vector<16xi32>
    %eq3A_864 = arith.cmpi eq, %iota3A, %eq3A_863 : vector<16xi32>
    %reduce_sum3A_865 = arith.constant true
    %reduce_sum3A_866 = vector.broadcast %reduce_sum3A_865 : i1 to vector<16xi1>
    %reduce_sum3A_867 = tpu.scan <sum>, %add3A_861 masked %reduce_sum3A_866 : vector<16xf32>, vector<16xi1> -> vector<16xf32>
    %reduce_sum3A_868 = vector.extract %reduce_sum3A_867[15] : f32 from vector<16xf32>
    %broadcast_in_dim3A_869 = vector.broadcast %reduce_sum3A_868 : f32 to vector<16xf32>
    %select_n3A_870 = arith.select %eq3A_864, %broadcast_in_dim3A_869, %select_n3A_647 : vector<16xi1>, vector<16xf32>
    %dma_wait3A_871 = arith.constant 2048 : i32
    %dma_wait3A_872 = tpu.memref_slice %arg4[%dma_wait3A_871] : memref<4112xf32, #tpu.memory_space<vmem>> -> memref<1024xf32, #tpu.memory_space<vmem>>
    %dma_wait3A_873 = arith.constant 0 : i32
    %dma_wait3A_874 = tpu.memref_slice %arg2[%add3A_31, %dma_wait3A_873] : memref<128x1024xf32, #tpu.memory_space<hbm>> -> memref<1x1024xf32, #tpu.memory_space<hbm>>
    %dma_wait3A_875 = tpu.memref_squeeze %dma_wait3A_874 : memref<1x1024xf32, #tpu.memory_space<hbm>> -> memref<1024xf32, #tpu.memory_space<hbm>>
    %dma_wait3A_876 = arith.constant 2048 : i32
    %dma_wait3A_877 = tpu.memref_slice %arg4[%dma_wait3A_876] : memref<4112xf32, #tpu.memory_space<vmem>> -> memref<1024xf32, #tpu.memory_space<vmem>>
    %dma_wait3A_878 = arith.constant 0 : i32
    %dma_wait3A_879 = tpu.memref_slice %arg2[%add3A_31, %dma_wait3A_878] : memref<128x1024xf32, #tpu.memory_space<hbm>> -> memref<1x1024xf32, #tpu.memory_space<hbm>>
    %dma_wait3A_880 = tpu.memref_squeeze %dma_wait3A_879 : memref<1x1024xf32, #tpu.memory_space<hbm>> -> memref<1024xf32, #tpu.memory_space<hbm>>
    tpu.wait_dma2 semaphore(%arg8 : memref<!tpu.dma_semaphore, #tpu.memory_space<semaphore_mem>>) src(%dma_wait3A_880 : memref<1024xf32, #tpu.memory_space<hbm>>) dst(%dma_wait3A_877 : memref<1024xf32, #tpu.memory_space<vmem>>)
    %get3A_881 = arith.constant 2048 : index
    %get3A_882 = tpu.vector_load %arg4[%get3A_881] {strides = array<i32>} : memref<4112xf32, #tpu.memory_space<vmem>>, vector<16xf32>,
    %scan3A_883 = arith.constant 0 : i32
    %scan3A_884 = arith.constant 15 : i32
    %scan3A_885 = arith.addi %scan3A_883, %scan3A_884 : i32
    %scan3A_886 = arith.constant 1 : i32
    %scan3A_887 = scf.for %scan3A_1319 = %scan3A_883 to %scan3A_885 step %scan3A_886 iter_args(%scan3A_1320 = %broadcast_in_dim3A_56) -> (vector<16xf32>)  : i32 {
      %mul3A_1321 = arith.constant 64 : i32
      %mul3A_1322 = arith.muli %scan3A_1319, %mul3A_1321 : i32
      %add3A_1323 = arith.constant 2048 : i32
      %add3A_1324 = arith.addi %add3A_1323, %mul3A_1322 : i32
      %get3A_1325 = arith.index_cast %add3A_1324 : i32 to index
      %get3A_1326 = tpu.vector_load %arg4[%get3A_1325] {strides = array<i32>} : memref<4112xf32, #tpu.memory_space<vmem>>, vector<16xf32>,
      %add3A_1327 = arith.constant 2 : i32
      %add3A_1328 = arith.addi %add3A_1324, %add3A_1327 : i32
      %get3A_1329 = arith.index_cast %add3A_1328 : i32 to index
      %get3A_1330 = tpu.vector_load %arg4[%get3A_1329] {strides = array<i32>} : memref<4112xf32, #tpu.memory_space<vmem>>, vector<16xf32>,
      %sub3A_1331 = arith.subf %get3A_1326, %get3A_1330 : vector<16xf32>
      %add3A_1332 = arith.constant 1 : i32
      %add3A_1333 = arith.addi %add3A_1324, %add3A_1332 : i32
      %get3A_1334 = arith.index_cast %add3A_1333 : i32 to index
      %get3A_1335 = tpu.vector_load %arg4[%get3A_1334] {strides = array<i32>} : memref<4112xf32, #tpu.memory_space<vmem>>, vector<16xf32>,
      %add3A_1336 = arith.constant 3 : i32
      %add3A_1337 = arith.addi %add3A_1324, %add3A_1336 : i32
      %get3A_1338 = arith.index_cast %add3A_1337 : i32 to index
      %get3A_1339 = tpu.vector_load %arg4[%get3A_1338] {strides = array<i32>} : memref<4112xf32, #tpu.memory_space<vmem>>, vector<16xf32>,
      %sub3A_1340 = arith.subf %get3A_1335, %get3A_1339 : vector<16xf32>
      %mul3A_1341 = arith.mulf %sub3A_1331, %sub3A_1331 : vector<16xf32>
      %mul3A_1342 = arith.mulf %sub3A_1340, %sub3A_1340 : vector<16xf32>
      %add3A_1343 = arith.addf %mul3A_1341, %mul3A_1342 : vector<16xf32>
      %bitcast3A_1344 = vector.bitcast %add3A_1343 : vector<16xf32> to vector<16xi32>
      %shift_right_arithmetic3A_1345 = arith.constant 1 : i32
      %shift_right_arithmetic3A_1346 = vector.broadcast %shift_right_arithmetic3A_1345 : i32 to vector<16xi32>
      %shift_right_arithmetic3A_1347 = arith.shrsi %bitcast3A_1344, %shift_right_arithmetic3A_1346 : vector<16xi32>
      %sub3A_1348 = arith.constant 1597463007 : i32
      %sub3A_1349 = vector.broadcast %sub3A_1348 : i32 to vector<16xi32>
      %sub3A_1350 = arith.subi %sub3A_1349, %shift_right_arithmetic3A_1347 : vector<16xi32>
      %bitcast3A_1351 = vector.bitcast %sub3A_1350 : vector<16xi32> to vector<16xf32>
      %mul3A_1352 = arith.constant 5.000000e-01 : f32
      %mul3A_1353 = vector.broadcast %mul3A_1352 : f32 to vector<16xf32>
      %mul3A_1354 = arith.mulf %mul3A_1353, %add3A_1343 : vector<16xf32>
      %mul3A_1355 = arith.mulf %mul3A_1354, %bitcast3A_1351 : vector<16xf32>
      %mul3A_1356 = arith.mulf %mul3A_1355, %bitcast3A_1351 : vector<16xf32>
      %sub3A_1357 = arith.constant 1.500000e+00 : f32
      %sub3A_1358 = vector.broadcast %sub3A_1357 : f32 to vector<16xf32>
      %sub3A_1359 = arith.subf %sub3A_1358, %mul3A_1356 : vector<16xf32>
      %mul3A_1360 = arith.mulf %bitcast3A_1351, %sub3A_1359 : vector<16xf32>
      %mul3A_1361 = arith.constant 5.000000e-01 : f32
      %mul3A_1362 = vector.broadcast %mul3A_1361 : f32 to vector<16xf32>
      %mul3A_1363 = arith.mulf %mul3A_1362, %add3A_1343 : vector<16xf32>
      %mul3A_1364 = arith.mulf %mul3A_1363, %mul3A_1360 : vector<16xf32>
      %mul3A_1365 = arith.mulf %mul3A_1364, %mul3A_1360 : vector<16xf32>
      %sub3A_1366 = arith.constant 1.500000e+00 : f32
      %sub3A_1367 = vector.broadcast %sub3A_1366 : f32 to vector<16xf32>
      %sub3A_1368 = arith.subf %sub3A_1367, %mul3A_1365 : vector<16xf32>
      %mul3A_1369 = arith.mulf %mul3A_1360, %sub3A_1368 : vector<16xf32>
      %mul3A_1370 = arith.mulf %add3A_1343, %mul3A_1369 : vector<16xf32>
      %jit3A_1371 = arith.constant 0.000000e+00 : f32
      %broadcast_in_dim3A_1372 = vector.broadcast %jit3A_1371 : f32 to vector<16xf32>
      %select_n3A_1373 = arith.select %eq3A_60, %mul3A_1370, %broadcast_in_dim3A_1372 : vector<16xi1>, vector<16xf32>
      %add3A_1374 = arith.addf %scan3A_1320, %select_n3A_1373 : vector<16xf32>
      %add3A_1375 = arith.constant 16 : i32
      %add3A_1376 = arith.addi %add3A_1324, %add3A_1375 : i32
      %get3A_1377 = arith.index_cast %add3A_1376 : i32 to index
      %get3A_1378 = tpu.vector_load %arg4[%get3A_1377] {strides = array<i32>} : memref<4112xf32, #tpu.memory_space<vmem>>, vector<16xf32>,
      %add3A_1379 = arith.constant 2 : i32
      %add3A_1380 = arith.addi %add3A_1376, %add3A_1379 : i32
      %get3A_1381 = arith.index_cast %add3A_1380 : i32 to index
      %get3A_1382 = tpu.vector_load %arg4[%get3A_1381] {strides = array<i32>} : memref<4112xf32, #tpu.memory_space<vmem>>, vector<16xf32>,
      %sub3A_1383 = arith.subf %get3A_1378, %get3A_1382 : vector<16xf32>
      %add3A_1384 = arith.constant 1 : i32
      %add3A_1385 = arith.addi %add3A_1376, %add3A_1384 : i32
      %get3A_1386 = arith.index_cast %add3A_1385 : i32 to index
      %get3A_1387 = tpu.vector_load %arg4[%get3A_1386] {strides = array<i32>} : memref<4112xf32, #tpu.memory_space<vmem>>, vector<16xf32>,
      %add3A_1388 = arith.constant 3 : i32
      %add3A_1389 = arith.addi %add3A_1376, %add3A_1388 : i32
      %get3A_1390 = arith.index_cast %add3A_1389 : i32 to index
      %get3A_1391 = tpu.vector_load %arg4[%get3A_1390] {strides = array<i32>} : memref<4112xf32, #tpu.memory_space<vmem>>, vector<16xf32>,
      %sub3A_1392 = arith.subf %get3A_1387, %get3A_1391 : vector<16xf32>
      %mul3A_1393 = arith.mulf %sub3A_1383, %sub3A_1383 : vector<16xf32>
      %mul3A_1394 = arith.mulf %sub3A_1392, %sub3A_1392 : vector<16xf32>
      %add3A_1395 = arith.addf %mul3A_1393, %mul3A_1394 : vector<16xf32>
      %bitcast3A_1396 = vector.bitcast %add3A_1395 : vector<16xf32> to vector<16xi32>
      %shift_right_arithmetic3A_1397 = arith.constant 1 : i32
      %shift_right_arithmetic3A_1398 = vector.broadcast %shift_right_arithmetic3A_1397 : i32 to vector<16xi32>
      %shift_right_arithmetic3A_1399 = arith.shrsi %bitcast3A_1396, %shift_right_arithmetic3A_1398 : vector<16xi32>
      %sub3A_1400 = arith.constant 1597463007 : i32
      %sub3A_1401 = vector.broadcast %sub3A_1400 : i32 to vector<16xi32>
      %sub3A_1402 = arith.subi %sub3A_1401, %shift_right_arithmetic3A_1399 : vector<16xi32>
      %bitcast3A_1403 = vector.bitcast %sub3A_1402 : vector<16xi32> to vector<16xf32>
      %mul3A_1404 = arith.constant 5.000000e-01 : f32
      %mul3A_1405 = vector.broadcast %mul3A_1404 : f32 to vector<16xf32>
      %mul3A_1406 = arith.mulf %mul3A_1405, %add3A_1395 : vector<16xf32>
      %mul3A_1407 = arith.mulf %mul3A_1406, %bitcast3A_1403 : vector<16xf32>
      %mul3A_1408 = arith.mulf %mul3A_1407, %bitcast3A_1403 : vector<16xf32>
      %sub3A_1409 = arith.constant 1.500000e+00 : f32
      %sub3A_1410 = vector.broadcast %sub3A_1409 : f32 to vector<16xf32>
      %sub3A_1411 = arith.subf %sub3A_1410, %mul3A_1408 : vector<16xf32>
      %mul3A_1412 = arith.mulf %bitcast3A_1403, %sub3A_1411 : vector<16xf32>
      %mul3A_1413 = arith.constant 5.000000e-01 : f32
      %mul3A_1414 = vector.broadcast %mul3A_1413 : f32 to vector<16xf32>
      %mul3A_1415 = arith.mulf %mul3A_1414, %add3A_1395 : vector<16xf32>
      %mul3A_1416 = arith.mulf %mul3A_1415, %mul3A_1412 : vector<16xf32>
      %mul3A_1417 = arith.mulf %mul3A_1416, %mul3A_1412 : vector<16xf32>
      %sub3A_1418 = arith.constant 1.500000e+00 : f32
      %sub3A_1419 = vector.broadcast %sub3A_1418 : f32 to vector<16xf32>
      %sub3A_1420 = arith.subf %sub3A_1419, %mul3A_1417 : vector<16xf32>
      %mul3A_1421 = arith.mulf %mul3A_1412, %sub3A_1420 : vector<16xf32>
      %mul3A_1422 = arith.mulf %add3A_1395, %mul3A_1421 : vector<16xf32>
      %jit3A_1423 = arith.constant 0.000000e+00 : f32
      %broadcast_in_dim3A_1424 = vector.broadcast %jit3A_1423 : f32 to vector<16xf32>
      %select_n3A_1425 = arith.select %eq3A_60, %mul3A_1422, %broadcast_in_dim3A_1424 : vector<16xi1>, vector<16xf32>
      %add3A_1426 = arith.addf %add3A_1374, %select_n3A_1425 : vector<16xf32>
      %add3A_1427 = arith.constant 32 : i32
      %add3A_1428 = arith.addi %add3A_1324, %add3A_1427 : i32
      %get3A_1429 = arith.index_cast %add3A_1428 : i32 to index
      %get3A_1430 = tpu.vector_load %arg4[%get3A_1429] {strides = array<i32>} : memref<4112xf32, #tpu.memory_space<vmem>>, vector<16xf32>,
      %add3A_1431 = arith.constant 2 : i32
      %add3A_1432 = arith.addi %add3A_1428, %add3A_1431 : i32
      %get3A_1433 = arith.index_cast %add3A_1432 : i32 to index
      %get3A_1434 = tpu.vector_load %arg4[%get3A_1433] {strides = array<i32>} : memref<4112xf32, #tpu.memory_space<vmem>>, vector<16xf32>,
      %sub3A_1435 = arith.subf %get3A_1430, %get3A_1434 : vector<16xf32>
      %add3A_1436 = arith.constant 1 : i32
      %add3A_1437 = arith.addi %add3A_1428, %add3A_1436 : i32
      %get3A_1438 = arith.index_cast %add3A_1437 : i32 to index
      %get3A_1439 = tpu.vector_load %arg4[%get3A_1438] {strides = array<i32>} : memref<4112xf32, #tpu.memory_space<vmem>>, vector<16xf32>,
      %add3A_1440 = arith.constant 3 : i32
      %add3A_1441 = arith.addi %add3A_1428, %add3A_1440 : i32
      %get3A_1442 = arith.index_cast %add3A_1441 : i32 to index
      %get3A_1443 = tpu.vector_load %arg4[%get3A_1442] {strides = array<i32>} : memref<4112xf32, #tpu.memory_space<vmem>>, vector<16xf32>,
      %sub3A_1444 = arith.subf %get3A_1439, %get3A_1443 : vector<16xf32>
      %mul3A_1445 = arith.mulf %sub3A_1435, %sub3A_1435 : vector<16xf32>
      %mul3A_1446 = arith.mulf %sub3A_1444, %sub3A_1444 : vector<16xf32>
      %add3A_1447 = arith.addf %mul3A_1445, %mul3A_1446 : vector<16xf32>
      %bitcast3A_1448 = vector.bitcast %add3A_1447 : vector<16xf32> to vector<16xi32>
      %shift_right_arithmetic3A_1449 = arith.constant 1 : i32
      %shift_right_arithmetic3A_1450 = vector.broadcast %shift_right_arithmetic3A_1449 : i32 to vector<16xi32>
      %shift_right_arithmetic3A_1451 = arith.shrsi %bitcast3A_1448, %shift_right_arithmetic3A_1450 : vector<16xi32>
      %sub3A_1452 = arith.constant 1597463007 : i32
      %sub3A_1453 = vector.broadcast %sub3A_1452 : i32 to vector<16xi32>
      %sub3A_1454 = arith.subi %sub3A_1453, %shift_right_arithmetic3A_1451 : vector<16xi32>
      %bitcast3A_1455 = vector.bitcast %sub3A_1454 : vector<16xi32> to vector<16xf32>
      %mul3A_1456 = arith.constant 5.000000e-01 : f32
      %mul3A_1457 = vector.broadcast %mul3A_1456 : f32 to vector<16xf32>
      %mul3A_1458 = arith.mulf %mul3A_1457, %add3A_1447 : vector<16xf32>
      %mul3A_1459 = arith.mulf %mul3A_1458, %bitcast3A_1455 : vector<16xf32>
      %mul3A_1460 = arith.mulf %mul3A_1459, %bitcast3A_1455 : vector<16xf32>
      %sub3A_1461 = arith.constant 1.500000e+00 : f32
      %sub3A_1462 = vector.broadcast %sub3A_1461 : f32 to vector<16xf32>
      %sub3A_1463 = arith.subf %sub3A_1462, %mul3A_1460 : vector<16xf32>
      %mul3A_1464 = arith.mulf %bitcast3A_1455, %sub3A_1463 : vector<16xf32>
      %mul3A_1465 = arith.constant 5.000000e-01 : f32
      %mul3A_1466 = vector.broadcast %mul3A_1465 : f32 to vector<16xf32>
      %mul3A_1467 = arith.mulf %mul3A_1466, %add3A_1447 : vector<16xf32>
      %mul3A_1468 = arith.mulf %mul3A_1467, %mul3A_1464 : vector<16xf32>
      %mul3A_1469 = arith.mulf %mul3A_1468, %mul3A_1464 : vector<16xf32>
      %sub3A_1470 = arith.constant 1.500000e+00 : f32
      %sub3A_1471 = vector.broadcast %sub3A_1470 : f32 to vector<16xf32>
      %sub3A_1472 = arith.subf %sub3A_1471, %mul3A_1469 : vector<16xf32>
      %mul3A_1473 = arith.mulf %mul3A_1464, %sub3A_1472 : vector<16xf32>
      %mul3A_1474 = arith.mulf %add3A_1447, %mul3A_1473 : vector<16xf32>
      %jit3A_1475 = arith.constant 0.000000e+00 : f32
      %broadcast_in_dim3A_1476 = vector.broadcast %jit3A_1475 : f32 to vector<16xf32>
      %select_n3A_1477 = arith.select %eq3A_60, %mul3A_1474, %broadcast_in_dim3A_1476 : vector<16xi1>, vector<16xf32>
      %add3A_1478 = arith.addf %add3A_1426, %select_n3A_1477 : vector<16xf32>
      %add3A_1479 = arith.constant 48 : i32
      %add3A_1480 = arith.addi %add3A_1324, %add3A_1479 : i32
      %get3A_1481 = arith.index_cast %add3A_1480 : i32 to index
      %get3A_1482 = tpu.vector_load %arg4[%get3A_1481] {strides = array<i32>} : memref<4112xf32, #tpu.memory_space<vmem>>, vector<16xf32>,
      %add3A_1483 = arith.constant 2 : i32
      %add3A_1484 = arith.addi %add3A_1480, %add3A_1483 : i32
      %get3A_1485 = arith.index_cast %add3A_1484 : i32 to index
      %get3A_1486 = tpu.vector_load %arg4[%get3A_1485] {strides = array<i32>} : memref<4112xf32, #tpu.memory_space<vmem>>, vector<16xf32>,
      %sub3A_1487 = arith.subf %get3A_1482, %get3A_1486 : vector<16xf32>
      %add3A_1488 = arith.constant 1 : i32
      %add3A_1489 = arith.addi %add3A_1480, %add3A_1488 : i32
      %get3A_1490 = arith.index_cast %add3A_1489 : i32 to index
      %get3A_1491 = tpu.vector_load %arg4[%get3A_1490] {strides = array<i32>} : memref<4112xf32, #tpu.memory_space<vmem>>, vector<16xf32>,
      %add3A_1492 = arith.constant 3 : i32
      %add3A_1493 = arith.addi %add3A_1480, %add3A_1492 : i32
      %get3A_1494 = arith.index_cast %add3A_1493 : i32 to index
      %get3A_1495 = tpu.vector_load %arg4[%get3A_1494] {strides = array<i32>} : memref<4112xf32, #tpu.memory_space<vmem>>, vector<16xf32>,
      %sub3A_1496 = arith.subf %get3A_1491, %get3A_1495 : vector<16xf32>
      %mul3A_1497 = arith.mulf %sub3A_1487, %sub3A_1487 : vector<16xf32>
      %mul3A_1498 = arith.mulf %sub3A_1496, %sub3A_1496 : vector<16xf32>
      %add3A_1499 = arith.addf %mul3A_1497, %mul3A_1498 : vector<16xf32>
      %bitcast3A_1500 = vector.bitcast %add3A_1499 : vector<16xf32> to vector<16xi32>
      %shift_right_arithmetic3A_1501 = arith.constant 1 : i32
      %shift_right_arithmetic3A_1502 = vector.broadcast %shift_right_arithmetic3A_1501 : i32 to vector<16xi32>
      %shift_right_arithmetic3A_1503 = arith.shrsi %bitcast3A_1500, %shift_right_arithmetic3A_1502 : vector<16xi32>
      %sub3A_1504 = arith.constant 1597463007 : i32
      %sub3A_1505 = vector.broadcast %sub3A_1504 : i32 to vector<16xi32>
      %sub3A_1506 = arith.subi %sub3A_1505, %shift_right_arithmetic3A_1503 : vector<16xi32>
      %bitcast3A_1507 = vector.bitcast %sub3A_1506 : vector<16xi32> to vector<16xf32>
      %mul3A_1508 = arith.constant 5.000000e-01 : f32
      %mul3A_1509 = vector.broadcast %mul3A_1508 : f32 to vector<16xf32>
      %mul3A_1510 = arith.mulf %mul3A_1509, %add3A_1499 : vector<16xf32>
      %mul3A_1511 = arith.mulf %mul3A_1510, %bitcast3A_1507 : vector<16xf32>
      %mul3A_1512 = arith.mulf %mul3A_1511, %bitcast3A_1507 : vector<16xf32>
      %sub3A_1513 = arith.constant 1.500000e+00 : f32
      %sub3A_1514 = vector.broadcast %sub3A_1513 : f32 to vector<16xf32>
      %sub3A_1515 = arith.subf %sub3A_1514, %mul3A_1512 : vector<16xf32>
      %mul3A_1516 = arith.mulf %bitcast3A_1507, %sub3A_1515 : vector<16xf32>
      %mul3A_1517 = arith.constant 5.000000e-01 : f32
      %mul3A_1518 = vector.broadcast %mul3A_1517 : f32 to vector<16xf32>
      %mul3A_1519 = arith.mulf %mul3A_1518, %add3A_1499 : vector<16xf32>
      %mul3A_1520 = arith.mulf %mul3A_1519, %mul3A_1516 : vector<16xf32>
      %mul3A_1521 = arith.mulf %mul3A_1520, %mul3A_1516 : vector<16xf32>
      %sub3A_1522 = arith.constant 1.500000e+00 : f32
      %sub3A_1523 = vector.broadcast %sub3A_1522 : f32 to vector<16xf32>
      %sub3A_1524 = arith.subf %sub3A_1523, %mul3A_1521 : vector<16xf32>
      %mul3A_1525 = arith.mulf %mul3A_1516, %sub3A_1524 : vector<16xf32>
      %mul3A_1526 = arith.mulf %add3A_1499, %mul3A_1525 : vector<16xf32>
      %jit3A_1527 = arith.constant 0.000000e+00 : f32
      %broadcast_in_dim3A_1528 = vector.broadcast %jit3A_1527 : f32 to vector<16xf32>
      %select_n3A_1529 = arith.select %eq3A_60, %mul3A_1526, %broadcast_in_dim3A_1528 : vector<16xi1>, vector<16xf32>
      %add3A_1530 = arith.addf %add3A_1478, %select_n3A_1529 : vector<16xf32>
      scf.yield %add3A_1530 : vector<16xf32>
    }
    %scan3A_888 = arith.constant 15 : i32
    %get3A_889 = arith.constant 3008 : index
    %get3A_890 = tpu.vector_load %arg4[%get3A_889] {strides = array<i32>} : memref<4112xf32, #tpu.memory_space<vmem>>, vector<16xf32>,
    %get3A_891 = arith.constant 3010 : index
    %get3A_892 = tpu.vector_load %arg4[%get3A_891] {strides = array<i32>} : memref<4112xf32, #tpu.memory_space<vmem>>, vector<16xf32>,
    %sub3A_893 = arith.subf %get3A_890, %get3A_892 : vector<16xf32>
    %get3A_894 = arith.constant 3009 : index
    %get3A_895 = tpu.vector_load %arg4[%get3A_894] {strides = array<i32>} : memref<4112xf32, #tpu.memory_space<vmem>>, vector<16xf32>,
    %get3A_896 = arith.constant 3011 : index
    %get3A_897 = tpu.vector_load %arg4[%get3A_896] {strides = array<i32>} : memref<4112xf32, #tpu.memory_space<vmem>>, vector<16xf32>,
    %sub3A_898 = arith.subf %get3A_895, %get3A_897 : vector<16xf32>
    %mul3A_899 = arith.mulf %sub3A_893, %sub3A_893 : vector<16xf32>
    %mul3A_900 = arith.mulf %sub3A_898, %sub3A_898 : vector<16xf32>
    %add3A_901 = arith.addf %mul3A_899, %mul3A_900 : vector<16xf32>
    %bitcast3A_902 = vector.bitcast %add3A_901 : vector<16xf32> to vector<16xi32>
    %shift_right_arithmetic3A_903 = arith.constant 1 : i32
    %shift_right_arithmetic3A_904 = vector.broadcast %shift_right_arithmetic3A_903 : i32 to vector<16xi32>
    %shift_right_arithmetic3A_905 = arith.shrsi %bitcast3A_902, %shift_right_arithmetic3A_904 : vector<16xi32>
    %sub3A_906 = arith.constant 1597463007 : i32
    %sub3A_907 = vector.broadcast %sub3A_906 : i32 to vector<16xi32>
    %sub3A_908 = arith.subi %sub3A_907, %shift_right_arithmetic3A_905 : vector<16xi32>
    %bitcast3A_909 = vector.bitcast %sub3A_908 : vector<16xi32> to vector<16xf32>
    %mul3A_910 = arith.constant 5.000000e-01 : f32
    %mul3A_911 = vector.broadcast %mul3A_910 : f32 to vector<16xf32>
    %mul3A_912 = arith.mulf %mul3A_911, %add3A_901 : vector<16xf32>
    %mul3A_913 = arith.mulf %mul3A_912, %bitcast3A_909 : vector<16xf32>
    %mul3A_914 = arith.mulf %mul3A_913, %bitcast3A_909 : vector<16xf32>
    %sub3A_915 = arith.constant 1.500000e+00 : f32
    %sub3A_916 = vector.broadcast %sub3A_915 : f32 to vector<16xf32>
    %sub3A_917 = arith.subf %sub3A_916, %mul3A_914 : vector<16xf32>
    %mul3A_918 = arith.mulf %bitcast3A_909, %sub3A_917 : vector<16xf32>
    %mul3A_919 = arith.constant 5.000000e-01 : f32
    %mul3A_920 = vector.broadcast %mul3A_919 : f32 to vector<16xf32>
    %mul3A_921 = arith.mulf %mul3A_920, %add3A_901 : vector<16xf32>
    %mul3A_922 = arith.mulf %mul3A_921, %mul3A_918 : vector<16xf32>
    %mul3A_923 = arith.mulf %mul3A_922, %mul3A_918 : vector<16xf32>
    %sub3A_924 = arith.constant 1.500000e+00 : f32
    %sub3A_925 = vector.broadcast %sub3A_924 : f32 to vector<16xf32>
    %sub3A_926 = arith.subf %sub3A_925, %mul3A_923 : vector<16xf32>
    %mul3A_927 = arith.mulf %mul3A_918, %sub3A_926 : vector<16xf32>
    %mul3A_928 = arith.mulf %add3A_901, %mul3A_927 : vector<16xf32>
    %jit3A_929 = arith.constant 0.000000e+00 : f32
    %broadcast_in_dim3A_930 = vector.broadcast %jit3A_929 : f32 to vector<16xf32>
    %select_n3A_931 = arith.select %eq3A_60, %mul3A_928, %broadcast_in_dim3A_930 : vector<16xi1>, vector<16xf32>
    %add3A_932 = arith.addf %scan3A_887, %select_n3A_931 : vector<16xf32>
    %get3A_933 = arith.constant 3024 : index
    %get3A_934 = tpu.vector_load %arg4[%get3A_933] {strides = array<i32>} : memref<4112xf32, #tpu.memory_space<vmem>>, vector<16xf32>,
    %get3A_935 = arith.constant 3026 : index
    %get3A_936 = tpu.vector_load %arg4[%get3A_935] {strides = array<i32>} : memref<4112xf32, #tpu.memory_space<vmem>>, vector<16xf32>,
    %sub3A_937 = arith.subf %get3A_934, %get3A_936 : vector<16xf32>
    %get3A_938 = arith.constant 3025 : index
    %get3A_939 = tpu.vector_load %arg4[%get3A_938] {strides = array<i32>} : memref<4112xf32, #tpu.memory_space<vmem>>, vector<16xf32>,
    %get3A_940 = arith.constant 3027 : index
    %get3A_941 = tpu.vector_load %arg4[%get3A_940] {strides = array<i32>} : memref<4112xf32, #tpu.memory_space<vmem>>, vector<16xf32>,
    %sub3A_942 = arith.subf %get3A_939, %get3A_941 : vector<16xf32>
    %mul3A_943 = arith.mulf %sub3A_937, %sub3A_937 : vector<16xf32>
    %mul3A_944 = arith.mulf %sub3A_942, %sub3A_942 : vector<16xf32>
    %add3A_945 = arith.addf %mul3A_943, %mul3A_944 : vector<16xf32>
    %bitcast3A_946 = vector.bitcast %add3A_945 : vector<16xf32> to vector<16xi32>
    %shift_right_arithmetic3A_947 = arith.constant 1 : i32
    %shift_right_arithmetic3A_948 = vector.broadcast %shift_right_arithmetic3A_947 : i32 to vector<16xi32>
    %shift_right_arithmetic3A_949 = arith.shrsi %bitcast3A_946, %shift_right_arithmetic3A_948 : vector<16xi32>
    %sub3A_950 = arith.constant 1597463007 : i32
    %sub3A_951 = vector.broadcast %sub3A_950 : i32 to vector<16xi32>
    %sub3A_952 = arith.subi %sub3A_951, %shift_right_arithmetic3A_949 : vector<16xi32>
    %bitcast3A_953 = vector.bitcast %sub3A_952 : vector<16xi32> to vector<16xf32>
    %mul3A_954 = arith.constant 5.000000e-01 : f32
    %mul3A_955 = vector.broadcast %mul3A_954 : f32 to vector<16xf32>
    %mul3A_956 = arith.mulf %mul3A_955, %add3A_945 : vector<16xf32>
    %mul3A_957 = arith.mulf %mul3A_956, %bitcast3A_953 : vector<16xf32>
    %mul3A_958 = arith.mulf %mul3A_957, %bitcast3A_953 : vector<16xf32>
    %sub3A_959 = arith.constant 1.500000e+00 : f32
    %sub3A_960 = vector.broadcast %sub3A_959 : f32 to vector<16xf32>
    %sub3A_961 = arith.subf %sub3A_960, %mul3A_958 : vector<16xf32>
    %mul3A_962 = arith.mulf %bitcast3A_953, %sub3A_961 : vector<16xf32>
    %mul3A_963 = arith.constant 5.000000e-01 : f32
    %mul3A_964 = vector.broadcast %mul3A_963 : f32 to vector<16xf32>
    %mul3A_965 = arith.mulf %mul3A_964, %add3A_945 : vector<16xf32>
    %mul3A_966 = arith.mulf %mul3A_965, %mul3A_962 : vector<16xf32>
    %mul3A_967 = arith.mulf %mul3A_966, %mul3A_962 : vector<16xf32>
    %sub3A_968 = arith.constant 1.500000e+00 : f32
    %sub3A_969 = vector.broadcast %sub3A_968 : f32 to vector<16xf32>
    %sub3A_970 = arith.subf %sub3A_969, %mul3A_967 : vector<16xf32>
    %mul3A_971 = arith.mulf %mul3A_962, %sub3A_970 : vector<16xf32>
    %mul3A_972 = arith.mulf %add3A_945, %mul3A_971 : vector<16xf32>
    %jit3A_973 = arith.constant 0.000000e+00 : f32
    %broadcast_in_dim3A_974 = vector.broadcast %jit3A_973 : f32 to vector<16xf32>
    %select_n3A_975 = arith.select %eq3A_60, %mul3A_972, %broadcast_in_dim3A_974 : vector<16xi1>, vector<16xf32>
    %add3A_976 = arith.addf %add3A_932, %select_n3A_975 : vector<16xf32>
    %get3A_977 = arith.constant 3040 : index
    %get3A_978 = tpu.vector_load %arg4[%get3A_977] {strides = array<i32>} : memref<4112xf32, #tpu.memory_space<vmem>>, vector<16xf32>,
    %get3A_979 = arith.constant 3042 : index
    %get3A_980 = tpu.vector_load %arg4[%get3A_979] {strides = array<i32>} : memref<4112xf32, #tpu.memory_space<vmem>>, vector<16xf32>,
    %sub3A_981 = arith.subf %get3A_978, %get3A_980 : vector<16xf32>
    %get3A_982 = arith.constant 3041 : index
    %get3A_983 = tpu.vector_load %arg4[%get3A_982] {strides = array<i32>} : memref<4112xf32, #tpu.memory_space<vmem>>, vector<16xf32>,
    %get3A_984 = arith.constant 3043 : index
    %get3A_985 = tpu.vector_load %arg4[%get3A_984] {strides = array<i32>} : memref<4112xf32, #tpu.memory_space<vmem>>, vector<16xf32>,
    %sub3A_986 = arith.subf %get3A_983, %get3A_985 : vector<16xf32>
    %mul3A_987 = arith.mulf %sub3A_981, %sub3A_981 : vector<16xf32>
    %mul3A_988 = arith.mulf %sub3A_986, %sub3A_986 : vector<16xf32>
    %add3A_989 = arith.addf %mul3A_987, %mul3A_988 : vector<16xf32>
    %bitcast3A_990 = vector.bitcast %add3A_989 : vector<16xf32> to vector<16xi32>
    %shift_right_arithmetic3A_991 = arith.constant 1 : i32
    %shift_right_arithmetic3A_992 = vector.broadcast %shift_right_arithmetic3A_991 : i32 to vector<16xi32>
    %shift_right_arithmetic3A_993 = arith.shrsi %bitcast3A_990, %shift_right_arithmetic3A_992 : vector<16xi32>
    %sub3A_994 = arith.constant 1597463007 : i32
    %sub3A_995 = vector.broadcast %sub3A_994 : i32 to vector<16xi32>
    %sub3A_996 = arith.subi %sub3A_995, %shift_right_arithmetic3A_993 : vector<16xi32>
    %bitcast3A_997 = vector.bitcast %sub3A_996 : vector<16xi32> to vector<16xf32>
    %mul3A_998 = arith.constant 5.000000e-01 : f32
    %mul3A_999 = vector.broadcast %mul3A_998 : f32 to vector<16xf32>
    %mul3A_1000 = arith.mulf %mul3A_999, %add3A_989 : vector<16xf32>
    %mul3A_1001 = arith.mulf %mul3A_1000, %bitcast3A_997 : vector<16xf32>
    %mul3A_1002 = arith.mulf %mul3A_1001, %bitcast3A_997 : vector<16xf32>
    %sub3A_1003 = arith.constant 1.500000e+00 : f32
    %sub3A_1004 = vector.broadcast %sub3A_1003 : f32 to vector<16xf32>
    %sub3A_1005 = arith.subf %sub3A_1004, %mul3A_1002 : vector<16xf32>
    %mul3A_1006 = arith.mulf %bitcast3A_997, %sub3A_1005 : vector<16xf32>
    %mul3A_1007 = arith.constant 5.000000e-01 : f32
    %mul3A_1008 = vector.broadcast %mul3A_1007 : f32 to vector<16xf32>
    %mul3A_1009 = arith.mulf %mul3A_1008, %add3A_989 : vector<16xf32>
    %mul3A_1010 = arith.mulf %mul3A_1009, %mul3A_1006 : vector<16xf32>
    %mul3A_1011 = arith.mulf %mul3A_1010, %mul3A_1006 : vector<16xf32>
    %sub3A_1012 = arith.constant 1.500000e+00 : f32
    %sub3A_1013 = vector.broadcast %sub3A_1012 : f32 to vector<16xf32>
    %sub3A_1014 = arith.subf %sub3A_1013, %mul3A_1011 : vector<16xf32>
    %mul3A_1015 = arith.mulf %mul3A_1006, %sub3A_1014 : vector<16xf32>
    %mul3A_1016 = arith.mulf %add3A_989, %mul3A_1015 : vector<16xf32>
    %jit3A_1017 = arith.constant 0.000000e+00 : f32
    %broadcast_in_dim3A_1018 = vector.broadcast %jit3A_1017 : f32 to vector<16xf32>
    %select_n3A_1019 = arith.select %eq3A_60, %mul3A_1016, %broadcast_in_dim3A_1018 : vector<16xi1>, vector<16xf32>
    %add3A_1020 = arith.addf %add3A_976, %select_n3A_1019 : vector<16xf32>
    %get3A_1021 = arith.constant 3056 : index
    %get3A_1022 = tpu.vector_load %arg4[%get3A_1021] {strides = array<i32>} : memref<4112xf32, #tpu.memory_space<vmem>>, vector<16xf32>,
    %get3A_1023 = arith.constant 3058 : index
    %get3A_1024 = tpu.vector_load %arg4[%get3A_1023] {strides = array<i32>} : memref<4112xf32, #tpu.memory_space<vmem>>, vector<16xf32>,
    %sub3A_1025 = arith.subf %get3A_1022, %get3A_1024 : vector<16xf32>
    %get3A_1026 = arith.constant 3057 : index
    %get3A_1027 = tpu.vector_load %arg4[%get3A_1026] {strides = array<i32>} : memref<4112xf32, #tpu.memory_space<vmem>>, vector<16xf32>,
    %get3A_1028 = arith.constant 3059 : index
    %get3A_1029 = tpu.vector_load %arg4[%get3A_1028] {strides = array<i32>} : memref<4112xf32, #tpu.memory_space<vmem>>, vector<16xf32>,
    %sub3A_1030 = arith.subf %get3A_1027, %get3A_1029 : vector<16xf32>
    %eq3A_1031 = arith.constant 14 : i32
    %eq3A_1032 = vector.broadcast %eq3A_1031 : i32 to vector<16xi32>
    %eq3A_1033 = arith.cmpi eq, %iota3A, %eq3A_1032 : vector<16xi32>
    %get3A_1034 = arith.constant 3056 : index
    %get3A_1035 = tpu.vector_load %arg4[%get3A_1034] {strides = array<i32>} : memref<4112xf32, #tpu.memory_space<vmem>>, vector<16xf32>,
    %slice3A_1036 = vector.extract_strided_slice %get3A_882 {offsets = [0], sizes = [1], strides = [1]} : vector<16xf32> to vector<1xf32>
    %squeeze3A_1037 = vector.extract %slice3A_1036[0] : f32 from vector<1xf32>
    %sub3A_1038 = vector.broadcast %squeeze3A_1037 : f32 to vector<16xf32>
    %sub3A_1039 = arith.subf %get3A_1035, %sub3A_1038 : vector<16xf32>
    %select_n3A_1040 = arith.select %eq3A_1033, %sub3A_1039, %sub3A_1025 : vector<16xi1>, vector<16xf32>
    %eq3A_1041 = arith.constant 14 : i32
    %eq3A_1042 = vector.broadcast %eq3A_1041 : i32 to vector<16xi32>
    %eq3A_1043 = arith.cmpi eq, %iota3A, %eq3A_1042 : vector<16xi32>
    %get3A_1044 = arith.constant 3057 : index
    %get3A_1045 = tpu.vector_load %arg4[%get3A_1044] {strides = array<i32>} : memref<4112xf32, #tpu.memory_space<vmem>>, vector<16xf32>,
    %slice3A_1046 = vector.extract_strided_slice %get3A_882 {offsets = [1], sizes = [1], strides = [1]} : vector<16xf32> to vector<1xf32>
    %squeeze3A_1047 = vector.extract %slice3A_1046[0] : f32 from vector<1xf32>
    %sub3A_1048 = vector.broadcast %squeeze3A_1047 : f32 to vector<16xf32>
    %sub3A_1049 = arith.subf %get3A_1045, %sub3A_1048 : vector<16xf32>
    %select_n3A_1050 = arith.select %eq3A_1043, %sub3A_1049, %sub3A_1030 : vector<16xi1>, vector<16xf32>
    %mul3A_1051 = arith.mulf %select_n3A_1040, %select_n3A_1040 : vector<16xf32>
    %mul3A_1052 = arith.mulf %select_n3A_1050, %select_n3A_1050 : vector<16xf32>
    %add3A_1053 = arith.addf %mul3A_1051, %mul3A_1052 : vector<16xf32>
    %bitcast3A_1054 = vector.bitcast %add3A_1053 : vector<16xf32> to vector<16xi32>
    %shift_right_arithmetic3A_1055 = arith.constant 1 : i32
    %shift_right_arithmetic3A_1056 = vector.broadcast %shift_right_arithmetic3A_1055 : i32 to vector<16xi32>
    %shift_right_arithmetic3A_1057 = arith.shrsi %bitcast3A_1054, %shift_right_arithmetic3A_1056 : vector<16xi32>
    %sub3A_1058 = arith.constant 1597463007 : i32
    %sub3A_1059 = vector.broadcast %sub3A_1058 : i32 to vector<16xi32>
    %sub3A_1060 = arith.subi %sub3A_1059, %shift_right_arithmetic3A_1057 : vector<16xi32>
    %bitcast3A_1061 = vector.bitcast %sub3A_1060 : vector<16xi32> to vector<16xf32>
    %mul3A_1062 = arith.constant 5.000000e-01 : f32
    %mul3A_1063 = vector.broadcast %mul3A_1062 : f32 to vector<16xf32>
    %mul3A_1064 = arith.mulf %mul3A_1063, %add3A_1053 : vector<16xf32>
    %mul3A_1065 = arith.mulf %mul3A_1064, %bitcast3A_1061 : vector<16xf32>
    %mul3A_1066 = arith.mulf %mul3A_1065, %bitcast3A_1061 : vector<16xf32>
    %sub3A_1067 = arith.constant 1.500000e+00 : f32
    %sub3A_1068 = vector.broadcast %sub3A_1067 : f32 to vector<16xf32>
    %sub3A_1069 = arith.subf %sub3A_1068, %mul3A_1066 : vector<16xf32>
    %mul3A_1070 = arith.mulf %bitcast3A_1061, %sub3A_1069 : vector<16xf32>
    %mul3A_1071 = arith.constant 5.000000e-01 : f32
    %mul3A_1072 = vector.broadcast %mul3A_1071 : f32 to vector<16xf32>
    %mul3A_1073 = arith.mulf %mul3A_1072, %add3A_1053 : vector<16xf32>
    %mul3A_1074 = arith.mulf %mul3A_1073, %mul3A_1070 : vector<16xf32>
    %mul3A_1075 = arith.mulf %mul3A_1074, %mul3A_1070 : vector<16xf32>
    %sub3A_1076 = arith.constant 1.500000e+00 : f32
    %sub3A_1077 = vector.broadcast %sub3A_1076 : f32 to vector<16xf32>
    %sub3A_1078 = arith.subf %sub3A_1077, %mul3A_1075 : vector<16xf32>
    %mul3A_1079 = arith.mulf %mul3A_1070, %sub3A_1078 : vector<16xf32>
    %mul3A_1080 = arith.mulf %add3A_1053, %mul3A_1079 : vector<16xf32>
    %jit3A_1081 = arith.constant 0.000000e+00 : f32
    %broadcast_in_dim3A_1082 = vector.broadcast %jit3A_1081 : f32 to vector<16xf32>
    %select_n3A_1083 = arith.select %eq3A_60, %mul3A_1080, %broadcast_in_dim3A_1082 : vector<16xi1>, vector<16xf32>
    %add3A_1084 = arith.addf %add3A_1020, %select_n3A_1083 : vector<16xf32>
    %eq3A_1085 = arith.constant 2 : i32
    %eq3A_1086 = vector.broadcast %eq3A_1085 : i32 to vector<16xi32>
    %eq3A_1087 = arith.cmpi eq, %iota3A, %eq3A_1086 : vector<16xi32>
    %reduce_sum3A_1088 = arith.constant true
    %reduce_sum3A_1089 = vector.broadcast %reduce_sum3A_1088 : i1 to vector<16xi1>
    %reduce_sum3A_1090 = tpu.scan <sum>, %add3A_1084 masked %reduce_sum3A_1089 : vector<16xf32>, vector<16xi1> -> vector<16xf32>
    %reduce_sum3A_1091 = vector.extract %reduce_sum3A_1090[15] : f32 from vector<16xf32>
    %broadcast_in_dim3A_1092 = vector.broadcast %reduce_sum3A_1091 : f32 to vector<16xf32>
    %select_n3A_1093 = arith.select %eq3A_1087, %broadcast_in_dim3A_1092, %select_n3A_870 : vector<16xi1>, vector<16xf32>
    %dma_wait3A_1094 = arith.constant 3072 : i32
    %dma_wait3A_1095 = tpu.memref_slice %arg4[%dma_wait3A_1094] : memref<4112xf32, #tpu.memory_space<vmem>> -> memref<1024xf32, #tpu.memory_space<vmem>>
    %dma_wait3A_1096 = arith.constant 0 : i32
    %dma_wait3A_1097 = tpu.memref_slice %arg2[%add3A_45, %dma_wait3A_1096] : memref<128x1024xf32, #tpu.memory_space<hbm>> -> memref<1x1024xf32, #tpu.memory_space<hbm>>
    %dma_wait3A_1098 = tpu.memref_squeeze %dma_wait3A_1097 : memref<1x1024xf32, #tpu.memory_space<hbm>> -> memref<1024xf32, #tpu.memory_space<hbm>>
    %dma_wait3A_1099 = arith.constant 3072 : i32
    %dma_wait3A_1100 = tpu.memref_slice %arg4[%dma_wait3A_1099] : memref<4112xf32, #tpu.memory_space<vmem>> -> memref<1024xf32, #tpu.memory_space<vmem>>
    %dma_wait3A_1101 = arith.constant 0 : i32
    %dma_wait3A_1102 = tpu.memref_slice %arg2[%add3A_45, %dma_wait3A_1101] : memref<128x1024xf32, #tpu.memory_space<hbm>> -> memref<1x1024xf32, #tpu.memory_space<hbm>>
    %dma_wait3A_1103 = tpu.memref_squeeze %dma_wait3A_1102 : memref<1x1024xf32, #tpu.memory_space<hbm>> -> memref<1024xf32, #tpu.memory_space<hbm>>
    tpu.wait_dma2 semaphore(%arg9 : memref<!tpu.dma_semaphore, #tpu.memory_space<semaphore_mem>>) src(%dma_wait3A_1103 : memref<1024xf32, #tpu.memory_space<hbm>>) dst(%dma_wait3A_1100 : memref<1024xf32, #tpu.memory_space<vmem>>)
    %get3A_1104 = arith.constant 3072 : index
    %get3A_1105 = tpu.vector_load %arg4[%get3A_1104] {strides = array<i32>} : memref<4112xf32, #tpu.memory_space<vmem>>, vector<16xf32>,
    %scan3A_1106 = arith.constant 0 : i32
    %scan3A_1107 = arith.constant 15 : i32
    %scan3A_1108 = arith.addi %scan3A_1106, %scan3A_1107 : i32
    %scan3A_1109 = arith.constant 1 : i32
    %scan3A_1110 = scf.for %scan3A_1319 = %scan3A_1106 to %scan3A_1108 step %scan3A_1109 iter_args(%scan3A_1320 = %broadcast_in_dim3A_56) -> (vector<16xf32>)  : i32 {
      %mul3A_1321 = arith.constant 64 : i32
      %mul3A_1322 = arith.muli %scan3A_1319, %mul3A_1321 : i32
      %add3A_1323 = arith.constant 3072 : i32
      %add3A_1324 = arith.addi %add3A_1323, %mul3A_1322 : i32
      %get3A_1325 = arith.index_cast %add3A_1324 : i32 to index
      %get3A_1326 = tpu.vector_load %arg4[%get3A_1325] {strides = array<i32>} : memref<4112xf32, #tpu.memory_space<vmem>>, vector<16xf32>,
      %add3A_1327 = arith.constant 2 : i32
      %add3A_1328 = arith.addi %add3A_1324, %add3A_1327 : i32
      %get3A_1329 = arith.index_cast %add3A_1328 : i32 to index
      %get3A_1330 = tpu.vector_load %arg4[%get3A_1329] {strides = array<i32>} : memref<4112xf32, #tpu.memory_space<vmem>>, vector<16xf32>,
      %sub3A_1331 = arith.subf %get3A_1326, %get3A_1330 : vector<16xf32>
      %add3A_1332 = arith.constant 1 : i32
      %add3A_1333 = arith.addi %add3A_1324, %add3A_1332 : i32
      %get3A_1334 = arith.index_cast %add3A_1333 : i32 to index
      %get3A_1335 = tpu.vector_load %arg4[%get3A_1334] {strides = array<i32>} : memref<4112xf32, #tpu.memory_space<vmem>>, vector<16xf32>,
      %add3A_1336 = arith.constant 3 : i32
      %add3A_1337 = arith.addi %add3A_1324, %add3A_1336 : i32
      %get3A_1338 = arith.index_cast %add3A_1337 : i32 to index
      %get3A_1339 = tpu.vector_load %arg4[%get3A_1338] {strides = array<i32>} : memref<4112xf32, #tpu.memory_space<vmem>>, vector<16xf32>,
      %sub3A_1340 = arith.subf %get3A_1335, %get3A_1339 : vector<16xf32>
      %mul3A_1341 = arith.mulf %sub3A_1331, %sub3A_1331 : vector<16xf32>
      %mul3A_1342 = arith.mulf %sub3A_1340, %sub3A_1340 : vector<16xf32>
      %add3A_1343 = arith.addf %mul3A_1341, %mul3A_1342 : vector<16xf32>
      %bitcast3A_1344 = vector.bitcast %add3A_1343 : vector<16xf32> to vector<16xi32>
      %shift_right_arithmetic3A_1345 = arith.constant 1 : i32
      %shift_right_arithmetic3A_1346 = vector.broadcast %shift_right_arithmetic3A_1345 : i32 to vector<16xi32>
      %shift_right_arithmetic3A_1347 = arith.shrsi %bitcast3A_1344, %shift_right_arithmetic3A_1346 : vector<16xi32>
      %sub3A_1348 = arith.constant 1597463007 : i32
      %sub3A_1349 = vector.broadcast %sub3A_1348 : i32 to vector<16xi32>
      %sub3A_1350 = arith.subi %sub3A_1349, %shift_right_arithmetic3A_1347 : vector<16xi32>
      %bitcast3A_1351 = vector.bitcast %sub3A_1350 : vector<16xi32> to vector<16xf32>
      %mul3A_1352 = arith.constant 5.000000e-01 : f32
      %mul3A_1353 = vector.broadcast %mul3A_1352 : f32 to vector<16xf32>
      %mul3A_1354 = arith.mulf %mul3A_1353, %add3A_1343 : vector<16xf32>
      %mul3A_1355 = arith.mulf %mul3A_1354, %bitcast3A_1351 : vector<16xf32>
      %mul3A_1356 = arith.mulf %mul3A_1355, %bitcast3A_1351 : vector<16xf32>
      %sub3A_1357 = arith.constant 1.500000e+00 : f32
      %sub3A_1358 = vector.broadcast %sub3A_1357 : f32 to vector<16xf32>
      %sub3A_1359 = arith.subf %sub3A_1358, %mul3A_1356 : vector<16xf32>
      %mul3A_1360 = arith.mulf %bitcast3A_1351, %sub3A_1359 : vector<16xf32>
      %mul3A_1361 = arith.constant 5.000000e-01 : f32
      %mul3A_1362 = vector.broadcast %mul3A_1361 : f32 to vector<16xf32>
      %mul3A_1363 = arith.mulf %mul3A_1362, %add3A_1343 : vector<16xf32>
      %mul3A_1364 = arith.mulf %mul3A_1363, %mul3A_1360 : vector<16xf32>
      %mul3A_1365 = arith.mulf %mul3A_1364, %mul3A_1360 : vector<16xf32>
      %sub3A_1366 = arith.constant 1.500000e+00 : f32
      %sub3A_1367 = vector.broadcast %sub3A_1366 : f32 to vector<16xf32>
      %sub3A_1368 = arith.subf %sub3A_1367, %mul3A_1365 : vector<16xf32>
      %mul3A_1369 = arith.mulf %mul3A_1360, %sub3A_1368 : vector<16xf32>
      %mul3A_1370 = arith.mulf %add3A_1343, %mul3A_1369 : vector<16xf32>
      %jit3A_1371 = arith.constant 0.000000e+00 : f32
      %broadcast_in_dim3A_1372 = vector.broadcast %jit3A_1371 : f32 to vector<16xf32>
      %select_n3A_1373 = arith.select %eq3A_60, %mul3A_1370, %broadcast_in_dim3A_1372 : vector<16xi1>, vector<16xf32>
      %add3A_1374 = arith.addf %scan3A_1320, %select_n3A_1373 : vector<16xf32>
      %add3A_1375 = arith.constant 16 : i32
      %add3A_1376 = arith.addi %add3A_1324, %add3A_1375 : i32
      %get3A_1377 = arith.index_cast %add3A_1376 : i32 to index
      %get3A_1378 = tpu.vector_load %arg4[%get3A_1377] {strides = array<i32>} : memref<4112xf32, #tpu.memory_space<vmem>>, vector<16xf32>,
      %add3A_1379 = arith.constant 2 : i32
      %add3A_1380 = arith.addi %add3A_1376, %add3A_1379 : i32
      %get3A_1381 = arith.index_cast %add3A_1380 : i32 to index
      %get3A_1382 = tpu.vector_load %arg4[%get3A_1381] {strides = array<i32>} : memref<4112xf32, #tpu.memory_space<vmem>>, vector<16xf32>,
      %sub3A_1383 = arith.subf %get3A_1378, %get3A_1382 : vector<16xf32>
      %add3A_1384 = arith.constant 1 : i32
      %add3A_1385 = arith.addi %add3A_1376, %add3A_1384 : i32
      %get3A_1386 = arith.index_cast %add3A_1385 : i32 to index
      %get3A_1387 = tpu.vector_load %arg4[%get3A_1386] {strides = array<i32>} : memref<4112xf32, #tpu.memory_space<vmem>>, vector<16xf32>,
      %add3A_1388 = arith.constant 3 : i32
      %add3A_1389 = arith.addi %add3A_1376, %add3A_1388 : i32
      %get3A_1390 = arith.index_cast %add3A_1389 : i32 to index
      %get3A_1391 = tpu.vector_load %arg4[%get3A_1390] {strides = array<i32>} : memref<4112xf32, #tpu.memory_space<vmem>>, vector<16xf32>,
      %sub3A_1392 = arith.subf %get3A_1387, %get3A_1391 : vector<16xf32>
      %mul3A_1393 = arith.mulf %sub3A_1383, %sub3A_1383 : vector<16xf32>
      %mul3A_1394 = arith.mulf %sub3A_1392, %sub3A_1392 : vector<16xf32>
      %add3A_1395 = arith.addf %mul3A_1393, %mul3A_1394 : vector<16xf32>
      %bitcast3A_1396 = vector.bitcast %add3A_1395 : vector<16xf32> to vector<16xi32>
      %shift_right_arithmetic3A_1397 = arith.constant 1 : i32
      %shift_right_arithmetic3A_1398 = vector.broadcast %shift_right_arithmetic3A_1397 : i32 to vector<16xi32>
      %shift_right_arithmetic3A_1399 = arith.shrsi %bitcast3A_1396, %shift_right_arithmetic3A_1398 : vector<16xi32>
      %sub3A_1400 = arith.constant 1597463007 : i32
      %sub3A_1401 = vector.broadcast %sub3A_1400 : i32 to vector<16xi32>
      %sub3A_1402 = arith.subi %sub3A_1401, %shift_right_arithmetic3A_1399 : vector<16xi32>
      %bitcast3A_1403 = vector.bitcast %sub3A_1402 : vector<16xi32> to vector<16xf32>
      %mul3A_1404 = arith.constant 5.000000e-01 : f32
      %mul3A_1405 = vector.broadcast %mul3A_1404 : f32 to vector<16xf32>
      %mul3A_1406 = arith.mulf %mul3A_1405, %add3A_1395 : vector<16xf32>
      %mul3A_1407 = arith.mulf %mul3A_1406, %bitcast3A_1403 : vector<16xf32>
      %mul3A_1408 = arith.mulf %mul3A_1407, %bitcast3A_1403 : vector<16xf32>
      %sub3A_1409 = arith.constant 1.500000e+00 : f32
      %sub3A_1410 = vector.broadcast %sub3A_1409 : f32 to vector<16xf32>
      %sub3A_1411 = arith.subf %sub3A_1410, %mul3A_1408 : vector<16xf32>
      %mul3A_1412 = arith.mulf %bitcast3A_1403, %sub3A_1411 : vector<16xf32>
      %mul3A_1413 = arith.constant 5.000000e-01 : f32
      %mul3A_1414 = vector.broadcast %mul3A_1413 : f32 to vector<16xf32>
      %mul3A_1415 = arith.mulf %mul3A_1414, %add3A_1395 : vector<16xf32>
      %mul3A_1416 = arith.mulf %mul3A_1415, %mul3A_1412 : vector<16xf32>
      %mul3A_1417 = arith.mulf %mul3A_1416, %mul3A_1412 : vector<16xf32>
      %sub3A_1418 = arith.constant 1.500000e+00 : f32
      %sub3A_1419 = vector.broadcast %sub3A_1418 : f32 to vector<16xf32>
      %sub3A_1420 = arith.subf %sub3A_1419, %mul3A_1417 : vector<16xf32>
      %mul3A_1421 = arith.mulf %mul3A_1412, %sub3A_1420 : vector<16xf32>
      %mul3A_1422 = arith.mulf %add3A_1395, %mul3A_1421 : vector<16xf32>
      %jit3A_1423 = arith.constant 0.000000e+00 : f32
      %broadcast_in_dim3A_1424 = vector.broadcast %jit3A_1423 : f32 to vector<16xf32>
      %select_n3A_1425 = arith.select %eq3A_60, %mul3A_1422, %broadcast_in_dim3A_1424 : vector<16xi1>, vector<16xf32>
      %add3A_1426 = arith.addf %add3A_1374, %select_n3A_1425 : vector<16xf32>
      %add3A_1427 = arith.constant 32 : i32
      %add3A_1428 = arith.addi %add3A_1324, %add3A_1427 : i32
      %get3A_1429 = arith.index_cast %add3A_1428 : i32 to index
      %get3A_1430 = tpu.vector_load %arg4[%get3A_1429] {strides = array<i32>} : memref<4112xf32, #tpu.memory_space<vmem>>, vector<16xf32>,
      %add3A_1431 = arith.constant 2 : i32
      %add3A_1432 = arith.addi %add3A_1428, %add3A_1431 : i32
      %get3A_1433 = arith.index_cast %add3A_1432 : i32 to index
      %get3A_1434 = tpu.vector_load %arg4[%get3A_1433] {strides = array<i32>} : memref<4112xf32, #tpu.memory_space<vmem>>, vector<16xf32>,
      %sub3A_1435 = arith.subf %get3A_1430, %get3A_1434 : vector<16xf32>
      %add3A_1436 = arith.constant 1 : i32
      %add3A_1437 = arith.addi %add3A_1428, %add3A_1436 : i32
      %get3A_1438 = arith.index_cast %add3A_1437 : i32 to index
      %get3A_1439 = tpu.vector_load %arg4[%get3A_1438] {strides = array<i32>} : memref<4112xf32, #tpu.memory_space<vmem>>, vector<16xf32>,
      %add3A_1440 = arith.constant 3 : i32
      %add3A_1441 = arith.addi %add3A_1428, %add3A_1440 : i32
      %get3A_1442 = arith.index_cast %add3A_1441 : i32 to index
      %get3A_1443 = tpu.vector_load %arg4[%get3A_1442] {strides = array<i32>} : memref<4112xf32, #tpu.memory_space<vmem>>, vector<16xf32>,
      %sub3A_1444 = arith.subf %get3A_1439, %get3A_1443 : vector<16xf32>
      %mul3A_1445 = arith.mulf %sub3A_1435, %sub3A_1435 : vector<16xf32>
      %mul3A_1446 = arith.mulf %sub3A_1444, %sub3A_1444 : vector<16xf32>
      %add3A_1447 = arith.addf %mul3A_1445, %mul3A_1446 : vector<16xf32>
      %bitcast3A_1448 = vector.bitcast %add3A_1447 : vector<16xf32> to vector<16xi32>
      %shift_right_arithmetic3A_1449 = arith.constant 1 : i32
      %shift_right_arithmetic3A_1450 = vector.broadcast %shift_right_arithmetic3A_1449 : i32 to vector<16xi32>
      %shift_right_arithmetic3A_1451 = arith.shrsi %bitcast3A_1448, %shift_right_arithmetic3A_1450 : vector<16xi32>
      %sub3A_1452 = arith.constant 1597463007 : i32
      %sub3A_1453 = vector.broadcast %sub3A_1452 : i32 to vector<16xi32>
      %sub3A_1454 = arith.subi %sub3A_1453, %shift_right_arithmetic3A_1451 : vector<16xi32>
      %bitcast3A_1455 = vector.bitcast %sub3A_1454 : vector<16xi32> to vector<16xf32>
      %mul3A_1456 = arith.constant 5.000000e-01 : f32
      %mul3A_1457 = vector.broadcast %mul3A_1456 : f32 to vector<16xf32>
      %mul3A_1458 = arith.mulf %mul3A_1457, %add3A_1447 : vector<16xf32>
      %mul3A_1459 = arith.mulf %mul3A_1458, %bitcast3A_1455 : vector<16xf32>
      %mul3A_1460 = arith.mulf %mul3A_1459, %bitcast3A_1455 : vector<16xf32>
      %sub3A_1461 = arith.constant 1.500000e+00 : f32
      %sub3A_1462 = vector.broadcast %sub3A_1461 : f32 to vector<16xf32>
      %sub3A_1463 = arith.subf %sub3A_1462, %mul3A_1460 : vector<16xf32>
      %mul3A_1464 = arith.mulf %bitcast3A_1455, %sub3A_1463 : vector<16xf32>
      %mul3A_1465 = arith.constant 5.000000e-01 : f32
      %mul3A_1466 = vector.broadcast %mul3A_1465 : f32 to vector<16xf32>
      %mul3A_1467 = arith.mulf %mul3A_1466, %add3A_1447 : vector<16xf32>
      %mul3A_1468 = arith.mulf %mul3A_1467, %mul3A_1464 : vector<16xf32>
      %mul3A_1469 = arith.mulf %mul3A_1468, %mul3A_1464 : vector<16xf32>
      %sub3A_1470 = arith.constant 1.500000e+00 : f32
      %sub3A_1471 = vector.broadcast %sub3A_1470 : f32 to vector<16xf32>
      %sub3A_1472 = arith.subf %sub3A_1471, %mul3A_1469 : vector<16xf32>
      %mul3A_1473 = arith.mulf %mul3A_1464, %sub3A_1472 : vector<16xf32>
      %mul3A_1474 = arith.mulf %add3A_1447, %mul3A_1473 : vector<16xf32>
      %jit3A_1475 = arith.constant 0.000000e+00 : f32
      %broadcast_in_dim3A_1476 = vector.broadcast %jit3A_1475 : f32 to vector<16xf32>
      %select_n3A_1477 = arith.select %eq3A_60, %mul3A_1474, %broadcast_in_dim3A_1476 : vector<16xi1>, vector<16xf32>
      %add3A_1478 = arith.addf %add3A_1426, %select_n3A_1477 : vector<16xf32>
      %add3A_1479 = arith.constant 48 : i32
      %add3A_1480 = arith.addi %add3A_1324, %add3A_1479 : i32
      %get3A_1481 = arith.index_cast %add3A_1480 : i32 to index
      %get3A_1482 = tpu.vector_load %arg4[%get3A_1481] {strides = array<i32>} : memref<4112xf32, #tpu.memory_space<vmem>>, vector<16xf32>,
      %add3A_1483 = arith.constant 2 : i32
      %add3A_1484 = arith.addi %add3A_1480, %add3A_1483 : i32
      %get3A_1485 = arith.index_cast %add3A_1484 : i32 to index
      %get3A_1486 = tpu.vector_load %arg4[%get3A_1485] {strides = array<i32>} : memref<4112xf32, #tpu.memory_space<vmem>>, vector<16xf32>,
      %sub3A_1487 = arith.subf %get3A_1482, %get3A_1486 : vector<16xf32>
      %add3A_1488 = arith.constant 1 : i32
      %add3A_1489 = arith.addi %add3A_1480, %add3A_1488 : i32
      %get3A_1490 = arith.index_cast %add3A_1489 : i32 to index
      %get3A_1491 = tpu.vector_load %arg4[%get3A_1490] {strides = array<i32>} : memref<4112xf32, #tpu.memory_space<vmem>>, vector<16xf32>,
      %add3A_1492 = arith.constant 3 : i32
      %add3A_1493 = arith.addi %add3A_1480, %add3A_1492 : i32
      %get3A_1494 = arith.index_cast %add3A_1493 : i32 to index
      %get3A_1495 = tpu.vector_load %arg4[%get3A_1494] {strides = array<i32>} : memref<4112xf32, #tpu.memory_space<vmem>>, vector<16xf32>,
      %sub3A_1496 = arith.subf %get3A_1491, %get3A_1495 : vector<16xf32>
      %mul3A_1497 = arith.mulf %sub3A_1487, %sub3A_1487 : vector<16xf32>
      %mul3A_1498 = arith.mulf %sub3A_1496, %sub3A_1496 : vector<16xf32>
      %add3A_1499 = arith.addf %mul3A_1497, %mul3A_1498 : vector<16xf32>
      %bitcast3A_1500 = vector.bitcast %add3A_1499 : vector<16xf32> to vector<16xi32>
      %shift_right_arithmetic3A_1501 = arith.constant 1 : i32
      %shift_right_arithmetic3A_1502 = vector.broadcast %shift_right_arithmetic3A_1501 : i32 to vector<16xi32>
      %shift_right_arithmetic3A_1503 = arith.shrsi %bitcast3A_1500, %shift_right_arithmetic3A_1502 : vector<16xi32>
      %sub3A_1504 = arith.constant 1597463007 : i32
      %sub3A_1505 = vector.broadcast %sub3A_1504 : i32 to vector<16xi32>
      %sub3A_1506 = arith.subi %sub3A_1505, %shift_right_arithmetic3A_1503 : vector<16xi32>
      %bitcast3A_1507 = vector.bitcast %sub3A_1506 : vector<16xi32> to vector<16xf32>
      %mul3A_1508 = arith.constant 5.000000e-01 : f32
      %mul3A_1509 = vector.broadcast %mul3A_1508 : f32 to vector<16xf32>
      %mul3A_1510 = arith.mulf %mul3A_1509, %add3A_1499 : vector<16xf32>
      %mul3A_1511 = arith.mulf %mul3A_1510, %bitcast3A_1507 : vector<16xf32>
      %mul3A_1512 = arith.mulf %mul3A_1511, %bitcast3A_1507 : vector<16xf32>
      %sub3A_1513 = arith.constant 1.500000e+00 : f32
      %sub3A_1514 = vector.broadcast %sub3A_1513 : f32 to vector<16xf32>
      %sub3A_1515 = arith.subf %sub3A_1514, %mul3A_1512 : vector<16xf32>
      %mul3A_1516 = arith.mulf %bitcast3A_1507, %sub3A_1515 : vector<16xf32>
      %mul3A_1517 = arith.constant 5.000000e-01 : f32
      %mul3A_1518 = vector.broadcast %mul3A_1517 : f32 to vector<16xf32>
      %mul3A_1519 = arith.mulf %mul3A_1518, %add3A_1499 : vector<16xf32>
      %mul3A_1520 = arith.mulf %mul3A_1519, %mul3A_1516 : vector<16xf32>
      %mul3A_1521 = arith.mulf %mul3A_1520, %mul3A_1516 : vector<16xf32>
      %sub3A_1522 = arith.constant 1.500000e+00 : f32
      %sub3A_1523 = vector.broadcast %sub3A_1522 : f32 to vector<16xf32>
      %sub3A_1524 = arith.subf %sub3A_1523, %mul3A_1521 : vector<16xf32>
      %mul3A_1525 = arith.mulf %mul3A_1516, %sub3A_1524 : vector<16xf32>
      %mul3A_1526 = arith.mulf %add3A_1499, %mul3A_1525 : vector<16xf32>
      %jit3A_1527 = arith.constant 0.000000e+00 : f32
      %broadcast_in_dim3A_1528 = vector.broadcast %jit3A_1527 : f32 to vector<16xf32>
      %select_n3A_1529 = arith.select %eq3A_60, %mul3A_1526, %broadcast_in_dim3A_1528 : vector<16xi1>, vector<16xf32>
      %add3A_1530 = arith.addf %add3A_1478, %select_n3A_1529 : vector<16xf32>
      scf.yield %add3A_1530 : vector<16xf32>
    }
    %scan3A_1111 = arith.constant 15 : i32
    %get3A_1112 = arith.constant 4032 : index
    %get3A_1113 = tpu.vector_load %arg4[%get3A_1112] {strides = array<i32>} : memref<4112xf32, #tpu.memory_space<vmem>>, vector<16xf32>,
    %get3A_1114 = arith.constant 4034 : index
    %get3A_1115 = tpu.vector_load %arg4[%get3A_1114] {strides = array<i32>} : memref<4112xf32, #tpu.memory_space<vmem>>, vector<16xf32>,
    %sub3A_1116 = arith.subf %get3A_1113, %get3A_1115 : vector<16xf32>
    %get3A_1117 = arith.constant 4033 : index
    %get3A_1118 = tpu.vector_load %arg4[%get3A_1117] {strides = array<i32>} : memref<4112xf32, #tpu.memory_space<vmem>>, vector<16xf32>,
    %get3A_1119 = arith.constant 4035 : index
    %get3A_1120 = tpu.vector_load %arg4[%get3A_1119] {strides = array<i32>} : memref<4112xf32, #tpu.memory_space<vmem>>, vector<16xf32>,
    %sub3A_1121 = arith.subf %get3A_1118, %get3A_1120 : vector<16xf32>
    %mul3A_1122 = arith.mulf %sub3A_1116, %sub3A_1116 : vector<16xf32>
    %mul3A_1123 = arith.mulf %sub3A_1121, %sub3A_1121 : vector<16xf32>
    %add3A_1124 = arith.addf %mul3A_1122, %mul3A_1123 : vector<16xf32>
    %bitcast3A_1125 = vector.bitcast %add3A_1124 : vector<16xf32> to vector<16xi32>
    %shift_right_arithmetic3A_1126 = arith.constant 1 : i32
    %shift_right_arithmetic3A_1127 = vector.broadcast %shift_right_arithmetic3A_1126 : i32 to vector<16xi32>
    %shift_right_arithmetic3A_1128 = arith.shrsi %bitcast3A_1125, %shift_right_arithmetic3A_1127 : vector<16xi32>
    %sub3A_1129 = arith.constant 1597463007 : i32
    %sub3A_1130 = vector.broadcast %sub3A_1129 : i32 to vector<16xi32>
    %sub3A_1131 = arith.subi %sub3A_1130, %shift_right_arithmetic3A_1128 : vector<16xi32>
    %bitcast3A_1132 = vector.bitcast %sub3A_1131 : vector<16xi32> to vector<16xf32>
    %mul3A_1133 = arith.constant 5.000000e-01 : f32
    %mul3A_1134 = vector.broadcast %mul3A_1133 : f32 to vector<16xf32>
    %mul3A_1135 = arith.mulf %mul3A_1134, %add3A_1124 : vector<16xf32>
    %mul3A_1136 = arith.mulf %mul3A_1135, %bitcast3A_1132 : vector<16xf32>
    %mul3A_1137 = arith.mulf %mul3A_1136, %bitcast3A_1132 : vector<16xf32>
    %sub3A_1138 = arith.constant 1.500000e+00 : f32
    %sub3A_1139 = vector.broadcast %sub3A_1138 : f32 to vector<16xf32>
    %sub3A_1140 = arith.subf %sub3A_1139, %mul3A_1137 : vector<16xf32>
    %mul3A_1141 = arith.mulf %bitcast3A_1132, %sub3A_1140 : vector<16xf32>
    %mul3A_1142 = arith.constant 5.000000e-01 : f32
    %mul3A_1143 = vector.broadcast %mul3A_1142 : f32 to vector<16xf32>
    %mul3A_1144 = arith.mulf %mul3A_1143, %add3A_1124 : vector<16xf32>
    %mul3A_1145 = arith.mulf %mul3A_1144, %mul3A_1141 : vector<16xf32>
    %mul3A_1146 = arith.mulf %mul3A_1145, %mul3A_1141 : vector<16xf32>
    %sub3A_1147 = arith.constant 1.500000e+00 : f32
    %sub3A_1148 = vector.broadcast %sub3A_1147 : f32 to vector<16xf32>
    %sub3A_1149 = arith.subf %sub3A_1148, %mul3A_1146 : vector<16xf32>
    %mul3A_1150 = arith.mulf %mul3A_1141, %sub3A_1149 : vector<16xf32>
    %mul3A_1151 = arith.mulf %add3A_1124, %mul3A_1150 : vector<16xf32>
    %jit3A_1152 = arith.constant 0.000000e+00 : f32
    %broadcast_in_dim3A_1153 = vector.broadcast %jit3A_1152 : f32 to vector<16xf32>
    %select_n3A_1154 = arith.select %eq3A_60, %mul3A_1151, %broadcast_in_dim3A_1153 : vector<16xi1>, vector<16xf32>
    %add3A_1155 = arith.addf %scan3A_1110, %select_n3A_1154 : vector<16xf32>
    %get3A_1156 = arith.constant 4048 : index
    %get3A_1157 = tpu.vector_load %arg4[%get3A_1156] {strides = array<i32>} : memref<4112xf32, #tpu.memory_space<vmem>>, vector<16xf32>,
    %get3A_1158 = arith.constant 4050 : index
    %get3A_1159 = tpu.vector_load %arg4[%get3A_1158] {strides = array<i32>} : memref<4112xf32, #tpu.memory_space<vmem>>, vector<16xf32>,
    %sub3A_1160 = arith.subf %get3A_1157, %get3A_1159 : vector<16xf32>
    %get3A_1161 = arith.constant 4049 : index
    %get3A_1162 = tpu.vector_load %arg4[%get3A_1161] {strides = array<i32>} : memref<4112xf32, #tpu.memory_space<vmem>>, vector<16xf32>,
    %get3A_1163 = arith.constant 4051 : index
    %get3A_1164 = tpu.vector_load %arg4[%get3A_1163] {strides = array<i32>} : memref<4112xf32, #tpu.memory_space<vmem>>, vector<16xf32>,
    %sub3A_1165 = arith.subf %get3A_1162, %get3A_1164 : vector<16xf32>
    %mul3A_1166 = arith.mulf %sub3A_1160, %sub3A_1160 : vector<16xf32>
    %mul3A_1167 = arith.mulf %sub3A_1165, %sub3A_1165 : vector<16xf32>
    %add3A_1168 = arith.addf %mul3A_1166, %mul3A_1167 : vector<16xf32>
    %bitcast3A_1169 = vector.bitcast %add3A_1168 : vector<16xf32> to vector<16xi32>
    %shift_right_arithmetic3A_1170 = arith.constant 1 : i32
    %shift_right_arithmetic3A_1171 = vector.broadcast %shift_right_arithmetic3A_1170 : i32 to vector<16xi32>
    %shift_right_arithmetic3A_1172 = arith.shrsi %bitcast3A_1169, %shift_right_arithmetic3A_1171 : vector<16xi32>
    %sub3A_1173 = arith.constant 1597463007 : i32
    %sub3A_1174 = vector.broadcast %sub3A_1173 : i32 to vector<16xi32>
    %sub3A_1175 = arith.subi %sub3A_1174, %shift_right_arithmetic3A_1172 : vector<16xi32>
    %bitcast3A_1176 = vector.bitcast %sub3A_1175 : vector<16xi32> to vector<16xf32>
    %mul3A_1177 = arith.constant 5.000000e-01 : f32
    %mul3A_1178 = vector.broadcast %mul3A_1177 : f32 to vector<16xf32>
    %mul3A_1179 = arith.mulf %mul3A_1178, %add3A_1168 : vector<16xf32>
    %mul3A_1180 = arith.mulf %mul3A_1179, %bitcast3A_1176 : vector<16xf32>
    %mul3A_1181 = arith.mulf %mul3A_1180, %bitcast3A_1176 : vector<16xf32>
    %sub3A_1182 = arith.constant 1.500000e+00 : f32
    %sub3A_1183 = vector.broadcast %sub3A_1182 : f32 to vector<16xf32>
    %sub3A_1184 = arith.subf %sub3A_1183, %mul3A_1181 : vector<16xf32>
    %mul3A_1185 = arith.mulf %bitcast3A_1176, %sub3A_1184 : vector<16xf32>
    %mul3A_1186 = arith.constant 5.000000e-01 : f32
    %mul3A_1187 = vector.broadcast %mul3A_1186 : f32 to vector<16xf32>
    %mul3A_1188 = arith.mulf %mul3A_1187, %add3A_1168 : vector<16xf32>
    %mul3A_1189 = arith.mulf %mul3A_1188, %mul3A_1185 : vector<16xf32>
    %mul3A_1190 = arith.mulf %mul3A_1189, %mul3A_1185 : vector<16xf32>
    %sub3A_1191 = arith.constant 1.500000e+00 : f32
    %sub3A_1192 = vector.broadcast %sub3A_1191 : f32 to vector<16xf32>
    %sub3A_1193 = arith.subf %sub3A_1192, %mul3A_1190 : vector<16xf32>
    %mul3A_1194 = arith.mulf %mul3A_1185, %sub3A_1193 : vector<16xf32>
    %mul3A_1195 = arith.mulf %add3A_1168, %mul3A_1194 : vector<16xf32>
    %jit3A_1196 = arith.constant 0.000000e+00 : f32
    %broadcast_in_dim3A_1197 = vector.broadcast %jit3A_1196 : f32 to vector<16xf32>
    %select_n3A_1198 = arith.select %eq3A_60, %mul3A_1195, %broadcast_in_dim3A_1197 : vector<16xi1>, vector<16xf32>
    %add3A_1199 = arith.addf %add3A_1155, %select_n3A_1198 : vector<16xf32>
    %get3A_1200 = arith.constant 4064 : index
    %get3A_1201 = tpu.vector_load %arg4[%get3A_1200] {strides = array<i32>} : memref<4112xf32, #tpu.memory_space<vmem>>, vector<16xf32>,
    %get3A_1202 = arith.constant 4066 : index
    %get3A_1203 = tpu.vector_load %arg4[%get3A_1202] {strides = array<i32>} : memref<4112xf32, #tpu.memory_space<vmem>>, vector<16xf32>,
    %sub3A_1204 = arith.subf %get3A_1201, %get3A_1203 : vector<16xf32>
    %get3A_1205 = arith.constant 4065 : index
    %get3A_1206 = tpu.vector_load %arg4[%get3A_1205] {strides = array<i32>} : memref<4112xf32, #tpu.memory_space<vmem>>, vector<16xf32>,
    %get3A_1207 = arith.constant 4067 : index
    %get3A_1208 = tpu.vector_load %arg4[%get3A_1207] {strides = array<i32>} : memref<4112xf32, #tpu.memory_space<vmem>>, vector<16xf32>,
    %sub3A_1209 = arith.subf %get3A_1206, %get3A_1208 : vector<16xf32>
    %mul3A_1210 = arith.mulf %sub3A_1204, %sub3A_1204 : vector<16xf32>
    %mul3A_1211 = arith.mulf %sub3A_1209, %sub3A_1209 : vector<16xf32>
    %add3A_1212 = arith.addf %mul3A_1210, %mul3A_1211 : vector<16xf32>
    %bitcast3A_1213 = vector.bitcast %add3A_1212 : vector<16xf32> to vector<16xi32>
    %shift_right_arithmetic3A_1214 = arith.constant 1 : i32
    %shift_right_arithmetic3A_1215 = vector.broadcast %shift_right_arithmetic3A_1214 : i32 to vector<16xi32>
    %shift_right_arithmetic3A_1216 = arith.shrsi %bitcast3A_1213, %shift_right_arithmetic3A_1215 : vector<16xi32>
    %sub3A_1217 = arith.constant 1597463007 : i32
    %sub3A_1218 = vector.broadcast %sub3A_1217 : i32 to vector<16xi32>
    %sub3A_1219 = arith.subi %sub3A_1218, %shift_right_arithmetic3A_1216 : vector<16xi32>
    %bitcast3A_1220 = vector.bitcast %sub3A_1219 : vector<16xi32> to vector<16xf32>
    %mul3A_1221 = arith.constant 5.000000e-01 : f32
    %mul3A_1222 = vector.broadcast %mul3A_1221 : f32 to vector<16xf32>
    %mul3A_1223 = arith.mulf %mul3A_1222, %add3A_1212 : vector<16xf32>
    %mul3A_1224 = arith.mulf %mul3A_1223, %bitcast3A_1220 : vector<16xf32>
    %mul3A_1225 = arith.mulf %mul3A_1224, %bitcast3A_1220 : vector<16xf32>
    %sub3A_1226 = arith.constant 1.500000e+00 : f32
    %sub3A_1227 = vector.broadcast %sub3A_1226 : f32 to vector<16xf32>
    %sub3A_1228 = arith.subf %sub3A_1227, %mul3A_1225 : vector<16xf32>
    %mul3A_1229 = arith.mulf %bitcast3A_1220, %sub3A_1228 : vector<16xf32>
    %mul3A_1230 = arith.constant 5.000000e-01 : f32
    %mul3A_1231 = vector.broadcast %mul3A_1230 : f32 to vector<16xf32>
    %mul3A_1232 = arith.mulf %mul3A_1231, %add3A_1212 : vector<16xf32>
    %mul3A_1233 = arith.mulf %mul3A_1232, %mul3A_1229 : vector<16xf32>
    %mul3A_1234 = arith.mulf %mul3A_1233, %mul3A_1229 : vector<16xf32>
    %sub3A_1235 = arith.constant 1.500000e+00 : f32
    %sub3A_1236 = vector.broadcast %sub3A_1235 : f32 to vector<16xf32>
    %sub3A_1237 = arith.subf %sub3A_1236, %mul3A_1234 : vector<16xf32>
    %mul3A_1238 = arith.mulf %mul3A_1229, %sub3A_1237 : vector<16xf32>
    %mul3A_1239 = arith.mulf %add3A_1212, %mul3A_1238 : vector<16xf32>
    %jit3A_1240 = arith.constant 0.000000e+00 : f32
    %broadcast_in_dim3A_1241 = vector.broadcast %jit3A_1240 : f32 to vector<16xf32>
    %select_n3A_1242 = arith.select %eq3A_60, %mul3A_1239, %broadcast_in_dim3A_1241 : vector<16xi1>, vector<16xf32>
    %add3A_1243 = arith.addf %add3A_1199, %select_n3A_1242 : vector<16xf32>
    %get3A_1244 = arith.constant 4080 : index
    %get3A_1245 = tpu.vector_load %arg4[%get3A_1244] {strides = array<i32>} : memref<4112xf32, #tpu.memory_space<vmem>>, vector<16xf32>,
    %get3A_1246 = arith.constant 4082 : index
    %get3A_1247 = tpu.vector_load %arg4[%get3A_1246] {strides = array<i32>} : memref<4112xf32, #tpu.memory_space<vmem>>, vector<16xf32>,
    %sub3A_1248 = arith.subf %get3A_1245, %get3A_1247 : vector<16xf32>
    %get3A_1249 = arith.constant 4081 : index
    %get3A_1250 = tpu.vector_load %arg4[%get3A_1249] {strides = array<i32>} : memref<4112xf32, #tpu.memory_space<vmem>>, vector<16xf32>,
    %get3A_1251 = arith.constant 4083 : index
    %get3A_1252 = tpu.vector_load %arg4[%get3A_1251] {strides = array<i32>} : memref<4112xf32, #tpu.memory_space<vmem>>, vector<16xf32>,
    %sub3A_1253 = arith.subf %get3A_1250, %get3A_1252 : vector<16xf32>
    %eq3A_1254 = arith.constant 14 : i32
    %eq3A_1255 = vector.broadcast %eq3A_1254 : i32 to vector<16xi32>
    %eq3A_1256 = arith.cmpi eq, %iota3A, %eq3A_1255 : vector<16xi32>
    %get3A_1257 = arith.constant 4080 : index
    %get3A_1258 = tpu.vector_load %arg4[%get3A_1257] {strides = array<i32>} : memref<4112xf32, #tpu.memory_space<vmem>>, vector<16xf32>,
    %slice3A_1259 = vector.extract_strided_slice %get3A_1105 {offsets = [0], sizes = [1], strides = [1]} : vector<16xf32> to vector<1xf32>
    %squeeze3A_1260 = vector.extract %slice3A_1259[0] : f32 from vector<1xf32>
    %sub3A_1261 = vector.broadcast %squeeze3A_1260 : f32 to vector<16xf32>
    %sub3A_1262 = arith.subf %get3A_1258, %sub3A_1261 : vector<16xf32>
    %select_n3A_1263 = arith.select %eq3A_1256, %sub3A_1262, %sub3A_1248 : vector<16xi1>, vector<16xf32>
    %eq3A_1264 = arith.constant 14 : i32
    %eq3A_1265 = vector.broadcast %eq3A_1264 : i32 to vector<16xi32>
    %eq3A_1266 = arith.cmpi eq, %iota3A, %eq3A_1265 : vector<16xi32>
    %get3A_1267 = arith.constant 4081 : index
    %get3A_1268 = tpu.vector_load %arg4[%get3A_1267] {strides = array<i32>} : memref<4112xf32, #tpu.memory_space<vmem>>, vector<16xf32>,
    %slice3A_1269 = vector.extract_strided_slice %get3A_1105 {offsets = [1], sizes = [1], strides = [1]} : vector<16xf32> to vector<1xf32>
    %squeeze3A_1270 = vector.extract %slice3A_1269[0] : f32 from vector<1xf32>
    %sub3A_1271 = vector.broadcast %squeeze3A_1270 : f32 to vector<16xf32>
    %sub3A_1272 = arith.subf %get3A_1268, %sub3A_1271 : vector<16xf32>
    %select_n3A_1273 = arith.select %eq3A_1266, %sub3A_1272, %sub3A_1253 : vector<16xi1>, vector<16xf32>
    %mul3A_1274 = arith.mulf %select_n3A_1263, %select_n3A_1263 : vector<16xf32>
    %mul3A_1275 = arith.mulf %select_n3A_1273, %select_n3A_1273 : vector<16xf32>
    %add3A_1276 = arith.addf %mul3A_1274, %mul3A_1275 : vector<16xf32>
    %bitcast3A_1277 = vector.bitcast %add3A_1276 : vector<16xf32> to vector<16xi32>
    %shift_right_arithmetic3A_1278 = arith.constant 1 : i32
    %shift_right_arithmetic3A_1279 = vector.broadcast %shift_right_arithmetic3A_1278 : i32 to vector<16xi32>
    %shift_right_arithmetic3A_1280 = arith.shrsi %bitcast3A_1277, %shift_right_arithmetic3A_1279 : vector<16xi32>
    %sub3A_1281 = arith.constant 1597463007 : i32
    %sub3A_1282 = vector.broadcast %sub3A_1281 : i32 to vector<16xi32>
    %sub3A_1283 = arith.subi %sub3A_1282, %shift_right_arithmetic3A_1280 : vector<16xi32>
    %bitcast3A_1284 = vector.bitcast %sub3A_1283 : vector<16xi32> to vector<16xf32>
    %mul3A_1285 = arith.constant 5.000000e-01 : f32
    %mul3A_1286 = vector.broadcast %mul3A_1285 : f32 to vector<16xf32>
    %mul3A_1287 = arith.mulf %mul3A_1286, %add3A_1276 : vector<16xf32>
    %mul3A_1288 = arith.mulf %mul3A_1287, %bitcast3A_1284 : vector<16xf32>
    %mul3A_1289 = arith.mulf %mul3A_1288, %bitcast3A_1284 : vector<16xf32>
    %sub3A_1290 = arith.constant 1.500000e+00 : f32
    %sub3A_1291 = vector.broadcast %sub3A_1290 : f32 to vector<16xf32>
    %sub3A_1292 = arith.subf %sub3A_1291, %mul3A_1289 : vector<16xf32>
    %mul3A_1293 = arith.mulf %bitcast3A_1284, %sub3A_1292 : vector<16xf32>
    %mul3A_1294 = arith.constant 5.000000e-01 : f32
    %mul3A_1295 = vector.broadcast %mul3A_1294 : f32 to vector<16xf32>
    %mul3A_1296 = arith.mulf %mul3A_1295, %add3A_1276 : vector<16xf32>
    %mul3A_1297 = arith.mulf %mul3A_1296, %mul3A_1293 : vector<16xf32>
    %mul3A_1298 = arith.mulf %mul3A_1297, %mul3A_1293 : vector<16xf32>
    %sub3A_1299 = arith.constant 1.500000e+00 : f32
    %sub3A_1300 = vector.broadcast %sub3A_1299 : f32 to vector<16xf32>
    %sub3A_1301 = arith.subf %sub3A_1300, %mul3A_1298 : vector<16xf32>
    %mul3A_1302 = arith.mulf %mul3A_1293, %sub3A_1301 : vector<16xf32>
    %mul3A_1303 = arith.mulf %add3A_1276, %mul3A_1302 : vector<16xf32>
    %jit3A_1304 = arith.constant 0.000000e+00 : f32
    %broadcast_in_dim3A_1305 = vector.broadcast %jit3A_1304 : f32 to vector<16xf32>
    %select_n3A_1306 = arith.select %eq3A_60, %mul3A_1303, %broadcast_in_dim3A_1305 : vector<16xi1>, vector<16xf32>
    %add3A_1307 = arith.addf %add3A_1243, %select_n3A_1306 : vector<16xf32>
    %eq3A_1308 = arith.constant 3 : i32
    %eq3A_1309 = vector.broadcast %eq3A_1308 : i32 to vector<16xi32>
    %eq3A_1310 = arith.cmpi eq, %iota3A, %eq3A_1309 : vector<16xi32>
    %reduce_sum3A_1311 = arith.constant true
    %reduce_sum3A_1312 = vector.broadcast %reduce_sum3A_1311 : i1 to vector<16xi1>
    %reduce_sum3A_1313 = tpu.scan <sum>, %add3A_1307 masked %reduce_sum3A_1312 : vector<16xf32>, vector<16xi1> -> vector<16xf32>
    %reduce_sum3A_1314 = vector.extract %reduce_sum3A_1313[15] : f32 from vector<16xf32>
    %broadcast_in_dim3A_1315 = vector.broadcast %reduce_sum3A_1314 : f32 to vector<16xf32>
    %select_n3A_1316 = arith.select %eq3A_1310, %broadcast_in_dim3A_1315, %select_n3A_1093 : vector<16xi1>, vector<16xf32>
    %swap3A_1317 = arith.constant 0 : index
    %swap3A_1318 = tpu.vector_load %arg5[%swap3A_1317] {strides = array<i32>} : memref<16xf32, #tpu.memory_space<vmem>>, vector<16xf32>,
    tpu.vector_store %arg5[%swap3A_1317], %select_n3A_1316 {strides = array<i32>} : memref<16xf32, #tpu.memory_space<vmem>>, vector<16xf32>,
    "tpu.region"() ({
      %run_scoped3A = tpu.sem_alloc : memref<!tpu.dma_semaphore, #tpu.memory_space<semaphore_mem>>
      %dma_start3A_1319 = arith.constant 0 : i32
      %dma_start3A_1320 = tpu.memref_slice %arg3[%add3A, %dma_start3A_1319] : memref<32x16xf32, #tpu.memory_space<hbm>> -> memref<1x16xf32, #tpu.memory_space<hbm>>
      %dma_start3A_1321 = tpu.memref_squeeze %dma_start3A_1320 : memref<1x16xf32, #tpu.memory_space<hbm>> -> memref<16xf32, #tpu.memory_space<hbm>>
      %dma_start3A_1322 = arith.constant 0 : i32
      %dma_start3A_1323 = tpu.memref_slice %arg3[%add3A, %dma_start3A_1322] : memref<32x16xf32, #tpu.memory_space<hbm>> -> memref<1x16xf32, #tpu.memory_space<hbm>>
      %dma_start3A_1324 = tpu.memref_squeeze %dma_start3A_1323 : memref<1x16xf32, #tpu.memory_space<hbm>> -> memref<16xf32, #tpu.memory_space<hbm>>
      tpu.enqueue_dma source(%arg5 : memref<16xf32, #tpu.memory_space<vmem>>) target(%dma_start3A_1324 : memref<16xf32, #tpu.memory_space<hbm>>) target_semaphore(%run_scoped3A : memref<!tpu.dma_semaphore, #tpu.memory_space<semaphore_mem>>)
      %dma_wait3A_1325 = arith.constant 0 : i32
      %dma_wait3A_1326 = tpu.memref_slice %arg3[%add3A, %dma_wait3A_1325] : memref<32x16xf32, #tpu.memory_space<hbm>> -> memref<1x16xf32, #tpu.memory_space<hbm>>
      %dma_wait3A_1327 = tpu.memref_squeeze %dma_wait3A_1326 : memref<1x16xf32, #tpu.memory_space<hbm>> -> memref<16xf32, #tpu.memory_space<hbm>>
      %dma_wait3A_1328 = arith.constant 0 : i32
      %dma_wait3A_1329 = tpu.memref_slice %arg3[%add3A, %dma_wait3A_1328] : memref<32x16xf32, #tpu.memory_space<hbm>> -> memref<1x16xf32, #tpu.memory_space<hbm>>
      %dma_wait3A_1330 = tpu.memref_squeeze %dma_wait3A_1329 : memref<1x16xf32, #tpu.memory_space<hbm>> -> memref<16xf32, #tpu.memory_space<hbm>>
      tpu.wait_dma2 semaphore(%run_scoped3A : memref<!tpu.dma_semaphore, #tpu.memory_space<semaphore_mem>>) src(%arg5 : memref<16xf32, #tpu.memory_space<vmem>>) dst(%dma_wait3A_1330 : memref<16xf32, #tpu.memory_space<hbm>>)
      tpu.yield
    }) : () -> ()
    return
  }
}

</mosaic_0001>

<sc_bundles>
// kernel: kernel.3.cloned.1.call-start
scs
__scs_entry_jumppad:
0x0: {  	(pc) =	sbr.rel $0x88, $3  }
0x1: {  	(tag) =	ssettag $0x0;
	lr =	simm.s32 $0x1  }
0x2: {  	[smem:$0x3FA0] =	sst lr;
	_ =	strace $0xD0000000  }
0x3: {  	_ = 	snop  }
0x4: {  	_ = 	snop  }
0x5: {  	_ = 	snop  }
0x6: {  	_ = 	snop  }
0x7: {  	_ = 	snop  }
__scs_overlays_trampoline_lowered:
0x8: {  	[smem:$0x3FAF] =	sst s0  }
0x9: {  	[smem:$0x3FB0] =	sst s1  }
0xa: {  	[smem:$0x3FB1] =	sst s2  }
0xb: {  	[smem:$0x3FB2] =	sst s3  }
0xc: {  	[smem:$0x3FB3] =	sst s4  }
0xd: {  	[smem:$0x3FB4] =	sst s5  }
0xe: {  	[smem:$0x3FB5] =	sst s6  }
0xf: {  	[smem:$0x3FB6] =	sst s7  }
0x10: {  	[smem:$0x3FB7] =	sst s8  }
0x11: {  	[smem:$0x3FB8] =	sst s9;
	s0 =	simm.s32 @!p0 $0x0  }
0x12: {  	s1 =	sld [smem:$0x3F9E];
	s0 =	simm.s32 @p0 $0x1  }
0x13: {  	[smem:$0x3FB9] =	sst s0;
	s0 =	simm.s32 @!p1 $0x0  }
0x14: {  	s2 =	sld [smem:$0x3F9D];
	s0 =	simm.s32 @p1 $0x1  }
0x15: {  	[smem:$0x3FBA] =	sst s0;
	s0 =	simm.s32 @!p2 $0x0  }
0x16: {  	s3 =	sld [smem:$0x3FDB];
	s0 =	simm.s32 @p2 $0x1  }
0x17: {  	s4 =	simm.s32 $0x1BF5;
	[smem:$0x3FBC] =	sst s0  }
0x18: {  	s0 =	sld [smem:$0x3F9F];
	_ =	swait.ge [sflag:s4], $0x0  }
0x19: {  	s7 =	sld [smem:$0x3FA0]  }
0x1a: {  	s8 =	sadd.s32 $0xFFFFE003, lr  }
0x1b: {  	s9 =	sadd.s32 $0xFFFFFEF7, lr;
	s5 =	simm.s32 $0xFFFFFFFF;
	p2 =	slt.u32 s8, $0xFFFFF086  }
0x1c: {  	p1 =	slt.u32 s9, $0xF7A;
	s5 =	simm.s32 @!p2 $0x0  }
0x1d: {  	s5 =	simm.s32 @p1 $0x1;
	p0 =	seq.s32 s7, s2  }
0x1e: {  	s7 =	smul.u32 @!p0 $0xF7A, s2;
	p2 =	seq.s32 @!p0 s5, $0x0  }
0x1f: {  	s9 =	smul.u32 $0xF7A, s1;
	s8 =	simm.s32 @!p0 $0x1BF5;
	p2 =	por !p2, p0  }
0x20: {  	[sflag:s8] =	ssyncset.s32 @!p0 $0xFFFFF086;
	s6 =	sadd.s32 @!p0 s3, s7;
	s7 =	simm.s32 @!p0 $0x108  }
0x21: {  	s3 =	sadd.s32 s3, s9;
	s6 =	sadd.s32 @!p0 $0x88, s6;
	s7 =	simm.s32 @p2 $0x1082  }
0x22: {  	[simem:s7], [sflag:s8] =	dma.local @!p0 [hbm:s6], $0xF7A  }
0x23: {  	s9 =	sor.u32 $0xD0000000, s2;
	s6 =	simm.s32 $0x108;
	_ =	swait.ge @!p0 [sflag:s8], $0x0  }
0x24: {  	s3 =	sadd.s32 $0x88, s3;
	s6 =	simm.s32 @!p1 $0x1082;
	[sflag:s4] =	ssyncset.s32 $0xFFFFF086  }
0x25: {  	[simem:s6], [sflag:s4] =	dma.local [hbm:s3], $0xF7A  }
0x26: {  	[smem:$0x3FA0] =	sst s1;
	(tag) =	ssettag s2;
	_ =	strace s9  }
0x27: {  	s1 =	sld [smem:$0x3FB0]  }
0x28: {  	s2 =	sld [smem:$0x3FB1]  }
0x29: {  	s4 =	sld [smem:$0x3FB3]  }
0x2a: {  	p0 =	seq.s32 s5, $0x0;
	s5 =	sld [smem:$0x3FB4]  }
0x2b: {  	s6 =	sld [smem:$0x3FB5]  }
0x2c: {  	s7 =	sld [smem:$0x3FB6]  }
0x2d: {  	s3 =	simm.s32 $0x108;
	s8 =	sld [smem:$0x3FB7]  }
0x2e: {  	s3 =	simm.s32 @!p0 $0x1082;
	s9 =	sld [smem:$0x3FB8]  }
0x2f: {  	lr =	sadd.s32 s0, s3;
	s0 =	sld [smem:$0x3FAF]  }
0x30: {  	s3 =	sld [smem:$0x3FB2]  }
0x31: {  	[smem:$0x3FBB] =	sst s10  }
0x32: {  	s10 =	sld [smem:$0x3FB9];
	_ =	sdelay $0x3  }
0x33: {  	p0 =	seq.s32 s10, $0x1;
	s10 =	sld [smem:$0x3FBB];
	_ =	sdelay $0x3  }
0x34: {  	[smem:$0x3FBB] =	sst s10  }
0x35: {  	s10 =	sld [smem:$0x3FBA];
	_ =	sdelay $0x3  }
0x36: {  	p1 =	seq.s32 s10, $0x1;
	s10 =	sld [smem:$0x3FBB];
	_ =	sdelay $0x3  }
0x37: {  	[smem:$0x3FBB] =	sst s10  }
0x38: {  	s10 =	sld [smem:$0x3FBC]  }
0x39: {  	_ = 	snop;
	(pc) =	sbr.ind lr, $3  }
0x3a: {  	_ = 	snop  }
0x3b: {  	_ = 	snop  }
0x3c: {  	p2 =	seq.s32 s10, $0x1;
	s10 =	sld [smem:$0x3FBB]  }
0x3d: {  	_ =	shalt  }
0x3e: {  	_ =	shalt  }
0x3f: {  	_ =	shalt  }
0x40: {  	_ =	shalt  }
0x41: {  	_ =	shalt  }
0x42: {  	_ =	shalt  }
0x43: {  	_ =	shalt  }
0x44: {  	_ =	shalt  }
0x45: {  	_ =	shalt  }
0x46: {  	_ =	shalt  }
0x47: {  	_ =	shalt  }
0x48: {  	_ =	shalt  }
0x49: {  	_ =	shalt  }
0x4a: {  	_ =	shalt  }
0x4b: {  	_ =	shalt  }
0x4c: {  	_ =	shalt  }
0x4d: {  	_ =	shalt  }
0x4e: {  	_ =	shalt  }
0x4f: {  	_ =	shalt  }
0x50: {  	_ =	shalt  }
0x51: {  	_ =	shalt  }
0x52: {  	_ =	shalt  }
0x53: {  	_ =	shalt  }
0x54: {  	_ =	shalt  }
0x55: {  	_ =	shalt  }
0x56: {  	_ =	shalt  }
0x57: {  	_ =	shalt  }
0x58: {  	_ =	shalt  }
0x59: {  	_ =	shalt  }
0x5a: {  	_ =	shalt  }
0x5b: {  	_ =	shalt  }
0x5c: {  	_ =	shalt  }
0x5d: {  	_ =	shalt  }
0x5e: {  	_ =	shalt  }
0x5f: {  	_ =	shalt  }
0x60: {  	_ =	shalt  }
0x61: {  	_ =	shalt  }
0x62: {  	_ =	shalt  }
0x63: {  	_ =	shalt  }
0x64: {  	_ =	shalt  }
0x65: {  	_ =	shalt  }
0x66: {  	_ =	shalt  }
0x67: {  	_ =	shalt  }
0x68: {  	_ =	shalt  }
0x69: {  	_ =	shalt  }
0x6a: {  	_ =	shalt  }
0x6b: {  	_ =	shalt  }
0x6c: {  	_ =	shalt  }
0x6d: {  	_ =	shalt  }
0x6e: {  	_ =	shalt  }
0x6f: {  	_ =	shalt  }
0x70: {  	_ =	shalt  }
0x71: {  	_ =	shalt  }
0x72: {  	_ =	shalt  }
0x73: {  	_ =	shalt  }
0x74: {  	_ =	shalt  }
0x75: {  	_ =	shalt  }
0x76: {  	_ =	shalt  }
0x77: {  	_ =	shalt  }
0x78: {  	_ =	shalt  }
0x79: {  	_ =	shalt  }
0x7a: {  	_ =	shalt  }
0x7b: {  	_ =	shalt  }
0x7c: {  	_ =	shalt  }
0x7d: {  	_ =	shalt  }
0x7e: {  	_ =	shalt  }
0x7f: {  	_ =	shalt  }
0x80: {  	_ =	shalt  }
0x81: {  	_ =	shalt  }
0x82: {  	_ =	shalt  }
0x83: {  	_ =	shalt  }
0x84: {  	_ =	shalt  }
0x85: {  	_ =	shalt  }
0x86: {  	_ =	shalt  }
0x87: {  	_ =	shalt  }
.Lfunc_end0:
.L_simem_size_0:
called_computation_lowered:
.L_overlay_start_0:
0x88: {  	s2 =	sld [smem:$0x3FD9]  }
0x89: {  	s3 =	sld [smem:$0x3FFE];
	_ =	sdelay $0x1  }
0x8a: {  	s1 =	srdreg.scid  }
0x8b: {  	s0 =	sand.u32 $0x1, s1  }
0x8c: {  	s16 =	sshll.u32 s0, $0xA;
	s2 =	sadd.s32 s3, s2  }
0x8d: {  	s2 =	sadd.s32 s2, s16  }
0x8e: {  	[smem:$0x3FC7] =	sst s2  }
0x8f: {  	_ = 	snop  }
0x90: {  	(tm) =	ssettm $0x1  }
0x91: {  	s17 =	sld [smem:$0x3FFB];
	_ =	sdelay $0x3  }
0x92: {  	_ =	strace s17  }
0x93: {  	s2 =	sld [smem:$0x3FFC];
	_ =	sdelay $0x3  }
0x94: {  	_ =	strace s2  }
0x95: {  	s2 =	sld [smem:$0x3FFD];
	_ =	sdelay $0x3  }
0x96: {  	_ =	strace s2  }
0x97: {  	_ =	strace $0x8FFFFFFF  }
0x98: {  	s18 =	sld [smem:$0x3FDB];
	_ =	sdelay $0x1  }
0x99: {  	s19 =	simm.s32 $_scs_section_size  }
0x9a: {  	s4 =	simm.s32 $_size__tile_overlayer_lowered;
	s5 =	simm.s32 $_tile_overlayer_lowered  }
0x9b: {  	s22 =	simm.s32 $0x1BFF;
	s21 =	sshll.u32 s5, $0x1;
	s2 =	sadd.s32 s19, s18  }
0x9c: {  	s6 =	simm.s32 $0x0;
	s20 =	sshll.u32 s4, $0x1;
	s4 =	sadd.s32 s21, s2  }
0x9d: {  	[timem:s6], [sflag:s22] =	dma.local [hbm:s4], s20  }
0x9e: {  	_ =	swait.ge [sflag:s22], s20  }
0x9f: {  	s3 =	ssub.s32 $0x0, s20;
	[sflag:s22] =	ssyncset.done $0x0  }
0xa0: {  	[sflag:s22] =	ssyncadd.s32 s3;
	_ =	sdelay $0x1  }
0xa1: {  	s23 =	simm.s32 $0x1B8B  }
0xa2: {  	_ =	swait.ge [sflag:s23], $0x1  }
0xa3: {  	[sflag:s23] =	ssyncset.done $0x0  }
0xa4: {  	s25 =	simm.s32 $0x1B8E;
	s24 =	sld [smem:$0x3FFE];
	[sflag:s23] =	ssyncadd.s32 $0xFFFFFFFF  }
0xa5: {  	s26 =	simm.s32 $execute0_lowered;
	[smem:$0x3FD2] =	sst s25  }
0xa6: {  	s4 =	sshll.u32 s26, $0x1;
	_ =	strace $0x80000046;
	[dreg:$0x1] =	wrdreg $0xFFFFFFFF  }
0xa7: {  	s28 =	simm.s32 $_size_execute0_lowered;
	s2 =	sadd.s32 s2, s4;
	[dreg:$0x0] =	wrdreg $0x0  }
0xa8: {  	s4 =	sshll.u32 s28, $0x1;
	[dreg:$0x2] =	wrdreg s2  }
0xa9: {  	[dreg:$0x3] =	wrdreg s4  }
0xaa: {  	[dreg:$0x4] =	wrdreg $0xC0  }
0xab: {  	_ =	task [dreg:s6], $0x5FFFF  }
0xac: {  	[dreg:$0x1] =	wrdreg $0xFFFFFFFF  }
0xad: {  	[dreg:$0x0] =	wrdreg $0x60  }
0xae: {  	[dreg:$0x2] =	wrdreg s24  }
0xaf: {  	[dreg:$0x3] =	wrdreg $0x9  }
0xb0: {  	_ =	task.clear_ibuf [dreg:s6], $0x4FFFF;
	_ =	strace $0x90000046  }
0xb1: {  	s29 =	simm.s32 $0x9;
	_ =	strace $0x80000048  }
0xb2: {  	_ =	swait.ge [sflag:s29], $0x1  }
0xb3: {  	[sflag:s29] =	ssyncadd.s32 $0xFFFFFFFF  }
0xb4: {  	_ =	strace $0x90000048  }
0xb5: {  	_ =	sfence  }
0xb6: {  	s30 =	sld [smem:$0x0];
	_ =	sdelay $0x2  }
0xb7: {  	s31 =	sshll.u32 s1, $0xD;
	s1 =	sshrl.u32 s1, $0x2  }
0xb8: {  	s3 =	sand.u32 $0x4000, s31;
	s1 =	sadd.s32 s1, s30  }
0xb9: {  	s0 =	sor.u32 s3, s0;
	s1 =	sshll.u32 s1, $0x11  }
0xba: {  	s0 =	sor.u32 s1, s0  }
0xbb: {  	s0 =	sadd.s32 $0x8F2B, s0  }
0xbc: {  	[sflag:s0] =	ssyncadd.remote.s32 $0x1  }
0xbd: {  	_ =	sfence.sel $0xFFFF  }
0xbe: {  	[dreg:$0x0] =	wrdreg $0xFFFFFFFF;
	(pc) =	sbr.abs _section_cstart, $3  }
0xbf: {  	[dreg:$0x1] =	wrdreg $0xFFFFFFFF  }
0xc0: {  	_ =	task.clear_ibuf [dreg:s6], $0x2FFFF;
	_ =	strace $0x9FFFFFFF  }
0xc1: {  	(tm) =	ssettm $0x7FFFFFFF  }
tec
execute0_lowered:
.L_overlay_start_1:
0x0: {  	(tag) =	ssettag $0x1  }
0x1: {  	v0 =	vimm.f32 $2.599987030e+00;
	vm0 =	vcmask $0x300;
	vm13 =	vcmask $0x704  }
0x2: {  	vm1 =	vcmask $0xB08;
	vm12 =	vcmask $0xF0C;
	vm2 =	vcmask $0x1310  }
0x3: {  	vm11 =	vcmask $0x1714;
	vm3 =	vcmask $0x1B18;
	vm9 =	vcmask $0x1F1C  }
0x4: {  	vm4 =	vcmask $0x2320;
	vm8 =	vcmask $0x2724;
	vm5 =	vcmask $0x2B28  }
0x5: {  	vm10 =	vcmask $0x2F2C;
	v1 =	vimm.f32 $5.999870300e-01;
	vm6 =	vcmask $0x3330  }
0x6: {  	vm14 =	vcmask $0x3734;
	v2 =	vimm.f32 $2.790845870e+00;
	vm7 =	vcmask $0x3B38  }
0x7: {  	v41 =	vimm.f32 $7.908459900e-01;
	v4 =	vimm.f32 $2.488451240e+00;
	v5 =	vimm.f32 $2.893052580e+00  }
0x8: {  	v8 =	vimm.f32 $4.884512420e-01;
	v45 =	vimm.f32 $8.930526970e-01;
	v47 =	vimm.f32 $3.812309650e+01  }
0x9: {  	s1 =	simm.s32 $0x0;
	v53 =	vimm.f32 $4.366827390e+01;
	vm15 =	vcmask $0x231C;
	v56 =	vimm.f32 $4.713401030e+01  }
0xa: {  	v60 =	vimm.f32 $4.921345140e+01;
	v0 =	vsel vm0, $0x400EC000, v0;
	[smem:$0x7FF] =	sst s1;
	v1 =	vsel vm0, $0x3E6C0000, v1  }
0xb: {  	v2 =	vsel vm0, $0x401446D8, v2;
	v4 =	vsel vm0, $0x40098D04, v4;
	v5 =	vsel vm0, $0x403083AE, v5  }
0xc: {  	s3 =	rddreg [dreg:$0x0];
	v8 =	vsel vm0, $0x3E18D048, v8;
	v61 =	vsel vm0, $0x423C893A, v60;
	v0 =	vsel vm13, $0x403BB844, v0  }
0xd: {  	s0 =	rddreg [dreg:$0x1];
	_ =	strace $0x80000047;
	v1 =	vsel vm13, $0x3F6EE110, v1;
	v2 =	vsel vm13, $0x40035CD2, v2  }
0xe: {  	v4 =	vsel vm13, $0x401DB05A, v4;
	v5 =	vsel vm13, $0x400238A8, v5;
	v8 =	vsel vm13, $0x3EED82D4, v8  }
0xf: {  	v0 =	vsel vm1, $0x402E7871, v0;
	v1 =	vsel vm1, $0x3F39E1C4, v1;
	v40 =	vsel vm1, $0x4028EC22, v2  }
0x10: {  	v2 =	vsel vm0, $0x3EA236C0, v41;
	v4 =	vsel vm1, $0x40367EDC, v4;
	v5 =	vsel vm1, $0x400DB25D, v5  }
0x11: {  	v8 =	vsel vm1, $0x3F59FB70, v8;
	v0 =	vsel vm12, $0x4022BE34, v0;
	v1 =	vsel vm12, $0x3F0AF8D0, v1  }
0x12: {  	v2 =	vsel vm13, $0x3D573460, v2;
	v4 =	vsel vm12, $0x400A6F4C, v4;
	v5 =	vsel vm12, $0x401AE036, v5  }
0x13: {  	v8 =	vsel vm12, $0x3E26F4C0, v8;
	v0 =	vsel vm2, $0x401A3EBC, v0;
	v1 =	vsel vm2, $0x3ED1F5E4, v1  }
0x14: {  	v2 =	vsel vm1, $0x3F23B088, v2;
	v4 =	vsel vm2, $0x401CECB1, v4;
	v5 =	vsel vm2, $0x4029F88E, v5  }
0x15: {  	v44 =	vsel vm2, $0x3EE76588, v8;
	v8 =	vsel vm0, $0x3F420EB8, v45;
	v0 =	vsel vm11, $0x402EB39B, v0  }
0x16: {  	v39 =	vsel vm11, $0x3F3ACE6C, v1;
	v1 =	vsel vm12, $0x400FD540, v40;
	v2 =	vsel vm12, $0x3E7D5400, v2  }
0x17: {  	v4 =	vsel vm11, $0x40335098, v4;
	v5 =	vsel vm11, $0x403B374E, v5;
	v0 =	vsel vm3, $0x40282E70, v0  }
0x18: {  	v8 =	vsel vm13, $0x3D0E2A00, v8;
	v1 =	vsel vm2, $0x4036F7D2, v1;
	v0 =	vsel vm9, $0x401127D4, v0  }
0x19: {  	v2 =	vsel vm2, $0x3F5BDF4A, v2;
	v4 =	vsel vm3, $0x4007252E, v4;
	v0 =	vsel vm4, $0x402DBA7A, v0  }
0x1a: {  	v5 =	vsel vm3, $0x40076F2A, v5;
	v46 =	vsel vm1, $0x3E5B25D0, v8;
	v0 =	vsel vm8, $0x40026FF4, v0  }
0x1b: {  	v8 =	vsel vm0, $0x41265AF6, v47;
	v1 =	vsel vm11, $0x4016FABB, v1;
	v0 =	vsel vm5, $0x4009A8B4, v0  }
0x1c: {  	v42 =	vsel vm11, $0x3EB7D5D8, v2;
	v1 =	vsel vm3, $0x403D02CB, v1;
	v0 =	vsel vm10, $0x400BFA5A, v0  }
0x1d: {  	v4 =	vsel vm9, $0x40175128, v4;
	v1 =	vsel vm9, $0x40186ED9, v1;
	v0 =	vsel vm6, $0x4009CB04, v0  }
0x1e: {  	v5 =	vsel vm9, $0x40129AFA, v5;
	v1 =	vsel vm4, $0x403B52B7, v1;
	v0 =	vsel vm14, $0x40041CA6, v0  }
0x1f: {  	v8 =	vsel vm13, $0x419B43D5, v8;
	v1 =	vsel vm8, $0x4014DAF0, v1;
	v0 =	vsel vm7, $0x40385D1A, v0  }
0x20: {  	vm13 =	vcmask $0x130C;
	v1 =	vsel vm5, $0x403359BE, v1;
	(erf) = vrcp.f32 v0  }
0x21: {  	v4 =	vsel vm4, $0x402A9E42, v4;
	v1 =	vsel vm10, $0x400D848E, v1;
	v0 =	vsel vm3, $0x3F20B9BE, v39  }
0x22: {  	v5 =	vsel vm4, $0x401F46B4, v5;
	v1 =	vsel vm6, $0x4027182C, v1;
	v0 =	vsel vm9, $0x3E893E9C, v0  }
0x23: {  	v8 =	vsel vm1, $0x41BC893A, v8;
	v1 =	vsel vm14, $0x4003E2A9, v1;
	v0 =	vsel vm4, $0x3F36E9EA, v0  }
0x24: {  	v4 =	vsel vm8, $0x4000C6EB, v4;
	v1 =	vsel vm7, $0x40189632, v1;
	v0 =	vsel vm8, $0x3D1BFCE0, v0  }
0x25: {  	v5 =	vsel vm8, $0x402D9DB8, v5;
	(erf) = vrcp.f32 v1;
	v0 =	vsel vm5, $0x3E1A8B38, v0  }
0x26: {  	v4 =	vsel vm5, $0x400E591E, v4;
	v1 =	vsel vm3, $0x3F740B2C, v42;
	v0 =	vsel vm10, $0x3E3FA5A8, v0  }
0x27: {  	v5 =	vsel vm5, $0x403DCF62, v5;
	v1 =	vsel vm9, $0x3EC376C8, v1;
	v0 =	vsel vm6, $0x3E1CB040, v0  }
0x28: {  	v4 =	vsel vm10, $0x401E583D, v4;
	v1 =	vsel vm4, $0x3F6D4ADC, v1;
	v0 =	vsel vm14, $0x3D8394D0, v0  }
0x29: {  	v5 =	vsel vm10, $0x400807AD, v5;
	v1 =	vsel vm8, $0x3EA6D784, v1;
	v0 =	vsel vm7, $0x3F617468, v0;
	v3 =	vpop (erf)  }
0x2a: {  	v4 =	vsel vm6, $0x40312115, v4;
	v1 =	vsel vm5, $0x3F4D66FA, v1;
	v0 =	vmul.f32 v0, v3  }
0x2b: {  	v5 =	vsel vm6, $0x40124AF3, v5;
	v4 =	vsel vm14, $0x40038DDB, v4;
	v1 =	vsel vm10, $0x3E5848E0, v1  }
0x2c: {  	v4 =	vsel vm7, $0x40105E49, v4;
	v1 =	vsel vm6, $0x3F1C60B2, v1;
	v3 =	vmul.f32 v0, v0  }
0x2d: {  	v5 =	vsel vm14, $0x401DD01A, v5;
	v1 =	vsel vm14, $0x3D78AA40, v1;
	(erf) = vrcp.f32 v4  }
0x2e: {  	v4 =	vsel vm11, $0x3F4D425E, v44;
	v1 =	vsel vm7, $0x3EC4B194, v1;
	v6 =	vpop (erf);
	v43 =	vmul.f32 $9.090909360e-02, v3  }
0x2f: {  	v5 =	vsel vm7, $0x402AB85D, v5;
	v4 =	vsel vm3, $0x3DE4A5B0, v4;
	v1 =	vmul.f32 v1, v6  }
0x30: {  	(erf) = vrcp.f32 v5;
	v5 =	vsel vm12, $0x3ED701AC, v46;
	v2 =	vadd.f32 $1.111111120e-01, v43  }
0x31: {  	v4 =	vsel vm9, $0x3EBA8940, v4;
	v5 =	vsel vm2, $0x3F27E238, v5;
	v6 =	vmul.f32 v1, v1  }
0x32: {  	v4 =	vsel vm4, $0x3F2A7906, v4;
	v5 =	vsel vm11, $0x3F6CDD38, v5;
	v2 =	vmul.f32 v2, v3  }
0x33: {  	v4 =	vsel vm8, $0x3C46EB00, v4;
	v5 =	vsel vm3, $0x3DEDE540, v5;
	v7 =	vmul.f32 $9.090909360e-02, v6  }
0x34: {  	v4 =	vsel vm5, $0x3E6591E0, v4;
	v5 =	vsel vm9, $0x3E94D7CC, v5;
	v2 =	vadd.f32 $1.428571490e-01, v2  }
0x35: {  	v4 =	vsel vm10, $0x3EF2C1E8, v4;
	v5 =	vsel vm4, $0x3EFA35A4, v5;
	v7 =	vadd.f32 $1.111111120e-01, v7  }
0x36: {  	v4 =	vsel vm6, $0x3F448454, v4;
	v5 =	vsel vm8, $0x3F3676E2, v5;
	v2 =	vmul.f32 v2, v3  }
0x37: {  	v4 =	vsel vm14, $0x3D6376C0, v4;
	v5 =	vsel vm5, $0x3F773D8A, v5;
	v7 =	vmul.f32 v7, v6  }
0x38: {  	v9 =	vpop (erf);
	v4 =	vsel vm7, $0x3E82F248, v4;
	v5 =	vsel vm10, $0x3E007AD0, v5;
	v2 =	vadd.f32 $2.000000030e-01, v2  }
0x39: {  	v4 =	vmul.f32 v4, v9;
	v5 =	vsel vm6, $0x3E925798, v5;
	v7 =	vadd.f32 $1.428571490e-01, v7  }
0x3a: {  	v8 =	vsel vm12, $0x41D2B77C, v8;
	v5 =	vsel vm14, $0x3EEE80D0, v5;
	v2 =	vmul.f32 v2, v3  }
0x3b: {  	v10 =	vpop (erf);
	v9 =	vmul.f32 v4, v4;
	v5 =	vsel vm7, $0x3F2AE174, v5;
	v7 =	vmul.f32 v7, v6  }
0x3c: {  	v48 =	vsel vm2, $0x41E35A2F, v8;
	v5 =	vmul.f32 v5, v10;
	v2 =	vadd.f32 $3.333333430e-01, v2  }
0x3d: {  	vm12 =	vcmask $0xB04;
	v49 =	vmul.f32 $9.090909360e-02, v9;
	v7 =	vadd.f32 $2.000000030e-01, v7  }
0x3e: {  	v10 =	vmul.f32 v5, v5;
	v2 =	vmul.f32 v2, v3;
	v3 =	vsel vm11, $0x41EE7150, v48  }
0x3f: {  	v0 =	vadd.f32 v0, v0;
	v7 =	vmul.f32 v7, v6;
	v3 =	vsel vm3, $0x41F98872, v3  }
0x40: {  	v8 =	vadd.f32 $1.111111120e-01, v49;
	v52 =	vmul.f32 $9.090909360e-02, v10;
	v3 =	vsel vm9, $0x42024FCA, v3  }
0x41: {  	v1 =	vadd.f32 v1, v1;
	v7 =	vadd.f32 $3.333333430e-01, v7;
	v3 =	vsel vm4, $0x42051592, v3  }
0x42: {  	v50 =	vmul.f32 v8, v9;
	v51 =	vsel vm8, $0x420AA123, v3;
	v3 =	vadd.f32 $1.111111120e-01, v52  }
0x43: {  	vm14 =	vcmask $0x1B14;
	v2 =	vadd.f32 $1.000000000e+00, v2;
	v6 =	vmul.f32 v7, v6  }
0x44: {  	v4 =	vadd.f32 v4, v4;
	v7 =	vadd.f32 $1.428571490e-01, v50;
	v3 =	vmul.f32 v3, v10  }
0x45: {  	v59 =	vadd.f32 v5, v5;
	v0 =	vmul.f32 v2, v0;
	v6 =	vadd.f32 $1.000000000e+00, v6  }
0x46: {  	v7 =	vmul.f32 v7, v9;
	v2 =	vsel vm5, $0x420D66EB, v51;
	v3 =	vadd.f32 $1.428571490e-01, v3  }
0x47: {  	vm8 =	vcmask $0x3B34;
	v2 =	vsel vm10, $0x42102CB4, v2;
	v1 =	vmul.f32 v6, v1  }
0x48: {  	v6 =	vsel vm0, $0x421B43D5, v53;
	v7 =	vadd.f32 $2.000000030e-01, v7;
	v3 =	vmul.f32 v3, v10  }
0x49: {  	v2 =	vsel vm6, $0x4212F27C, v2;
	v6 =	vsel vm12, $0x421E099D, v6;
	vm12 =	vcmask $0x2B24  }
0x4a: {  	v6 =	vsel vm13, $0x4220CF66, v6;
	v7 =	vmul.f32 v7, v9;
	v3 =	vadd.f32 $2.000000030e-01, v3  }
0x4b: {  	vm13 =	vcmask $0x332C;
	v2 =	vsel vm8, $0x4215B844, v2;
	v6 =	vsel vm14, $0x4223952E, v6  }
0x4c: {  	v6 =	vsel vm15, $0x42265AF6, v6;
	v7 =	vadd.f32 $3.333333430e-01, v7;
	v54 =	vmul.f32 v3, v10  }
0x4d: {  	v0 =	vadd.f32 v2, v0;
	vm14 =	vcmask $0xB00;
	v6 =	vsel vm12, $0x422920BF, v6  }
0x4e: {  	v7 =	vmul.f32 v7, v9;
	v6 =	vsel vm13, $0x422BE687, v6;
	v2 =	vadd.f32 $3.333333430e-01, v54  }
0x4f: {  	vm15 =	vcmask $0x170C;
	vm12 =	vcmask $0x2318;
	v1 =	vadd.f32 v6, v1  }
0x50: {  	v6 =	vsel vm14, $0x42317218, v56;
	v55 =	vadd.f32 $1.000000000e+00, v7;
	v2 =	vmul.f32 v2, v10  }
0x51: {  	vm13 =	vcmask $0x3324;
	vm14 =	vcmask $0x1704;
	v6 =	vsel vm15, $0x423437E0, v6  }
0x52: {  	v6 =	vsel vm12, $0x4236FDA9, v6;
	v57 =	vmul.f32 v55, v4;
	v2 =	vadd.f32 $1.000000000e+00, v2  }
0x53: {  	v3 =	vsel vm14, $0x423F4F02, v61;
	vm15 =	vcmask $0x2B18;
	v58 =	vsel vm13, $0x4239C371, v6  }
0x54: {  	v0 =	vadd.f32 v1, v0;
	v1 =	vadd.f32 v58, v57;
	v2 =	vmul.f32 v2, v59  }
0x55: {  	v3 =	vsel vm15, $0x424214CA, v3  }
0x56: {  	v0 =	vadd.f32 v0, v1;
	v62 =	vadd.f32 v3, v2;
	_ =	sdelay $0x1  }
0x57: {  	v0 =	vadd.f32 v0, v62;
	_ =	sdelay $0x1  }
0x58: {  	(xrf2) =	vadd.scan.msk.f32 $0xffff, v0;
	_ =	sdelay $0x9  }
0x59: {  	v0, _, _ =	vpop (xrf2)  }
0x5a: {  	(v2sf) =	vpush v0, $0xF;
	_ =	sdelay $0x7  }
0x5b: {  	s2 =	srdreg.scid;
	s12 =	simm.s32 $0xC00  }
0x5c: {  	s13 =	simm.s32 $0x1;
	s14 =	simm.s32 $0x2;
	s15 =	simm.s32 $0x3  }
0x5d: {  	s16 =	simm.s32 $0x4;
	s17 =	simm.s32 $0x1080;
	s18 =	simm.s32 $0x5  }
0x5e: {  	s19 =	simm.s32 $0x0;
	s4 =	sand.u32 $0x1, s2;
	s2 =	stileid.u32  }
0x5f: {  	s5 =	sshll.u32 s4, $0x4;
	s6 =	sshll.u32 s2, $0x6;
	s4 =	ssub.s32 $0x2, s4  }
0x60: {  	s31 =	sshll.u32 s2, $0x4;
	s5 =	sor.u32 s2, s5;
	s8 =	sshrl.u32 s4, $0x1  }
0x61: {  	s7 =	sshll.u32 s5, $0x9;
	s8 =	ssub.s32 s4, s8;
	s5 =	sshll.u32 s5, $0x4;
	vm0 =	vmor vm0, vm1  }
0x62: {  	s6 =	sor.u32 s6, s7;
	s7 =	sand.u32 $0x70, s31;
	vm0 =	vmor vm0, vm2;
	s10 =	spop (v2sf)  }
0x63: {  	s9 =	sand.u32 $0x180, s5;
	s6 =	sand.u32 $0x3C40, s6;
	vm0 =	vmor vm0, vm3;
	s11 =	ssub.f32 $0.0e+00, s10  }
0x64: {  	s8 =	smax.u32 s8, $0x1;
	s7 =	sadd.s32 s7, s3;
	s6 =	sadd.s32 s6, s3;
	vm1 =	vcmask $0x1F10;
	vm2 =	vcmask $0x310;
	vm0 =	vmor vm0, vm4  }
0x65: {  	s7 =	sadd.s32 s9, s7;
	s9 =	simm.s32 $0x80;
	s3 =	sadd.s32 $0x600, s6;
	vm3 =	vcmask $0x710;
	vm0 =	vmor vm0, vm5;
	v63 =	vmov s11  }
0x66: {  	s4 =	sadd.s32 $0x610, s6;
	s5 =	sadd.s32 $0x620, s6;
	s6 =	sadd.s32 $0x630, s6;
	vm4 =	vcmask $0xB10;
	vm0 =	vmor vm0, vm6;
	v0 =	vnsel vm1, $0x0, v63  }
0x67: {  	s7 =	sadd.s32 $0x4600, s7;
	vm5 =	vmmov $0x1;
	vm0 =	vmor vm0, vm7;
	s10 =	simm.s32 $0x400;
	s11 =	simm.s32 $0x800;
	vm1 =	vcmask $0x373C;
	[tilespmem:$0x1FFF0] =	vst v0  }
.LBB2_1:
0x68: {  	[tilespmem:s1], [sflag:$0x1] =	stream.strided.gather [hbm4b:s3+s9], $0x400, s10, s9, $0x38;
	[tilespmem:$0x1100] =	vst v63  }
0x69: {  	_ = 	snop  }
0x6a: {  	[tilespmem:s10], [sflag:$0x2] =	stream.strided.gather [hbm4b:s4+s9], $0x400, s10, s9, $0x38;
	[tilespmem:$0x1100] =	vst v63  }
0x6b: {  	_ = 	snop  }
0x6c: {  	[tilespmem:s11], [sflag:$0x3] =	stream.strided.gather [hbm4b:s5+s9], $0x400, s10, s9, $0x38;
	[tilespmem:$0x1100] =	vst v63  }
0x6d: {  	_ = 	snop  }
0x6e: {  	v16 =	vimm.f32 $0.0e+00;
	[tilespmem:s12], [sflag:$0x4] =	stream.strided.gather [hbm4b:s6+s9], $0x400, s10, s9, $0x38;
	[tilespmem:$0x1100] =	vst v63  }
0x6f: {  	[tilespmem:$0x1000] =	vst v16  }
0x70: {  	_ =	swait.ge [sflag:s13], $0x400  }
0x71: {  	[sflag:s13] =	ssyncset.done $0x0  }
0x72: {  	s20 =	simm.s32 $0x0;
	[sflag:s13] =	ssyncadd.s32 $0xFFFFFC00  }
0x73: {  	v0 =	vld [tilespmem:s20+$0x30]  }
0x74: {  	v1 =	vld [tilespmem:s20+$0x32]  }
0x75: {  	v2 =	vld [tilespmem:s20+$0x31]  }
0x76: {  	v3 =	vld [tilespmem:s20+$0x33]  }
0x77: {  	v4 =	vld [tilespmem:s20+$0x20]  }
0x78: {  	v5 =	vld [tilespmem:s20+$0x22]  }
0x79: {  	v6 =	vld [tilespmem:s20+$0x21]  }
0x7a: {  	v7 =	vld [tilespmem:s20+$0x10]  }
0x7b: {  	v8 =	vld [tilespmem:s20+$0x12]  }
0x7c: {  	v9 =	vld [tilespmem:s20+$0x0]  }
0x7d: {  	v10 =	vld [tilespmem:s20+$0x2]  }
0x7e: {  	v11 =	vld [tilespmem:s20+$0x1]  }
0x7f: {  	v12 =	vld [tilespmem:s20+$0x3]  }
0x80: {  	v13 =	vld [tilespmem:s20+$0x11]  }
0x81: {  	v14 =	vld [tilespmem:s20+$0x13]  }
0x82: {  	v15 =	vld [tilespmem:s20+$0x23]  }
0x83: {  	v0 =	vsub.f32 v0, v1;
	v1 =	vsub.f32 v2, v3  }
0x84: {  	v2 =	vsub.f32 v9, v10;
	v3 =	vsub.f32 v11, v12  }
0x85: {  	v4 =	vsub.f32 v4, v5;
	v5 =	vsub.f32 v7, v8  }
0x86: {  	s31 =	simm.s32 $0x40;
	v7 =	vsub.f32 v13, v14;
	v2 =	vmul.f32 v2, v2;
	v3 =	vmul.f32 v3, v3  }
0x87: {  	v17 =	vld [tilespmem:s31+$0x21];
	v8 =	vsub.f32 v6, v15;
	v0 =	vmul.f32 v0, v0;
	v1 =	vmul.f32 v1, v1  }
0x88: {  	v18 =	vld [tilespmem:s31+$0x23];
	v5 =	vmul.f32 v5, v5;
	v7 =	vmul.f32 v7, v7;
	v6 =	vadd.f32 v3, v2  }
0x89: {  	v22 =	vld [tilespmem:s31+$0x10];
	v2 =	vmul.f32 v4, v4;
	v4 =	vmul.f32 v8, v8  }
0x8a: {  	v25 =	vld [tilespmem:s31+$0x12];
	v20 =	vadd.f32 v7, v5;
	v5 =	vshra.s32 v6, $0x1;
	v11 =	vmul.f32 $5.000000000e-01, v6  }
0x8b: {  	v27 =	vld [tilespmem:s31+$0x11];
	v19 =	vadd.f32 v1, v0;
	v21 =	vadd.f32 v4, v2;
	v1 =	vsub.s32 $0x5F3759DF, v5  }
0x8c: {  	v9 =	vld [tilespmem:s31+$0x30];
	v4 =	vshra.s32 v20, $0x1;
	v15 =	vmul.f32 $5.000000000e-01, v20;
	v2 =	vmul.f32 v1, v11  }
0x8d: {  	v10 =	vld [tilespmem:s31+$0x32];
	v13 =	vsub.s32 $0x5F3759DF, v4;
	v4 =	vshra.s32 v21, $0x1;
	v23 =	vmul.f32 $5.000000000e-01, v21  }
0x8e: {  	v3 =	vld [tilespmem:s31+$0x31];
	v14 =	vsub.s32 $0x5F3759DF, v4;
	v2 =	vmul.f32 v1, v2  }
0x8f: {  	v8 =	vld [tilespmem:s31+$0x33];
	v5 =	vmul.f32 v13, v15;
	v7 =	vmul.f32 v14, v23  }
0x90: {  	v12 =	vld [tilespmem:s31+$0x22];
	v24 =	vshra.s32 v19, $0x1;
	v4 =	vmul.f32 $5.000000000e-01, v19;
	v2 =	vsub.f32 $1.500000000e+00, v2  }
0x91: {  	v0 =	vld [tilespmem:s31+$0x20];
	v24 =	vsub.s32 $0x5F3759DF, v24;
	v26 =	vmul.f32 v13, v5;
	v28 =	vmul.f32 v14, v7  }
0x92: {  	v30 =	vld [tilespmem:s31+$0x13];
	v29 =	vmul.f32 v24, v4;
	v7 =	vsub.f32 v9, v10;
	v5 =	vmul.f32 v1, v2  }
0x93: {  	v10 =	vld [tilespmem:s31+$0x0];
	v2 =	vsub.f32 $1.500000000e+00, v26;
	v9 =	vsub.f32 $1.500000000e+00, v28  }
0x94: {  	v3 =	vsub.f32 v3, v8;
	v62 =	vmul.f32 v24, v29;
	v1 =	vld [tilespmem:$0x0];
	v8 =	vmul.f32 v5, v11  }
0x95: {  	v2 =	vmul.f32 v13, v2;
	v13 =	vmul.f32 v14, v9;
	v14 =	vld [tilespmem:s31+$0x2]  }
0x96: {  	v0 =	vsub.f32 v0, v12;
	v12 =	vld [tilespmem:s31+$0x1];
	v26 =	vsub.f32 $1.500000000e+00, v62  }
0x97: {  	v9 =	vsub.f32 v17, v18;
	v17 =	vmul.f32 v8, v5;
	v63 =	vmul.f32 v2, v15;
	v15 =	vld [tilespmem:s31+$0x3]  }
0x98: {  	v11 =	vsub.f32 v27, v30;
	v8 =	vsub.f32 v22, v25;
	v22 =	vmul.f32 v24, v26  }
0x99: {  	s20 =	simm.s32 $0x200;
	v23 =	vmul.f32 v13, v23;
	[tilespmem:$0x1FFE0] =	vst v1;
	v18 =	vsub.f32 $1.500000000e+00, v17;
	v17 =	vmul.f32 v63, v2  }
.LBB2_2:
0x9a: {  	p0 =	sne.s32 s20, $0xE00;
	v10 =	vsub.f32 v10, v14;
	v7 =	vmul.f32 v7, v7;
	v4 =	vmul.f32 v22, v4  }
0x9b: {  	v5 =	vmul.f32 v18, v5;
	v14 =	vsub.f32 $1.500000000e+00, v17;
	v17 =	vmul.f32 v23, v13  }
0x9c: {  	v3 =	vmul.f32 v3, v3;
	v12 =	vsub.f32 v12, v15;
	v4 =	vmul.f32 v4, v22  }
0x9d: {  	v5 =	vmul.f32 v5, v6;
	v2 =	vmul.f32 v14, v2;
	v6 =	vsub.f32 $1.500000000e+00, v17  }
0x9e: {  	v8 =	vmul.f32 v8, v8;
	v0 =	vmul.f32 v0, v0;
	v4 =	vsub.f32 $1.500000000e+00, v4  }
0x9f: {  	v5 =	vnsel vm0, $0x0, v5;
	v2 =	vmul.f32 v2, v20;
	v6 =	vmul.f32 v6, v13  }
0xa0: {  	v10 =	vmul.f32 v10, v10;
	v12 =	vmul.f32 v12, v12;
	v5 =	vadd.f32 v5, v16  }
0xa1: {  	s21 =	sshra.s32 s20, $0x2;
	v4 =	vmul.f32 v4, v22;
	v2 =	vnsel vm0, $0x0, v2;
	v13 =	vmul.f32 v6, v21  }
0xa2: {  	v11 =	vmul.f32 v11, v11;
	v3 =	vadd.f32 v3, v7;
	v14 =	vld [tilespmem:s21+$0x30];
	v2 =	vadd.f32 v2, v5  }
0xa3: {  	v6 =	vadd.f32 v12, v10;
	v4 =	vmul.f32 v4, v19;
	v7 =	vld [tilespmem:s21+$0x32];
	v5 =	vnsel vm0, $0x0, v13  }
0xa4: {  	v20 =	vadd.f32 v11, v8;
	v8 =	vmul.f32 v9, v9;
	v19 =	vmovc v3;
	v12 =	vld [tilespmem:s21+$0x31];
	v2 =	vadd.f32 v5, v2  }
0xa5: {  	v9 =	vmul.f32 $5.000000000e-01, v6;
	v5 =	vshra.s32 v6, $0x1;
	v4 =	vnsel vm0, $0x0, v4;
	v3 =	vld [tilespmem:s21+$0x33]  }
0xa6: {  	v21 =	vadd.f32 v8, v0;
	v5 =	vsub.s32 $0x5F3759DF, v5;
	v11 =	vld [tilespmem:s21+$0x20];
	v16 =	vadd.f32 v4, v2  }
0xa7: {  	v8 =	vmul.f32 $5.000000000e-01, v20;
	v2 =	vmul.f32 v5, v9;
	v4 =	vshra.s32 v20, $0x1;
	v0 =	vld [tilespmem:s21+$0x22]  }
0xa8: {  	v23 =	vmul.f32 $5.000000000e-01, v21;
	v13 =	vsub.s32 $0x5F3759DF, v4;
	v4 =	vshra.s32 v21, $0x1;
	v17 =	vld [tilespmem:s21+$0x21]  }
0xa9: {  	v2 =	vmul.f32 v5, v2;
	v10 =	vmul.f32 v13, v8;
	v15 =	vsub.s32 $0x5F3759DF, v4;
	v18 =	vld [tilespmem:s21+$0x23]  }
0xaa: {  	v25 =	vshra.s32 v19, $0x1;
	v4 =	vmul.f32 $5.000000000e-01, v19;
	v24 =	vmul.f32 v15, v23;
	v22 =	vld [tilespmem:s21+$0x10]  }
0xab: {  	v25 =	vsub.s32 $0x5F3759DF, v25;
	v2 =	vsub.f32 $1.500000000e+00, v2;
	v10 =	vmul.f32 v13, v10;
	v26 =	vld [tilespmem:s21+$0x12]  }
0xac: {  	v28 =	vmul.f32 v25, v4;
	v24 =	vmul.f32 v15, v24;
	v27 =	vld [tilespmem:s21+$0x11]  }
0xad: {  	v5 =	vmul.f32 v5, v2;
	v2 =	vsub.f32 $1.500000000e+00, v10;
	v29 =	vld [tilespmem:s21+$0x13]  }
0xae: {  	v7 =	vsub.f32 v14, v7;
	v28 =	vmul.f32 v25, v28;
	v24 =	vsub.f32 $1.500000000e+00, v24;
	v10 =	vld [tilespmem:s21+$0x0]  }
.Ltmp0:
0xaf: {  	v3 =	vsub.f32 v12, v3;
	v30 =	vmul.f32 v5, v9;
	v2 =	vmul.f32 v13, v2;
	v14 =	vld [tilespmem:s21+$0x2];
	(pc) =	sbr.rel @p0 .LBB2_2-.Ltmp0, $4  }
0xb0: {  	v0 =	vsub.f32 v11, v0;
	v13 =	vmul.f32 v15, v24;
	v24 =	vsub.f32 $1.500000000e+00, v28;
	v12 =	vld [tilespmem:s21+$0x1]  }
0xb1: {  	v9 =	vsub.f32 v17, v18;
	v17 =	vmul.f32 v30, v5;
	v28 =	vmul.f32 v2, v8;
	v15 =	vld [tilespmem:s21+$0x3]  }
0xb2: {  	v8 =	vsub.f32 v22, v26;
	v22 =	vmul.f32 v25, v24;
	v11 =	vsub.f32 v27, v29  }
0xb3: {  	s20 =	sadd.s32 $0x100, s20;
	v23 =	vmul.f32 v13, v23;
	v18 =	vsub.f32 $1.500000000e+00, v17;
	v17 =	vmul.f32 v28, v2  }
0xb4: {  	v1 =	vld [tilespmem:$0x3C0];
	_ =	sdelay $0x4  }
0xb5: {  	[tilespmem:$0x1FEF0] =	vst v1;
	v1 =	vld [tilespmem:$0x3C2];
	_ =	sdelay $0x4  }
0xb6: {  	[tilespmem:$0x1FF00] =	vst v1;
	v1 =	vld [tilespmem:$0x3C1];
	_ =	sdelay $0x4  }
0xb7: {  	[tilespmem:$0x1FF10] =	vst v1;
	v1 =	vld [tilespmem:$0x3C3];
	_ =	sdelay $0x4  }
0xb8: {  	[tilespmem:$0x1FF20] =	vst v1;
	v1 =	vld [tilespmem:$0x3D0];
	_ =	sdelay $0x4  }
0xb9: {  	[tilespmem:$0x1FF30] =	vst v1;
	v1 =	vld [tilespmem:$0x3D2];
	_ =	sdelay $0x4  }
0xba: {  	[tilespmem:$0x1FF40] =	vst v1;
	v1 =	vld [tilespmem:$0x3D1];
	_ =	sdelay $0x4  }
0xbb: {  	[tilespmem:$0x1FF50] =	vst v1;
	v1 =	vld [tilespmem:$0x3D3];
	_ =	sdelay $0x4  }
0xbc: {  	[tilespmem:$0x1FF60] =	vst v1;
	v1 =	vld [tilespmem:$0x3E0];
	_ =	sdelay $0x4  }
0xbd: {  	[tilespmem:$0x1FF70] =	vst v1;
	v1 =	vld [tilespmem:$0x3E2];
	_ =	sdelay $0x4  }
0xbe: {  	[tilespmem:$0x1FF80] =	vst v1;
	v1 =	vld [tilespmem:$0x3E1];
	_ =	sdelay $0x4  }
0xbf: {  	[tilespmem:$0x1FF90] =	vst v1;
	v1 =	vld [tilespmem:$0x3E3];
	_ =	sdelay $0x1  }
0xc0: {  	v10 =	vsub.f32 v10, v14;
	v7 =	vmul.f32 v7, v7;
	v4 =	vmul.f32 v22, v4  }
0xc1: {  	v3 =	vmul.f32 v3, v3;
	v0 =	vmul.f32 v0, v0;
	v12 =	vsub.f32 v12, v15  }
0xc2: {  	v9 =	vmul.f32 v9, v9;
	v5 =	vmul.f32 v18, v5  }
0xc3: {  	v10 =	vmul.f32 v10, v10;
	v12 =	vmul.f32 v12, v12;
	[tilespmem:$0x1FFA0] =	vst v1;
	v1 =	vld [tilespmem:$0x3F2]  }
0xc4: {  	v14 =	vmul.f32 v23, v13;
	v5 =	vmul.f32 v5, v6  }
0xc5: {  	v6 =	vmul.f32 v8, v8;
	v8 =	vmul.f32 v11, v11;
	v10 =	vadd.f32 v12, v10  }
0xc6: {  	v15 =	vsub.f32 $1.500000000e+00, v17;
	v4 =	vmul.f32 v4, v22;
	v0 =	vadd.f32 v9, v0  }
0xc7: {  	v8 =	vadd.f32 v8, v6;
	v6 =	vshra.s32 v10, $0x1;
	v11 =	vmul.f32 $5.000000000e-01, v10  }
0xc8: {  	v2 =	vmul.f32 v15, v2;
	v12 =	vsub.f32 $1.500000000e+00, v14;
	v14 =	vsub.s32 $0x5F3759DF, v6;
	[tilespmem:$0x1FFB0] =	vst v1;
	v1 =	vld [tilespmem:$0x3F3]  }
0xc9: {  	v15 =	vmul.f32 $5.000000000e-01, v8;
	v6 =	vshra.s32 v8, $0x1;
	v9 =	vmul.f32 v14, v11  }
0xca: {  	v23 =	vshra.s32 v0, $0x1;
	v24 =	vmul.f32 $5.000000000e-01, v0;
	v17 =	vsub.s32 $0x5F3759DF, v6  }
0xcb: {  	v23 =	vsub.s32 $0x5F3759DF, v23;
	v26 =	vmul.f32 v17, v15;
	v25 =	vmul.f32 v14, v9  }
0xcc: {  	v3 =	vadd.f32 v3, v7;
	v4 =	vsub.f32 $1.500000000e+00, v4;
	v27 =	vmul.f32 v23, v24  }
0xcd: {  	v12 =	vmul.f32 v12, v13;
	v6 =	vld [tilespmem:$0x3F0];
	v13 =	vsub.f32 $1.500000000e+00, v25;
	v25 =	vmul.f32 v17, v26;
	[tilespmem:$0x1FFC0] =	vst v1  }
0xce: {  	v5 =	vnsel vm0, $0x0, v5;
	v2 =	vmul.f32 v2, v20;
	v7 =	vmul.f32 v23, v27;
	v9 =	vld [tilespmem:$0x3F1];
	_ =	swait.ge [sflag:s14], $0x400  }
0xcf: {  	v20 =	vshra.s32 v3, $0x1;
	v13 =	vmul.f32 v14, v13;
	v14 =	vsub.f32 $1.500000000e+00, v25;
	[sflag:s14] =	ssyncset.done $0x0  }
0xd0: {  	s20 =	simm.s32 $0x433;
	v12 =	vmul.f32 v12, v21;
	v21 =	vmul.f32 $5.000000000e-01, v3;
	v7 =	vsub.f32 $1.500000000e+00, v7;
	[sflag:s14] =	ssyncadd.s32 $0xFFFFFC00  }
0xd1: {  	v20 =	vsub.s32 $0x5F3759DF, v20;
	v11 =	vmul.f32 v13, v11;
	v14 =	vmul.f32 v17, v14;
	v17 =	vld [tilespmem:s20+$0xFFFFFFFD]  }
0xd2: {  	v5 =	vadd.f32 v5, v16;
	v16 =	vmul.f32 v20, v21;
	v7 =	vmul.f32 v23, v7;
	v23 =	vld [tilespmem:s20+$0xFFFFFFFF]  }
0xd3: {  	v2 =	vnsel vm0, $0x0, v2;
	v11 =	vmul.f32 v11, v13;
	v15 =	vmul.f32 v14, v15;
	v25 =	vld [tilespmem:s20+$0xFFFFFFFE]  }
0xd4: {  	v4 =	vmul.f32 v4, v22;
	v2 =	vadd.f32 v2, v5;
	v5 =	vmul.f32 v20, v16;
	v16 =	vld [tilespmem:s20+$0x0]  }
0xd5: {  	v22 =	vmul.f32 v7, v24;
	v11 =	vsub.f32 $1.500000000e+00, v11;
	v15 =	vmul.f32 v15, v14;
	v24 =	vld [tilespmem:s20+$0xFFFFFFED]  }
0xd6: {  	v4 =	vmul.f32 v4, v19;
	v12 =	vnsel vm0, $0x0, v12;
	v5 =	vsub.f32 $1.500000000e+00, v5;
	v19 =	vld [tilespmem:s20+$0xFFFFFFEF]  }
0xd7: {  	v11 =	vmul.f32 v11, v13;
	v13 =	vsub.f32 $1.500000000e+00, v15;
	v15 =	vmul.f32 v22, v7;
	v22 =	vld [tilespmem:s20+$0xFFFFFFEE]  }
0xd8: {  	v4 =	vnsel vm0, $0x0, v4;
	v2 =	vadd.f32 v12, v2;
	v5 =	vmul.f32 v20, v5;
	v12 =	vld [tilespmem:s20+$0xFFFFFFDD]  }
0xd9: {  	v10 =	vmul.f32 v11, v10;
	v11 =	vmul.f32 v13, v14;
	v13 =	vsub.f32 $1.500000000e+00, v15;
	v14 =	vld [tilespmem:s20+$0xFFFFFFDF]  }
0xda: {  	v2 =	vadd.f32 v4, v2;
	v4 =	vmul.f32 v5, v21;
	v15 =	vld [tilespmem:s20+$0xFFFFFFCE]  }
0xdb: {  	s21 =	simm.s32 $0x0;
	v10 =	vnsel vm0, $0x0, v10;
	v8 =	vmul.f32 v11, v8;
	v7 =	vmul.f32 v13, v7;
	v11 =	vld [tilespmem:s20+$0xFFFFFFD0]  }
0xdc: {  	s21 =	sand.u32 $0x3C0, s21;
	v2 =	vadd.f32 v10, v2;
	v10 =	vld [tilespmem:s20+$0xFFFFFFCF]  }
0xdd: {  	v4 =	vmul.f32 v4, v5;
	v8 =	vnsel vm0, $0x0, v8;
	v0 =	vmul.f32 v7, v0;
	v7 =	vld [tilespmem:s21+$0x400]  }
0xde: {  	v2 =	vadd.f32 v8, v2;
	v8 =	vld [tilespmem:s20+$0xFFFFFFDE]  }
0xdf: {  	v4 =	vsub.f32 $1.500000000e+00, v4;
	v0 =	vnsel vm0, $0x0, v0;
	v13 =	vld [tilespmem:s20+$0xFFFFFFE0]  }
0xe0: {  	v0 =	vadd.f32 v0, v2;
	v2 =	vld [tilespmem:s20+$0xFFFFFFF0]  }
0xe1: {  	v4 =	vmul.f32 v4, v5;
	v5 =	vsub.f32 v17, v23;
	v16 =	vsub.f32 v25, v16  }
0xe2: {  	v11 =	vsub.f32 v15, v11;
	v7 =	vsub.f32 v7, v10  }
0xe3: {  	v3 =	vmul.f32 v4, v3;
	v4 =	vsub.f32 v24, v19;
	v10 =	vsub.f32 v12, v14  }
0xe4: {  	v8 =	vsub.f32 v8, v13;
	v7 =	vmul.f32 v7, v7;
	v11 =	vmul.f32 v11, v11  }
0xe5: {  	s20 =	simm.s32 $0x473;
	v2 =	vsub.f32 v22, v2;
	v5 =	vmul.f32 v5, v5;
	v12 =	vmul.f32 v16, v16  }
0xe6: {  	v21 =	vld [tilespmem:s20+$0xFFFFFFF0];
	v10 =	vmul.f32 v10, v10;
	v8 =	vmul.f32 v8, v8;
	v20 =	vadd.f32 v11, v7  }
0xe7: {  	v3 =	vnsel vm0, $0x0, v3;
	v28 =	vld [tilespmem:s20+$0xFFFFFFDF];
	v4 =	vmul.f32 v4, v4;
	v2 =	vmul.f32 v2, v2  }
0xe8: {  	v30 =	vld [tilespmem:s20+$0xFFFFFFDE];
	v37 =	vadd.f32 v8, v10;
	v10 =	vshra.s32 v20, $0x1;
	v11 =	vmul.f32 $5.000000000e-01, v20  }
0xe9: {  	v31 =	vld [tilespmem:s20+$0xFFFFFFE0];
	v36 =	vadd.f32 v12, v5;
	v38 =	vadd.f32 v2, v4;
	v5 =	vsub.s32 $0x5F3759DF, v10  }
0xea: {  	v0 =	vadd.f32 v3, v0;
	v13 =	vld [tilespmem:s20+$0xFFFFFFFD];
	v15 =	vmul.f32 $5.000000000e-01, v37;
	v2 =	vmul.f32 v5, v11  }
0xeb: {  	v14 =	vld [tilespmem:s20+$0xFFFFFFFF];
	v17 =	vshra.s32 v38, $0x1;
	v26 =	vmul.f32 $5.000000000e-01, v38;
	v10 =	vshra.s32 v37, $0x1  }
0xec: {  	v7 =	vld [tilespmem:s20+$0xFFFFFFFE];
	v25 =	vshra.s32 v36, $0x1;
	v10 =	vsub.s32 $0x5F3759DF, v10;
	v2 =	vmul.f32 v5, v2  }
0xed: {  	v8 =	vld [tilespmem:s20+$0x0];
	v22 =	vmul.f32 $5.000000000e-01, v36;
	v17 =	vsub.s32 $0x5F3759DF, v17;
	v19 =	vmul.f32 v10, v15  }
0xee: {  	v16 =	vld [tilespmem:s20+$0xFFFFFFEE];
	v29 =	vsub.s32 $0x5F3759DF, v25;
	v23 =	vmul.f32 v17, v26;
	v2 =	vsub.f32 $1.500000000e+00, v2  }
0xef: {  	v12 =	vld [tilespmem:s20+$0xFFFFFFED];
	v25 =	vmul.f32 v29, v22;
	v19 =	vmul.f32 v10, v19  }
0xf0: {  	[tilespmem:$0x1FFD0] =	vst v0;
	v4 =	vld [tilespmem:s20+$0xFFFFFFEF];
	v0 =	vmul.f32 v17, v23;
	v23 =	vmul.f32 v5, v2  }
0xf1: {  	v24 =	vld [tilespmem:s20+$0xFFFFFFDD];
	v3 =	vsub.f32 v13, v14;
	v14 =	vmul.f32 v29, v25;
	v2 =	vsub.f32 $1.500000000e+00, v19  }
0xf2: {  	v25 =	vsub.f32 v7, v8;
	v8 =	vld [tilespmem:s20+$0xFFFFFFD0];
	v13 =	vsub.f32 $1.500000000e+00, v0;
	v7 =	vmul.f32 v23, v11  }
0xf3: {  	s31 =	simm.s32 $0x40;
	v5 =	vld [tilespmem:s20+$0xFFFFFFCE];
	v2 =	vmul.f32 v10, v2;
	v10 =	vsub.f32 $1.500000000e+00, v14  }
0xf4: {  	s21 =	sand.u32 $0x3C0, s31;
	v21 =	vsub.f32 v16, v21;
	v27 =	vmul.f32 v17, v13;
	v11 =	vmul.f32 v7, v23;
	v7 =	vld [tilespmem:s20+$0xFFFFFFCF]  }
0xf5: {  	v0 =	vsub.f32 v12, v4;
	v13 =	vmul.f32 v2, v15;
	v40 =	vmul.f32 v29, v10;
	v10 =	vld [tilespmem:s21+$0x400]  }
0xf6: {  	v39 =	vimm.f32 $0.0e+00;
	v4 =	vsub.f32 v24, v28;
	v24 =	vsub.f32 v30, v31  }
0xf7: {  	v19 =	vld [tilespmem:$0x400];
	s21 =	simm.s32 $0x80;
	v12 =	vsub.f32 $1.500000000e+00, v11;
	v11 =	vmul.f32 v13, v2;
	v13 =	vmul.f32 v27, v26  }
.LBB2_4:
0xf8: {  	p0 =	sne.s32 s21, $0x380;
	v5 =	vsub.f32 v5, v8;
	v3 =	vmul.f32 v3, v3;
	v8 =	vmul.f32 v40, v22  }
0xf9: {  	v12 =	vmul.f32 v12, v23;
	v11 =	vsub.f32 $1.500000000e+00, v11;
	v13 =	vmul.f32 v13, v27  }
0xfa: {  	v7 =	vsub.f32 v10, v7;
	v10 =	vmul.f32 v25, v25;
	v8 =	vmul.f32 v8, v40  }
0xfb: {  	v12 =	vmul.f32 v12, v20;
	v2 =	vmul.f32 v11, v2;
	v11 =	vsub.f32 $1.500000000e+00, v13  }
0xfc: {  	v4 =	vmul.f32 v4, v4;
	v0 =	vmul.f32 v0, v0;
	v8 =	vsub.f32 $1.500000000e+00, v8  }
0xfd: {  	v12 =	vnsel vm0, $0x0, v12;
	v2 =	vmul.f32 v2, v37;
	v11 =	vmul.f32 v11, v27  }
0xfe: {  	v5 =	vmul.f32 v5, v5;
	v7 =	vmul.f32 v7, v7;
	v12 =	vadd.f32 v12, v39  }
0xff: {  	s20 =	sadd.s32 $0x40, s20;
	v8 =	vmul.f32 v8, v40;
	v2 =	vnsel vm0, $0x0, v2;
	v11 =	vmul.f32 v11, v38  }
0x100: {  	v14 =	vmul.f32 v24, v24;
	v3 =	vadd.f32 v10, v3;
	v13 =	vld [tilespmem:s20+$0xFFFFFFFD];
	v2 =	vadd.f32 v2, v12  }
0x101: {  	v20 =	vadd.f32 v5, v7;
	v7 =	vmul.f32 v8, v36;
	v10 =	vld [tilespmem:s20+$0xFFFFFFFF];
	v5 =	vnsel vm0, $0x0, v11  }
0x102: {  	v37 =	vadd.f32 v14, v4;
	v4 =	vmul.f32 v21, v21;
	v36 =	vmovc v3;
	v11 =	vld [tilespmem:s20+$0xFFFFFFFE];
	v2 =	vadd.f32 v5, v2  }
0x103: {  	v3 =	vshra.s32 v20, $0x1;
	v14 =	vmul.f32 $5.000000000e-01, v20;
	v5 =	vnsel vm0, $0x0, v7;
	v12 =	vld [tilespmem:s20+$0x0]  }
0x104: {  	v38 =	vadd.f32 v4, v0;
	v3 =	vsub.s32 $0x5F3759DF, v3;
	v15 =	vld [tilespmem:s20+$0xFFFFFFED];
	v39 =	vadd.f32 v5, v2  }
0x105: {  	v4 =	vshra.s32 v37, $0x1;
	v16 =	vmul.f32 $5.000000000e-01, v37;
	v2 =	vmul.f32 v3, v14;
	v0 =	vld [tilespmem:s20+$0xFFFFFFEF]  }
0x106: {  	v4 =	vsub.s32 $0x5F3759DF, v4;
	v26 =	vmul.f32 $5.000000000e-01, v38;
	v5 =	vshra.s32 v38, $0x1;
	v17 =	vld [tilespmem:s20+$0xFFFFFFEE]  }
0x107: {  	v7 =	vmul.f32 v4, v16;
	v24 =	vsub.s32 $0x5F3759DF, v5;
	v2 =	vmul.f32 v3, v2;
	v21 =	vld [tilespmem:s20+$0xFFFFFFF0]  }
0x108: {  	v8 =	vshra.s32 v36, $0x1;
	v22 =	vmul.f32 $5.000000000e-01, v36;
	v5 =	vmul.f32 v24, v26;
	v28 =	vld [tilespmem:s20+$0xFFFFFFDD]  }
0x109: {  	v30 =	vsub.s32 $0x5F3759DF, v8;
	v7 =	vmul.f32 v4, v7;
	v2 =	vsub.f32 $1.500000000e+00, v2;
	v29 =	vld [tilespmem:s20+$0xFFFFFFDF]  }
0x10a: {  	v25 =	vmul.f32 v30, v22;
	v8 =	vmul.f32 v24, v5;
	v31 =	vld [tilespmem:s20+$0xFFFFFFDE]  }
0x10b: {  	v23 =	vmul.f32 v3, v2;
	v2 =	vsub.f32 $1.500000000e+00, v7;
	v32 =	vld [tilespmem:s20+$0xFFFFFFE0]  }
0x10c: {  	v3 =	vsub.f32 v13, v10;
	v10 =	vsub.f32 $1.500000000e+00, v8;
	v13 =	vmul.f32 v30, v25;
	v5 =	vld [tilespmem:s20+$0xFFFFFFCE]  }
.Ltmp1:
0x10d: {  	v25 =	vsub.f32 v11, v12;
	v11 =	vmul.f32 v23, v14;
	v2 =	vmul.f32 v4, v2;
	v8 =	vld [tilespmem:s20+$0xFFFFFFD0];
	(pc) =	sbr.rel @p0 .LBB2_4-.Ltmp1, $4  }
0x10e: {  	s22 =	sand.u32 $0x3C0, s21;
	v0 =	vsub.f32 v15, v0;
	v27 =	vmul.f32 v24, v10;
	v12 =	vsub.f32 $1.500000000e+00, v13;
	v7 =	vld [tilespmem:s20+$0xFFFFFFCF]  }
0x10f: {  	v21 =	vsub.f32 v17, v21;
	v11 =	vmul.f32 v11, v23;
	v13 =	vmul.f32 v2, v16;
	v10 =	vld [tilespmem:s22+$0x400]  }
0x110: {  	v4 =	vsub.f32 v28, v29;
	v40 =	vmul.f32 v30, v12;
	v24 =	vsub.f32 v31, v32  }
0x111: {  	s21 =	sadd.s32 $0x40, s21;
	v12 =	vsub.f32 $1.500000000e+00, v11;
	v11 =	vmul.f32 v13, v2;
	v13 =	vmul.f32 v27, v26  }
0x112: {  	v1 =	vld [tilespmem:$0x7E0];
	_ =	sdelay $0x4  }
0x113: {  	[tilespmem:$0x1FE90] =	vst v1;
	v1 =	vld [tilespmem:$0x7E2];
	_ =	sdelay $0x4  }
0x114: {  	[tilespmem:$0x1FEA0] =	vst v1;
	v1 =	vld [tilespmem:$0x7E1];
	_ =	sdelay $0x4  }
0x115: {  	[tilespmem:$0x1FEB0] =	vst v1;
	v1 =	vld [tilespmem:$0x7E3];
	_ =	sdelay $0x1  }
0x116: {  	v5 =	vsub.f32 v5, v8;
	v3 =	vmul.f32 v3, v3;
	v8 =	vmul.f32 v40, v22  }
0x117: {  	v4 =	vmul.f32 v4, v4;
	v0 =	vmul.f32 v0, v0;
	v7 =	vsub.f32 v10, v7  }
0x118: {  	v12 =	vmul.f32 v12, v23;
	v13 =	vmul.f32 v13, v27  }
0x119: {  	v10 =	vsub.f32 $1.500000000e+00, v11;
	v5 =	vmul.f32 v5, v5;
	v7 =	vmul.f32 v7, v7;
	[tilespmem:$0x1FEC0] =	vst v1;
	v1 =	vld [tilespmem:$0x7F2]  }
0x11a: {  	v28 =	vld [tilespmem:$0x7C0];
	v11 =	vmul.f32 v25, v25;
	v8 =	vmul.f32 v8, v40  }
0x11b: {  	v29 =	vld [tilespmem:$0x7C2];
	v2 =	vmul.f32 v10, v2;
	v10 =	vmul.f32 v24, v24;
	v5 =	vadd.f32 v5, v7  }
0x11c: {  	v30 =	vld [tilespmem:$0x7C1];
	v12 =	vmul.f32 v12, v20;
	v7 =	vmul.f32 v21, v21  }
0x11d: {  	v31 =	vld [tilespmem:$0x7C3];
	v4 =	vadd.f32 v10, v4;
	v10 =	vshra.s32 v5, $0x1;
	v14 =	vmul.f32 $5.000000000e-01, v5  }
0x11e: {  	v13 =	vsub.f32 $1.500000000e+00, v13;
	v0 =	vadd.f32 v7, v0;
	v10 =	vsub.s32 $0x5F3759DF, v10;
	[tilespmem:$0x1FED0] =	vst v1;
	v1 =	vld [tilespmem:$0x7F3]  }
0x11f: {  	v32 =	vld [tilespmem:$0x7D0];
	v15 =	vshra.s32 v4, $0x1;
	v16 =	vmul.f32 $5.000000000e-01, v4;
	v7 =	vmul.f32 v10, v14  }
0x120: {  	v33 =	vld [tilespmem:$0x7D2];
	v15 =	vsub.s32 $0x5F3759DF, v15;
	v17 =	vshra.s32 v0, $0x1;
	v41 =	vmul.f32 $5.000000000e-01, v0  }
0x121: {  	v34 =	vld [tilespmem:$0x7D1];
	v42 =	vmul.f32 v15, v16;
	v17 =	vsub.s32 $0x5F3759DF, v17;
	v7 =	vmul.f32 v10, v7  }
0x122: {  	v35 =	vld [tilespmem:$0x7D3];
	v8 =	vsub.f32 $1.500000000e+00, v8;
	v3 =	vadd.f32 v11, v3;
	v43 =	vmul.f32 v17, v41  }
0x123: {  	v23 =	vld [tilespmem:$0x7F0];
	v13 =	vmul.f32 v13, v27;
	v42 =	vmul.f32 v15, v42;
	v7 =	vsub.f32 $1.500000000e+00, v7;
	[tilespmem:$0x1FEE0] =	vst v1  }
0x124: {  	v25 =	vld [tilespmem:$0x7F1];
	v12 =	vnsel vm0, $0x0, v12;
	v2 =	vmul.f32 v2, v37;
	v11 =	vmul.f32 v17, v43;
	_ =	swait.ge [sflag:s15], $0x400  }
0x125: {  	v45 =	vshra.s32 v3, $0x1;
	v7 =	vmul.f32 v10, v7;
	v10 =	vsub.f32 $1.500000000e+00, v42;
	[sflag:s15] =	ssyncset.done $0x0  }
0x126: {  	s20 =	simm.s32 $0x833;
	v46 =	vmul.f32 $5.000000000e-01, v3;
	v8 =	vmul.f32 v8, v40;
	v11 =	vsub.f32 $1.500000000e+00, v11;
	[sflag:s15] =	ssyncadd.s32 $0xFFFFFC00  }
0x127: {  	v37 =	vsub.s32 $0x5F3759DF, v45;
	v14 =	vmul.f32 v7, v14;
	v10 =	vmul.f32 v15, v10;
	v15 =	vld [tilespmem:s20+$0xFFFFFFFD]  }
0x128: {  	v12 =	vadd.f32 v12, v39;
	v47 =	vmul.f32 v37, v46;
	v11 =	vmul.f32 v17, v11;
	v17 =	vld [tilespmem:s20+$0xFFFFFFFF]  }
0x129: {  	v2 =	vnsel vm0, $0x0, v2;
	v14 =	vmul.f32 v14, v7;
	v16 =	vmul.f32 v10, v16;
	v48 =	vld [tilespmem:s20+$0xFFFFFFFE]  }
0x12a: {  	v13 =	vmul.f32 v13, v38;
	v2 =	vadd.f32 v2, v12;
	v12 =	vmul.f32 v37, v47;
	v49 =	vld [tilespmem:s20+$0x0]  }
0x12b: {  	v50 =	vmul.f32 v11, v41;
	v14 =	vsub.f32 $1.500000000e+00, v14;
	v16 =	vmul.f32 v16, v10;
	v51 =	vld [tilespmem:s20+$0xFFFFFFED]  }
0x12c: {  	v8 =	vmul.f32 v8, v36;
	v13 =	vnsel vm0, $0x0, v13;
	v12 =	vsub.f32 $1.500000000e+00, v12;
	v52 =	vld [tilespmem:s20+$0xFFFFFFEF]  }
0x12d: {  	v7 =	vmul.f32 v14, v7;
	v14 =	vsub.f32 $1.500000000e+00, v16;
	v16 =	vmul.f32 v50, v11;
	v53 =	vld [tilespmem:s20+$0xFFFFFFEE]  }
0x12e: {  	v8 =	vnsel vm0, $0x0, v8;
	v2 =	vadd.f32 v13, v2;
	v12 =	vmul.f32 v37, v12;
	v13 =	vld [tilespmem:s20+$0xFFFFFFDD]  }
0x12f: {  	v5 =	vmul.f32 v7, v5;
	v7 =	vmul.f32 v14, v10;
	v10 =	vsub.f32 $1.500000000e+00, v16;
	v14 =	vld [tilespmem:s20+$0xFFFFFFDF]  }
0x130: {  	v2 =	vadd.f32 v8, v2;
	v8 =	vmul.f32 v12, v46;
	v16 =	vld [tilespmem:s20+$0xFFFFFFCE]  }
0x131: {  	s21 =	simm.s32 $0x0;
	v5 =	vnsel vm0, $0x0, v5;
	v4 =	vmul.f32 v7, v4;
	v7 =	vmul.f32 v10, v11;
	v10 =	vld [tilespmem:s20+$0xFFFFFFD0]  }
0x132: {  	s21 =	sand.u32 $0x3C0, s21;
	v2 =	vadd.f32 v5, v2;
	v5 =	vld [tilespmem:s20+$0xFFFFFFCF]  }
0x133: {  	v8 =	vmul.f32 v8, v12;
	v4 =	vnsel vm0, $0x0, v4;
	v0 =	vmul.f32 v7, v0;
	v7 =	vld [tilespmem:s21+$0x800]  }
0x134: {  	v2 =	vadd.f32 v4, v2;
	v4 =	vld [tilespmem:s20+$0xFFFFFFDE]  }
0x135: {  	v8 =	vsub.f32 $1.500000000e+00, v8;
	v0 =	vnsel vm0, $0x0, v0;
	v11 =	vld [tilespmem:s20+$0xFFFFFFE0]  }
0x136: {  	v0 =	vadd.f32 v0, v2;
	v2 =	vld [tilespmem:s20+$0xFFFFFFF0]  }
0x137: {  	v8 =	vmul.f32 v8, v12;
	v12 =	vsub.f32 v15, v17;
	v15 =	vsub.f32 v48, v49  }
0x138: {  	v10 =	vsub.f32 v16, v10;
	v5 =	vsub.f32 v7, v5  }
0x139: {  	v3 =	vmul.f32 v8, v3;
	v7 =	vsub.f32 v51, v52;
	v8 =	vsub.f32 v13, v14  }
0x13a: {  	v4 =	vsub.f32 v4, v11;
	v5 =	vmul.f32 v5, v5;
	v10 =	vmul.f32 v10, v10  }
0x13b: {  	s20 =	simm.s32 $0x873;
	v2 =	vsub.f32 v53, v2;
	v11 =	vmul.f32 v12, v12;
	v12 =	vmul.f32 v15, v15  }
0x13c: {  	v54 =	vld [tilespmem:s20+$0xFFFFFFF0];
	v8 =	vmul.f32 v8, v8;
	v4 =	vmul.f32 v4, v4;
	v38 =	vadd.f32 v10, v5  }
0x13d: {  	v3 =	vnsel vm0, $0x0, v3;
	v60 =	vld [tilespmem:s20+$0xFFFFFFDD];
	v2 =	vmul.f32 v2, v2;
	v5 =	vmul.f32 v7, v7  }
0x13e: {  	v47 =	vld [tilespmem:s20+$0xFFFFFFDF];
	v55 =	vadd.f32 v4, v8;
	v8 =	vshra.s32 v38, $0x1;
	v10 =	vmul.f32 $5.000000000e-01, v38  }
0x13f: {  	v50 =	vld [tilespmem:s20+$0xFFFFFFE0];
	v45 =	vadd.f32 v12, v11;
	v56 =	vadd.f32 v2, v5;
	v8 =	vsub.s32 $0x5F3759DF, v8  }
0x140: {  	v13 =	vld [tilespmem:s20+$0xFFFFFFFD];
	v5 =	vshra.s32 v55, $0x1;
	v15 =	vmul.f32 $5.000000000e-01, v55;
	v2 =	vmul.f32 v8, v10  }
0x141: {  	v14 =	vld [tilespmem:s20+$0xFFFFFFFF];
	v5 =	vsub.s32 $0x5F3759DF, v5;
	v17 =	vshra.s32 v56, $0x1;
	v46 =	vmul.f32 $5.000000000e-01, v56  }
0x142: {  	v7 =	vld [tilespmem:s20+$0xFFFFFFFE];
	v59 =	vmul.f32 v5, v15;
	v17 =	vsub.s32 $0x5F3759DF, v17;
	v2 =	vmul.f32 v8, v2  }
0x143: {  	v4 =	vld [tilespmem:s20+$0x0];
	v62 =	vshra.s32 v45, $0x1;
	v40 =	vmul.f32 $5.000000000e-01, v45;
	v61 =	vmul.f32 v17, v46  }
0x144: {  	v11 =	vld [tilespmem:s20+$0xFFFFFFED];
	v48 =	vsub.s32 $0x5F3759DF, v62;
	v44 =	vmul.f32 v5, v59;
	v2 =	vsub.f32 $1.500000000e+00, v2  }
0x145: {  	v36 =	vadd.f32 v3, v0;
	v12 =	vld [tilespmem:s20+$0xFFFFFFEF];
	v63 =	vmul.f32 v48, v40;
	v0 =	vmul.f32 v17, v61  }
0x146: {  	v16 =	vld [tilespmem:s20+$0xFFFFFFEE];
	v42 =	vmul.f32 v8, v2;
	v2 =	vsub.f32 $1.500000000e+00, v44  }
0x147: {  	v49 =	vld [tilespmem:s20+$0xFFFFFFDE];
	v3 =	vsub.f32 v13, v14;
	v13 =	vmul.f32 v48, v63;
	v8 =	vsub.f32 $1.500000000e+00, v0  }
0x148: {  	v44 =	vsub.f32 v7, v4;
	v4 =	vmul.f32 v42, v10;
	v2 =	vmul.f32 v5, v2;
	v5 =	vld [tilespmem:s20+$0xFFFFFFCE]  }
0x149: {  	s31 =	simm.s32 $0x40;
	v41 =	vmul.f32 v17, v8;
	v10 =	vsub.f32 $1.500000000e+00, v13;
	v8 =	vld [tilespmem:s20+$0xFFFFFFD0]  }
0x14a: {  	s21 =	sand.u32 $0x3C0, s31;
	v0 =	vsub.f32 v11, v12;
	v7 =	vld [tilespmem:s20+$0xFFFFFFCF];
	v11 =	vmul.f32 v4, v42  }
0x14b: {  	v39 =	vsub.f32 v16, v54;
	v13 =	vmul.f32 v2, v15;
	v58 =	vmul.f32 v48, v10;
	v10 =	vld [tilespmem:s21+$0x800]  }
0x14c: {  	v57 =	vimm.f32 $0.0e+00;
	v43 =	vsub.f32 v49, v50;
	v4 =	vsub.f32 v60, v47  }
0x14d: {  	v37 =	vld [tilespmem:$0x800];
	s21 =	simm.s32 $0x80;
	v12 =	vsub.f32 $1.500000000e+00, v11;
	v11 =	vmul.f32 v13, v2;
	v13 =	vmul.f32 v41, v46  }
.LBB2_6:
0x14e: {  	p0 =	sne.s32 s21, $0x380;
	v5 =	vsub.f32 v5, v8;
	v3 =	vmul.f32 v3, v3;
	v8 =	vmul.f32 v58, v40  }
0x14f: {  	v12 =	vmul.f32 v12, v42;
	v11 =	vsub.f32 $1.500000000e+00, v11;
	v13 =	vmul.f32 v13, v41  }
0x150: {  	v7 =	vsub.f32 v10, v7;
	v10 =	vmul.f32 v44, v44;
	v8 =	vmul.f32 v8, v58  }
0x151: {  	v12 =	vmul.f32 v12, v38;
	v2 =	vmul.f32 v11, v2;
	v11 =	vsub.f32 $1.500000000e+00, v13  }
0x152: {  	v4 =	vmul.f32 v4, v4;
	v0 =	vmul.f32 v0, v0;
	v8 =	vsub.f32 $1.500000000e+00, v8  }
0x153: {  	v12 =	vnsel vm0, $0x0, v12;
	v2 =	vmul.f32 v2, v55;
	v11 =	vmul.f32 v11, v41  }
0x154: {  	v5 =	vmul.f32 v5, v5;
	v7 =	vmul.f32 v7, v7;
	v12 =	vadd.f32 v12, v57  }
0x155: {  	s20 =	sadd.s32 $0x40, s20;
	v8 =	vmul.f32 v8, v58;
	v2 =	vnsel vm0, $0x0, v2;
	v11 =	vmul.f32 v11, v56  }
0x156: {  	v14 =	vmul.f32 v43, v43;
	v3 =	vadd.f32 v10, v3;
	v13 =	vld [tilespmem:s20+$0xFFFFFFFD];
	v2 =	vadd.f32 v2, v12  }
0x157: {  	v38 =	vadd.f32 v5, v7;
	v7 =	vmul.f32 v8, v45;
	v10 =	vld [tilespmem:s20+$0xFFFFFFFF];
	v5 =	vnsel vm0, $0x0, v11  }
0x158: {  	v55 =	vadd.f32 v14, v4;
	v4 =	vmul.f32 v39, v39;
	v45 =	vmovc v3;
	v11 =	vld [tilespmem:s20+$0xFFFFFFFE];
	v2 =	vadd.f32 v5, v2  }
0x159: {  	v3 =	vshra.s32 v38, $0x1;
	v14 =	vmul.f32 $5.000000000e-01, v38;
	v5 =	vnsel vm0, $0x0, v7;
	v12 =	vld [tilespmem:s20+$0x0]  }
0x15a: {  	v56 =	vadd.f32 v4, v0;
	v3 =	vsub.s32 $0x5F3759DF, v3;
	v15 =	vld [tilespmem:s20+$0xFFFFFFED];
	v57 =	vadd.f32 v5, v2  }
0x15b: {  	v4 =	vshra.s32 v55, $0x1;
	v16 =	vmul.f32 $5.000000000e-01, v55;
	v2 =	vmul.f32 v3, v14;
	v0 =	vld [tilespmem:s20+$0xFFFFFFEF]  }
0x15c: {  	v4 =	vsub.s32 $0x5F3759DF, v4;
	v46 =	vmul.f32 $5.000000000e-01, v56;
	v5 =	vshra.s32 v56, $0x1;
	v17 =	vld [tilespmem:s20+$0xFFFFFFEE]  }
0x15d: {  	v7 =	vmul.f32 v4, v16;
	v41 =	vsub.s32 $0x5F3759DF, v5;
	v2 =	vmul.f32 v3, v2;
	v39 =	vld [tilespmem:s20+$0xFFFFFFF0]  }
0x15e: {  	v8 =	vshra.s32 v45, $0x1;
	v40 =	vmul.f32 $5.000000000e-01, v45;
	v5 =	vmul.f32 v41, v46;
	v43 =	vld [tilespmem:s20+$0xFFFFFFDD]  }
0x15f: {  	v48 =	vsub.s32 $0x5F3759DF, v8;
	v7 =	vmul.f32 v4, v7;
	v2 =	vsub.f32 $1.500000000e+00, v2;
	v47 =	vld [tilespmem:s20+$0xFFFFFFDF]  }
0x160: {  	v44 =	vmul.f32 v48, v40;
	v8 =	vmul.f32 v41, v5;
	v49 =	vld [tilespmem:s20+$0xFFFFFFDE]  }
0x161: {  	v42 =	vmul.f32 v3, v2;
	v2 =	vsub.f32 $1.500000000e+00, v7;
	v50 =	vld [tilespmem:s20+$0xFFFFFFE0]  }
0x162: {  	v3 =	vsub.f32 v13, v10;
	v10 =	vsub.f32 $1.500000000e+00, v8;
	v13 =	vmul.f32 v48, v44;
	v5 =	vld [tilespmem:s20+$0xFFFFFFCE]  }
.Ltmp2:
0x163: {  	v44 =	vsub.f32 v11, v12;
	v11 =	vmul.f32 v42, v14;
	v2 =	vmul.f32 v4, v2;
	v8 =	vld [tilespmem:s20+$0xFFFFFFD0];
	(pc) =	sbr.rel @p0 .LBB2_6-.Ltmp2, $4  }
0x164: {  	s22 =	sand.u32 $0x3C0, s21;
	v0 =	vsub.f32 v15, v0;
	v41 =	vmul.f32 v41, v10;
	v12 =	vsub.f32 $1.500000000e+00, v13;
	v7 =	vld [tilespmem:s20+$0xFFFFFFCF]  }
0x165: {  	v39 =	vsub.f32 v17, v39;
	v11 =	vmul.f32 v11, v42;
	v13 =	vmul.f32 v2, v16;
	v10 =	vld [tilespmem:s22+$0x800]  }
0x166: {  	v4 =	vsub.f32 v43, v47;
	v58 =	vmul.f32 v48, v12;
	v43 =	vsub.f32 v49, v50  }
0x167: {  	s21 =	sadd.s32 $0x40, s21;
	v12 =	vsub.f32 $1.500000000e+00, v11;
	v11 =	vmul.f32 v13, v2;
	v13 =	vmul.f32 v41, v46  }
0x168: {  	v5 =	vsub.f32 v5, v8;
	v3 =	vmul.f32 v3, v3;
	v8 =	vmul.f32 v58, v40  }
0x169: {  	v46 =	vld [tilespmem:$0xBC0];
	v4 =	vmul.f32 v4, v4;
	v0 =	vmul.f32 v0, v0  }
0x16a: {  	v48 =	vld [tilespmem:$0xBC2];
	v12 =	vmul.f32 v12, v42;
	v13 =	vmul.f32 v13, v41  }
0x16b: {  	v49 =	vld [tilespmem:$0xBC1];
	v7 =	vsub.f32 v10, v7;
	v10 =	vsub.f32 $1.500000000e+00, v11;
	v11 =	vmul.f32 v44, v44  }
0x16c: {  	v50 =	vld [tilespmem:$0xBC3];
	v8 =	vmul.f32 v8, v58;
	v5 =	vmul.f32 v5, v5  }
0x16d: {  	v51 =	vld [tilespmem:$0xBD0];
	v12 =	vmul.f32 v12, v38;
	v7 =	vmul.f32 v7, v7  }
0x16e: {  	v53 =	vld [tilespmem:$0xBD2];
	v13 =	vsub.f32 $1.500000000e+00, v13;
	v2 =	vmul.f32 v10, v2;
	v8 =	vsub.f32 $1.500000000e+00, v8  }
0x16f: {  	v52 =	vld [tilespmem:$0xBD1];
	v10 =	vmul.f32 v43, v43;
	v3 =	vadd.f32 v11, v3;
	v5 =	vadd.f32 v5, v7  }
0x170: {  	v54 =	vld [tilespmem:$0xBD3];
	v12 =	vnsel vm0, $0x0, v12;
	v13 =	vmul.f32 v13, v41;
	v7 =	vmul.f32 v39, v39  }
0x171: {  	v47 =	vld [tilespmem:$0xBE3];
	v4 =	vadd.f32 v10, v4;
	v10 =	vshra.s32 v5, $0x1;
	v14 =	vmul.f32 $5.000000000e-01, v5  }
0x172: {  	v40 =	vld [tilespmem:$0xBF2];
	v2 =	vmul.f32 v2, v55;
	v0 =	vadd.f32 v7, v0;
	v10 =	vsub.s32 $0x5F3759DF, v10  }
0x173: {  	v42 =	vld [tilespmem:$0xBE0];
	v15 =	vshra.s32 v4, $0x1;
	v16 =	vmul.f32 $5.000000000e-01, v4;
	v7 =	vmul.f32 v10, v14  }
0x174: {  	v44 =	vld [tilespmem:$0xBE1];
	v15 =	vsub.s32 $0x5F3759DF, v15;
	v17 =	vshra.s32 v0, $0x1;
	v59 =	vmul.f32 $5.000000000e-01, v0  }
0x175: {  	v38 =	vld [tilespmem:$0xBF0];
	v60 =	vmul.f32 v15, v16;
	v17 =	vsub.s32 $0x5F3759DF, v17;
	v7 =	vmul.f32 v10, v7  }
0x176: {  	v43 =	vld [tilespmem:$0xBE2];
	v62 =	vshra.s32 v3, $0x1;
	v8 =	vmul.f32 v8, v58;
	v61 =	vmul.f32 v17, v59  }
0x177: {  	v41 =	vld [tilespmem:$0xBF3];
	v13 =	vmul.f32 v13, v56;
	v60 =	vmul.f32 v15, v60;
	v7 =	vsub.f32 $1.500000000e+00, v7  }
0x178: {  	v39 =	vld [tilespmem:$0xBF1];
	_ =	swait.ge [sflag:s16], $0x400;
	v12 =	vadd.f32 v12, v57;
	v56 =	vmul.f32 $5.000000000e-01, v3;
	v11 =	vmul.f32 v17, v61  }
0x179: {  	[sflag:s16] =	ssyncset.done $0x0;
	v55 =	vsub.s32 $0x5F3759DF, v62;
	v7 =	vmul.f32 v10, v7;
	v10 =	vsub.f32 $1.500000000e+00, v60  }
0x17a: {  	s20 =	simm.s32 $0xC33;
	[sflag:s16] =	ssyncadd.s32 $0xFFFFFC00;
	v2 =	vnsel vm0, $0x0, v2;
	v57 =	vmul.f32 v55, v56;
	v11 =	vsub.f32 $1.500000000e+00, v11  }
0x17b: {  	v2 =	vadd.f32 v2, v12;
	v62 =	vld [tilespmem:s20+$0xFFFFFFEF];
	v14 =	vmul.f32 v7, v14;
	v10 =	vmul.f32 v15, v10  }
0x17c: {  	v13 =	vnsel vm0, $0x0, v13;
	v12 =	vmul.f32 v55, v57;
	v57 =	vld [tilespmem:s20+$0x0];
	v11 =	vmul.f32 v17, v11  }
0x17d: {  	v2 =	vadd.f32 v13, v2;
	v13 =	vld [tilespmem:s20+$0xFFFFFFDD];
	v14 =	vmul.f32 v14, v7;
	v16 =	vmul.f32 v10, v16  }
0x17e: {  	v8 =	vmul.f32 v8, v45;
	v12 =	vsub.f32 $1.500000000e+00, v12;
	v61 =	vld [tilespmem:s20+$0xFFFFFFED]  }
0x17f: {  	v60 =	vld [tilespmem:s20+$0xFFFFFFFE];
	v63 =	vmul.f32 v11, v59;
	v14 =	vsub.f32 $1.500000000e+00, v14;
	v16 =	vmul.f32 v16, v10  }
0x180: {  	v8 =	vnsel vm0, $0x0, v8;
	v12 =	vmul.f32 v55, v12;
	v15 =	vld [tilespmem:s20+$0xFFFFFFFD]  }
0x181: {  	v17 =	vld [tilespmem:s20+$0xFFFFFFFF];
	v7 =	vmul.f32 v14, v7;
	v14 =	vsub.f32 $1.500000000e+00, v16;
	v16 =	vmul.f32 v63, v11  }
0x182: {  	v2 =	vadd.f32 v8, v2;
	v8 =	vmul.f32 v12, v56;
	v63 =	vld [tilespmem:s20+$0xFFFFFFEE]  }
0x183: {  	v5 =	vmul.f32 v7, v5;
	v7 =	vmul.f32 v14, v10;
	v10 =	vsub.f32 $1.500000000e+00, v16;
	v14 =	vld [tilespmem:s20+$0xFFFFFFDF]  }
0x184: {  	v8 =	vmul.f32 v8, v12;
	v16 =	vld [tilespmem:s20+$0xFFFFFFCE]  }
0x185: {  	s21 =	simm.s32 $0x0;
	v5 =	vnsel vm0, $0x0, v5;
	v4 =	vmul.f32 v7, v4;
	v7 =	vmul.f32 v10, v11;
	v10 =	vld [tilespmem:s20+$0xFFFFFFD0]  }
0x186: {  	s21 =	sand.u32 $0x3C0, s21;
	v2 =	vadd.f32 v5, v2;
	v5 =	vld [tilespmem:s20+$0xFFFFFFCF]  }
0x187: {  	v8 =	vsub.f32 $1.500000000e+00, v8;
	v4 =	vnsel vm0, $0x0, v4;
	v0 =	vmul.f32 v7, v0;
	v7 =	vld [tilespmem:s21+$0xC00]  }
0x188: {  	v11 =	vld [tilespmem:s20+$0xFFFFFFE0];
	v2 =	vadd.f32 v4, v2  }
0x189: {  	v8 =	vmul.f32 v8, v12;
	v4 =	vld [tilespmem:s20+$0xFFFFFFDE];
	v0 =	vnsel vm0, $0x0, v0  }
0x18a: {  	v0 =	vadd.f32 v0, v2;
	v2 =	vld [tilespmem:s20+$0xFFFFFFF0]  }
0x18b: {  	v3 =	vmul.f32 v8, v3;
	v8 =	vsub.f32 v13, v14  }
0x18c: {  	v10 =	vsub.f32 v16, v10;
	v5 =	vsub.f32 v7, v5  }
0x18d: {  	v12 =	vsub.f32 v15, v17;
	v15 =	vsub.f32 v60, v57;
	v8 =	vmul.f32 v8, v8  }
0x18e: {  	s20 =	simm.s32 $0xC73;
	v10 =	vmul.f32 v10, v10;
	v4 =	vsub.f32 v4, v11;
	v5 =	vmul.f32 v5, v5  }
0x18f: {  	v13 =	vld [tilespmem:s20+$0xFFFFFFFD];
	v7 =	vsub.f32 v61, v62;
	v11 =	vmul.f32 v12, v12;
	v2 =	vsub.f32 v63, v2  }
0x190: {  	v14 =	vld [tilespmem:s20+$0xFFFFFFFF];
	v12 =	vmul.f32 v15, v15;
	v4 =	vmul.f32 v4, v4;
	v60 =	vadd.f32 v10, v5  }
0x191: {  	v3 =	vnsel vm0, $0x0, v3;
	v16 =	vld [tilespmem:s20+$0xFFFFFFEE];
	v5 =	vmul.f32 v7, v7;
	v2 =	vmul.f32 v2, v2  }
0x192: {  	v20 =	vld [tilespmem:s20+$0xFFFFFFDF];
	v58 =	vadd.f32 v4, v8;
	v8 =	vshra.s32 v60, $0x1;
	v10 =	vmul.f32 $5.000000000e-01, v60  }
0x193: {  	v22 =	vld [tilespmem:s20+$0xFFFFFFDE];
	v56 =	vadd.f32 v12, v11;
	v8 =	vsub.s32 $0x5F3759DF, v8;
	v59 =	vadd.f32 v2, v5  }
0x194: {  	v11 =	vld [tilespmem:s20+$0xFFFFFFED];
	v12 =	vshra.s32 v58, $0x1;
	v15 =	vmul.f32 $5.000000000e-01, v58;
	v2 =	vmul.f32 v8, v10  }
0x195: {  	v7 =	vld [tilespmem:s20+$0xFFFFFFFE];
	v12 =	vsub.s32 $0x5F3759DF, v12;
	v17 =	vshra.s32 v59, $0x1;
	v18 =	vmul.f32 $5.000000000e-01, v59  }
0x196: {  	v5 =	vld [tilespmem:s20+$0xFFFFFFEF];
	v45 =	vmul.f32 v12, v15;
	v2 =	vmul.f32 v8, v2;
	v17 =	vsub.s32 $0x5F3759DF, v17  }
0x197: {  	v4 =	vld [tilespmem:s20+$0x0];
	v57 =	vshra.s32 v56, $0x1;
	v61 =	vmul.f32 $5.000000000e-01, v56;
	v55 =	vmul.f32 v17, v18  }
0x198: {  	v62 =	vld [tilespmem:s20+$0xFFFFFFF0];
	v21 =	vsub.s32 $0x5F3759DF, v57;
	v1 =	vmul.f32 v12, v45;
	v2 =	vsub.f32 $1.500000000e+00, v2  }
0x199: {  	v26 =	vld [tilespmem:s20+$0xFFFFFFE0];
	v24 =	vmul.f32 v21, v61;
	v45 =	vadd.f32 v3, v0;
	v55 =	vmul.f32 v17, v55  }
0x19a: {  	v63 =	vld [tilespmem:s20+$0xFFFFFFDD];
	v0 =	vsub.f32 v13, v14;
	v1 =	vsub.f32 $1.500000000e+00, v1;
	v3 =	vmul.f32 v8, v2  }
0x19b: {  	v13 =	vmul.f32 v21, v24;
	v5 =	vsub.f32 v11, v5;
	v11 =	vld [tilespmem:s20+$0xFFFFFFD0];
	v8 =	vsub.f32 $1.500000000e+00, v55  }
0x19c: {  	s31 =	simm.s32 $0x40;
	v2 =	vsub.f32 v7, v4;
	v7 =	vmul.f32 v12, v1;
	v14 =	vmul.f32 v3, v10;
	v10 =	vld [tilespmem:s20+$0xFFFFFFCE]  }
0x19d: {  	s21 =	sand.u32 $0x3C0, s31;
	v62 =	vsub.f32 v16, v62;
	v1 =	vsub.f32 $1.500000000e+00, v13;
	v12 =	vld [tilespmem:s20+$0xFFFFFFCF];
	v4 =	vmul.f32 v17, v8  }
0x19e: {  	v57 =	vimm.f32 $0.0e+00;
	v17 =	vmul.f32 v7, v15;
	v16 =	vmul.f32 v14, v3;
	v14 =	vld [tilespmem:s21+$0xC00]  }
0x19f: {  	v13 =	vsub.f32 v63, v20;
	v8 =	vsub.f32 v22, v26;
	v63 =	vmul.f32 v21, v1  }
0x1a0: {  	v55 =	vld [tilespmem:$0xC00];
	s21 =	simm.s32 $0x80;
	v15 =	vsub.f32 $1.500000000e+00, v16;
	v16 =	vmul.f32 v17, v7;
	v17 =	vmul.f32 v4, v18  }
.LBB2_8:
0x1a1: {  	p0 =	sne.s32 s21, $0x380;
	v1 =	vsub.f32 v10, v11;
	v0 =	vmul.f32 v0, v0;
	v10 =	vmul.f32 v63, v61  }
0x1a2: {  	v3 =	vmul.f32 v15, v3;
	v11 =	vsub.f32 $1.500000000e+00, v16;
	v15 =	vmul.f32 v17, v4  }
0x1a3: {  	v2 =	vmul.f32 v2, v2;
	v12 =	vsub.f32 v14, v12;
	v10 =	vmul.f32 v10, v63  }
0x1a4: {  	v3 =	vmul.f32 v3, v60;
	v7 =	vmul.f32 v11, v7;
	v11 =	vsub.f32 $1.500000000e+00, v15  }
0x1a5: {  	v13 =	vmul.f32 v13, v13;
	v5 =	vmul.f32 v5, v5;
	v10 =	vsub.f32 $1.500000000e+00, v10  }
0x1a6: {  	v3 =	vnsel vm0, $0x0, v3;
	v7 =	vmul.f32 v7, v58;
	v4 =	vmul.f32 v11, v4  }
0x1a7: {  	v1 =	vmul.f32 v1, v1;
	v11 =	vmul.f32 v12, v12;
	v3 =	vadd.f32 v3, v57  }
0x1a8: {  	s20 =	sadd.s32 $0x40, s20;
	v10 =	vmul.f32 v10, v63;
	v7 =	vnsel vm0, $0x0, v7;
	v4 =	vmul.f32 v4, v59  }
0x1a9: {  	v8 =	vmul.f32 v8, v8;
	v0 =	vadd.f32 v2, v0;
	v12 =	vld [tilespmem:s20+$0xFFFFFFFD];
	v2 =	vadd.f32 v7, v3  }
0x1aa: {  	v60 =	vadd.f32 v1, v11;
	v3 =	vmul.f32 v10, v56;
	v7 =	vld [tilespmem:s20+$0xFFFFFFFF];
	v1 =	vnsel vm0, $0x0, v4  }
0x1ab: {  	v58 =	vadd.f32 v8, v13;
	v8 =	vmul.f32 v62, v62;
	v56 =	vmovc v0;
	v4 =	vld [tilespmem:s20+$0xFFFFFFFE];
	v1 =	vadd.f32 v1, v2  }
0x1ac: {  	v0 =	vshra.s32 v60, $0x1;
	v13 =	vmul.f32 $5.000000000e-01, v60;
	v3 =	vnsel vm0, $0x0, v3;
	v2 =	vld [tilespmem:s20+$0x0]  }
0x1ad: {  	v59 =	vadd.f32 v8, v5;
	v0 =	vsub.s32 $0x5F3759DF, v0;
	v14 =	vld [tilespmem:s20+$0xFFFFFFED];
	v57 =	vadd.f32 v3, v1  }
0x1ae: {  	v5 =	vshra.s32 v58, $0x1;
	v8 =	vmul.f32 $5.000000000e-01, v58;
	v3 =	vmul.f32 v0, v13;
	v1 =	vld [tilespmem:s20+$0xFFFFFFEF]  }
0x1af: {  	v5 =	vsub.s32 $0x5F3759DF, v5;
	v10 =	vshra.s32 v59, $0x1;
	v17 =	vmul.f32 $5.000000000e-01, v59;
	v15 =	vld [tilespmem:s20+$0xFFFFFFEE]  }
0x1b0: {  	v11 =	vmul.f32 v5, v8;
	v18 =	vsub.s32 $0x5F3759DF, v10;
	v3 =	vmul.f32 v0, v3;
	v16 =	vld [tilespmem:s20+$0xFFFFFFF0]  }
0x1b1: {  	v21 =	vshra.s32 v56, $0x1;
	v61 =	vmul.f32 $5.000000000e-01, v56;
	v10 =	vmul.f32 v18, v17;
	v20 =	vld [tilespmem:s20+$0xFFFFFFDD]  }
0x1b2: {  	v21 =	vsub.s32 $0x5F3759DF, v21;
	v11 =	vmul.f32 v5, v11;
	v3 =	vsub.f32 $1.500000000e+00, v3;
	v22 =	vld [tilespmem:s20+$0xFFFFFFDF]  }
0x1b3: {  	v62 =	vmul.f32 v21, v61;
	v26 =	vmul.f32 v18, v10;
	v24 =	vld [tilespmem:s20+$0xFFFFFFDE]  }
0x1b4: {  	v27 =	vsub.f32 $1.500000000e+00, v11;
	v3 =	vmul.f32 v0, v3;
	v63 =	vld [tilespmem:s20+$0xFFFFFFE0]  }
0x1b5: {  	v62 =	vmul.f32 v21, v62;
	v26 =	vsub.f32 $1.500000000e+00, v26;
	v0 =	vsub.f32 v12, v7;
	v10 =	vld [tilespmem:s20+$0xFFFFFFCE]  }
.Ltmp3:
0x1b6: {  	v2 =	vsub.f32 v4, v2;
	v7 =	vmul.f32 v5, v27;
	v13 =	vmul.f32 v3, v13;
	v11 =	vld [tilespmem:s20+$0xFFFFFFD0];
	(pc) =	sbr.rel @p0 .LBB2_8-.Ltmp3, $4  }
0x1b7: {  	s22 =	sand.u32 $0x3C0, s21;
	v4 =	vmul.f32 v18, v26;
	v5 =	vsub.f32 v14, v1;
	v1 =	vsub.f32 $1.500000000e+00, v62;
	v12 =	vld [tilespmem:s20+$0xFFFFFFCF]  }
0x1b8: {  	v62 =	vsub.f32 v15, v16;
	v16 =	vmul.f32 v7, v8;
	v15 =	vmul.f32 v13, v3;
	v14 =	vld [tilespmem:s22+$0xC00]  }
0x1b9: {  	v13 =	vsub.f32 v20, v22;
	v8 =	vsub.f32 v24, v63;
	v63 =	vmul.f32 v21, v1  }
0x1ba: {  	s21 =	sadd.s32 $0x40, s21;
	v17 =	vmul.f32 v4, v17;
	v16 =	vmul.f32 v16, v7;
	v15 =	vsub.f32 $1.500000000e+00, v15  }
0x1bb: {  	v5 =	vmul.f32 v5, v5;
	v8 =	vmul.f32 v8, v8  }
0x1bc: {  	v0 =	vmul.f32 v0, v0;
	v2 =	vmul.f32 v2, v2  }
0x1bd: {  	v10 =	vsub.f32 v10, v11;
	v1 =	vmul.f32 v17, v4;
	v3 =	vmul.f32 v15, v3  }
0x1be: {  	v26 =	vsub.f32 $1.500000000e+00, v16;
	v16 =	vmul.f32 v62, v62;
	v27 =	vsub.f32 v14, v12  }
0x1bf: {  	v17 =	vmul.f32 v63, v61;
	v10 =	vmul.f32 v10, v10  }
0x1c0: {  	v1 =	vsub.f32 $1.500000000e+00, v1;
	v3 =	vmul.f32 v3, v60;
	v11 =	vmul.f32 v27, v27  }
0x1c1: {  	v7 =	vmul.f32 v26, v7;
	v60 =	vmul.f32 v13, v13;
	v5 =	vadd.f32 v16, v5  }
0x1c2: {  	v18 =	vmul.f32 v17, v63;
	v1 =	vmul.f32 v1, v4;
	v10 =	vadd.f32 v10, v11  }
0x1c3: {  	v4 =	vadd.f32 v8, v60;
	v26 =	vshra.s32 v5, $0x1;
	v27 =	vmul.f32 $5.000000000e-01, v5  }
0x1c4: {  	v16 =	vsub.s32 $0x5F3759DF, v26;
	v20 =	vshra.s32 v10, $0x1;
	v12 =	vmul.f32 $5.000000000e-01, v10  }
0x1c5: {  	v22 =	vshra.s32 v4, $0x1;
	v24 =	vmul.f32 $5.000000000e-01, v4;
	v11 =	vsub.s32 $0x5F3759DF, v20  }
0x1c6: {  	v14 =	vsub.s32 $0x5F3759DF, v22;
	v20 =	vmul.f32 v16, v27;
	v21 =	vmul.f32 v11, v12  }
0x1c7: {  	v0 =	vadd.f32 v2, v0;
	v8 =	vsub.f32 $1.500000000e+00, v18;
	v18 =	vmul.f32 v14, v24  }
0x1c8: {  	v30 =	vsub.f32 v30, v31;
	v60 =	vmul.f32 v16, v20;
	v13 =	vmul.f32 v11, v21  }
0x1c9: {  	v61 =	vshra.s32 v0, $0x1;
	v1 =	vmul.f32 v1, v59;
	v59 =	vmul.f32 v14, v18  }
0x1ca: {  	v7 =	vmul.f32 v7, v58;
	v18 =	vsub.f32 $1.500000000e+00, v60;
	v58 =	vsub.f32 $1.500000000e+00, v13  }
0x1cb: {  	v62 =	vmul.f32 $5.000000000e-01, v0;
	v8 =	vmul.f32 v8, v63;
	v13 =	vsub.f32 $1.500000000e+00, v59  }
0x1cc: {  	v60 =	vld [tilespmem:$0x1FF10];
	v63 =	vmul.f32 v16, v18;
	v2 =	vmul.f32 v11, v58;
	v11 =	vsub.s32 $0x5F3759DF, v61  }
0x1cd: {  	v3 =	vnsel vm0, $0x0, v3;
	v13 =	vmul.f32 v14, v13;
	v61 =	vld [tilespmem:$0x1FF20];
	v21 =	vmul.f32 v11, v62  }
0x1ce: {  	v3 =	vadd.f32 v3, v57;
	v20 =	vld [tilespmem:$0x1FF50];
	v17 =	vmul.f32 v63, v27;
	v12 =	vmul.f32 v2, v12  }
0x1cf: {  	v7 =	vnsel vm0, $0x0, v7;
	v59 =	vld [tilespmem:$0x1FF00];
	v15 =	vmul.f32 v13, v24;
	v22 =	vmul.f32 v11, v21  }
0x1d0: {  	v33 =	vsub.f32 v32, v33;
	v3 =	vadd.f32 v7, v3;
	v58 =	vld [tilespmem:$0x1FEF0];
	v17 =	vmul.f32 v17, v63  }
0x1d1: {  	v21 =	vld [tilespmem:$0x1FF60];
	v12 =	vmul.f32 v12, v2;
	v15 =	vmul.f32 v15, v13;
	v16 =	vsub.f32 $1.500000000e+00, v22  }
0x1d2: {  	v8 =	vmul.f32 v8, v56;
	v26 =	vsub.f32 $1.500000000e+00, v17;
	v14 =	vsub.f32 v60, v61;
	v22 =	vld [tilespmem:$0x1FF70]  }
0x1d3: {  	v60 =	vld [tilespmem:$0x1FFE0];
	v12 =	vsub.f32 $1.500000000e+00, v12;
	v24 =	vsub.f32 $1.500000000e+00, v15;
	v11 =	vmul.f32 v11, v16  }
0x1d4: {  	v1 =	vnsel vm0, $0x0, v1;
	v57 =	vmul.f32 v26, v63;
	v63 =	vld [tilespmem:$0x1FF40];
	v14 =	vmul.f32 v14, v14  }
0x1d5: {  	v2 =	vmul.f32 v12, v2;
	v56 =	vmul.f32 v24, v13;
	v13 =	vsub.f32 v58, v59;
	v24 =	vld [tilespmem:$0x1FF80]  }
0x1d6: {  	v16 =	vsub.f32 v20, v21;
	v27 =	vmul.f32 v11, v62;
	v62 =	vld [tilespmem:$0x1FF30];
	v5 =	vmul.f32 v57, v5  }
0x1d7: {  	v1 =	vadd.f32 v1, v3;
	v26 =	vld [tilespmem:$0x1FF90];
	v2 =	vmul.f32 v2, v10;
	v13 =	vmul.f32 v13, v13  }
0x1d8: {  	v8 =	vnsel vm0, $0x0, v8;
	v16 =	vmul.f32 v16, v16;
	v7 =	vmul.f32 v27, v11;
	v27 =	vld [tilespmem:$0x1FFA0]  }
0x1d9: {  	v1 =	vadd.f32 v8, v1;
	v4 =	vmul.f32 v56, v4;
	v61 =	vbroadcast v60, $0x0  }
0x1da: {  	v21 =	vbroadcast v60, $0x1;
	v10 =	vadd.f32 v14, v13;
	v17 =	vsub.f32 v22, v24;
	v22 =	vld [tilespmem:$0x1FFB0]  }
0x1db: {  	v2 =	vnsel vm0, $0x0, v2;
	v4 =	vnsel vm0, $0x0, v4;
	v24 =	vld [tilespmem:$0x1FFC0];
	v15 =	vsub.f32 v62, v63  }
0x1dc: {  	v7 =	vsub.f32 $1.500000000e+00, v7;
	v1 =	vadd.f32 v2, v1;
	v58 =	vshra.s32 v10, $0x1  }
0x1dd: {  	v63 =	vsub.f32 v6, v61;
	v15 =	vmul.f32 v15, v15;
	v18 =	vsub.f32 v26, v27  }
0x1de: {  	v56 =	vmul.f32 v17, v17;
	v7 =	vmul.f32 v7, v11;
	v27 =	vsub.f32 v28, v29  }
0x1df: {  	v12 =	vadd.f32 v16, v15;
	v57 =	vmul.f32 v18, v18;
	v15 =	vmul.f32 $5.000000000e-01, v10  }
0x1e0: {  	v11 =	vsub.s32 $0x5F3759DF, v58;
	v22 =	vsub.f32 v6, v22;
	v24 =	vsub.f32 v9, v24  }
0x1e1: {  	v16 =	vshra.s32 v12, $0x1;
	v13 =	vadd.f32 v57, v56;
	v59 =	vmul.f32 v11, v15  }
0x1e2: {  	v18 =	vmul.f32 $5.000000000e-01, v12;
	v56 =	vsub.f32 v9, v21;
	v6 =	vsel vm1, v22, v63  }
0x1e3: {  	v16 =	vsub.s32 $0x5F3759DF, v16;
	v62 =	vshra.s32 v13, $0x1;
	v17 =	vmul.f32 $5.000000000e-01, v13  }
0x1e4: {  	v57 =	vmul.f32 v16, v18;
	v9 =	vsel vm1, v24, v56;
	v14 =	vmul.f32 v11, v59  }
0x1e5: {  	v6 =	vmul.f32 v6, v6;
	v20 =	vsub.s32 $0x5F3759DF, v62;
	v59 =	vmul.f32 v9, v9  }
0x1e6: {  	v58 =	vmul.f32 v20, v17;
	v3 =	vmul.f32 v16, v57;
	v60 =	vsub.f32 $1.500000000e+00, v14  }
0x1e7: {  	v0 =	vmul.f32 v7, v0;
	v56 =	vsub.f32 v34, v35;
	v6 =	vadd.f32 v59, v6  }
0x1e8: {  	v21 =	vmul.f32 v20, v58;
	v3 =	vsub.f32 $1.500000000e+00, v3;
	v62 =	vmul.f32 v11, v60  }
0x1e9: {  	v11 =	vmul.f32 v27, v27;
	v24 =	vshra.s32 v6, $0x1;
	v26 =	vmul.f32 $5.000000000e-01, v6  }
0x1ea: {  	v61 =	vsub.f32 $1.500000000e+00, v21;
	v3 =	vmul.f32 v16, v3;
	v28 =	vmul.f32 v62, v15  }
0x1eb: {  	v8 =	vsub.s32 $0x5F3759DF, v24;
	v16 =	vmul.f32 v30, v30;
	v21 =	vmul.f32 v56, v56  }
0x1ec: {  	v1 =	vadd.f32 v4, v1;
	v31 =	vmul.f32 v8, v26;
	v63 =	vmul.f32 v20, v61  }
0x1ed: {  	v5 =	vnsel vm0, $0x0, v5;
	v29 =	vmul.f32 v3, v18;
	v14 =	vmul.f32 v28, v62  }
0x1ee: {  	v1 =	vadd.f32 v5, v1;
	v20 =	vmul.f32 v33, v33;
	v28 =	vbroadcast v19, $0x0  }
0x1ef: {  	v11 =	vadd.f32 v16, v11;
	v18 =	vmul.f32 v8, v31;
	v31 =	vbroadcast v19, $0x1  }
0x1f0: {  	v15 =	vmul.f32 v29, v3;
	v14 =	vsub.f32 $1.500000000e+00, v14;
	v17 =	vmul.f32 v63, v17  }
0x1f1: {  	v16 =	vshra.s32 v11, $0x1;
	v58 =	vmul.f32 $5.000000000e-01, v11;
	v18 =	vsub.f32 $1.500000000e+00, v18  }
0x1f2: {  	v16 =	vsub.s32 $0x5F3759DF, v16;
	v15 =	vsub.f32 $1.500000000e+00, v15;
	v2 =	vmul.f32 v14, v62  }
0x1f3: {  	v14 =	vadd.f32 v21, v20;
	v57 =	vmul.f32 v17, v63;
	v60 =	vmul.f32 v16, v58  }
0x1f4: {  	v0 =	vnsel vm0, $0x0, v0;
	v8 =	vmul.f32 v8, v18;
	v3 =	vmul.f32 v15, v3  }
0x1f5: {  	v30 =	vld [tilespmem:$0x1FED0];
	v59 =	vshra.s32 v14, $0x1;
	v20 =	vmul.f32 $5.000000000e-01, v14;
	v15 =	vsub.f32 $1.500000000e+00, v57  }
0x1f6: {  	v32 =	vld [tilespmem:$0x1FEE0];
	v4 =	vmul.f32 v16, v60;
	v2 =	vmul.f32 v2, v10;
	v18 =	vsub.s32 $0x5F3759DF, v59  }
0x1f7: {  	v1 =	vadd.f32 v0, v1;
	v9 =	vmul.f32 v8, v26;
	v61 =	vmul.f32 v18, v20  }
0x1f8: {  	v10 =	vsub.f32 v23, v28;
	v28 =	vld [tilespmem:$0x1FFD0];
	v7 =	vmul.f32 v15, v63;
	v3 =	vmul.f32 v3, v12  }
0x1f9: {  	v22 =	vld [tilespmem:$0x1FE90];
	v4 =	vsub.f32 $1.500000000e+00, v4;
	v15 =	vsub.f32 v25, v31;
	v9 =	vmul.f32 v9, v8  }
0x1fa: {  	v27 =	vld [tilespmem:$0x1FEC0];
	v62 =	vmul.f32 v18, v61;
	v7 =	vmul.f32 v7, v13;
	v13 =	vsub.f32 v23, v30  }
0x1fb: {  	v26 =	vld [tilespmem:$0x1FEB0];
	v63 =	vmul.f32 v16, v4;
	v16 =	vsub.f32 v25, v32;
	v61 =	vsub.f32 v46, v48  }
0x1fc: {  	v24 =	vld [tilespmem:$0x1FEA0];
	v2 =	vnsel vm0, $0x0, v2;
	v25 =	vsub.f32 v51, v53;
	v48 =	vsub.f32 v42, v43  }
0x1fd: {  	v3 =	vnsel vm0, $0x0, v3;
	v9 =	vsub.f32 $1.500000000e+00, v9;
	v2 =	vadd.f32 v2, v28  }
0x1fe: {  	v5 =	vsub.f32 $1.500000000e+00, v62;
	v29 =	vmul.f32 v63, v58;
	v10 =	vsel vm1, v13, v10  }
0x1ff: {  	v56 =	vsel vm1, v16, v15;
	v7 =	vnsel vm0, $0x0, v7;
	v8 =	vmul.f32 v9, v8  }
0x200: {  	v9 =	vsub.f32 v26, v27;
	v10 =	vmul.f32 v10, v10;
	v12 =	vmul.f32 v56, v56  }
0x201: {  	v21 =	vmul.f32 v18, v5;
	v5 =	vsub.f32 v22, v24;
	v34 =	vmul.f32 v29, v63  }
0x202: {  	v26 =	vsub.f32 v52, v54;
	v18 =	vmul.f32 v25, v25;
	v9 =	vmul.f32 v9, v9  }
0x203: {  	v2 =	vadd.f32 v3, v2;
	v6 =	vmul.f32 v8, v6;
	v5 =	vmul.f32 v5, v5  }
0x204: {  	v19 =	vmul.f32 v26, v26;
	v33 =	vmul.f32 v21, v20;
	v8 =	vsub.f32 $1.500000000e+00, v34  }
0x205: {  	v2 =	vadd.f32 v7, v2;
	v20 =	vmul.f32 v48, v48;
	v5 =	vadd.f32 v9, v5  }
0x206: {  	v35 =	vmul.f32 v33, v21;
	v0 =	vmul.f32 v8, v63;
	v8 =	vadd.f32 v12, v10  }
0x207: {  	v6 =	vnsel vm0, $0x0, v6;
	v63 =	vsub.f32 v49, v50;
	v49 =	vsub.f32 v44, v47  }
0x208: {  	v54 =	vld [tilespmem:$0xFC0];
	v12 =	vmul.f32 v61, v61;
	v2 =	vadd.f32 v6, v2;
	v9 =	vsub.f32 $1.500000000e+00, v35  }
0x209: {  	v56 =	vld [tilespmem:$0xFC2];
	v57 =	vshra.s32 v5, $0x1;
	v58 =	vmul.f32 $5.000000000e-01, v5;
	v62 =	vshra.s32 v8, $0x1  }
0x20a: {  	v24 =	vmul.f32 $5.000000000e-01, v8;
	v16 =	vmul.f32 v63, v63;
	v59 =	vsub.s32 $0x5F3759DF, v57  }
0x20b: {  	v0 =	vmul.f32 v0, v11;
	v13 =	vsub.s32 $0x5F3759DF, v62;
	v60 =	vmul.f32 v59, v58  }
0x20c: {  	v4 =	vmul.f32 v9, v21;
	v27 =	vmul.f32 v13, v24;
	v12 =	vadd.f32 v16, v12  }
0x20d: {  	v21 =	vmul.f32 v49, v49;
	v0 =	vnsel vm0, $0x0, v0;
	v9 =	vmul.f32 v59, v60  }
0x20e: {  	v0 =	vadd.f32 v0, v36;
	v36 =	vsub.f32 v54, v56;
	v29 =	vmul.f32 v13, v27  }
0x20f: {  	v54 =	vbroadcast v55, $0x1;
	v14 =	vmul.f32 v4, v14;
	v9 =	vsub.f32 $1.500000000e+00, v9  }
0x210: {  	v32 =	vshra.s32 v12, $0x1;
	v16 =	vmul.f32 $5.000000000e-01, v12;
	v31 =	vsub.f32 $1.500000000e+00, v29  }
0x211: {  	v11 =	vsub.s32 $0x5F3759DF, v32;
	v30 =	vmul.f32 v59, v9;
	v9 =	vadd.f32 v19, v18  }
0x212: {  	v32 =	vsub.f32 v39, v41;
	v33 =	vmul.f32 v11, v16;
	v10 =	vmul.f32 v13, v31  }
0x213: {  	v18 =	vshra.s32 v9, $0x1;
	v19 =	vmul.f32 $5.000000000e-01, v9;
	v15 =	vmul.f32 v30, v58  }
0x214: {  	v28 =	vld [tilespmem:$0xFD2];
	v46 =	vmul.f32 v11, v33;
	v50 =	vmul.f32 v10, v24;
	v18 =	vsub.s32 $0x5F3759DF, v18  }
0x215: {  	v61 =	vld [tilespmem:$0xFC3];
	v14 =	vnsel vm0, $0x0, v14;
	v34 =	vmul.f32 v18, v19;
	v35 =	vmul.f32 v15, v30  }
0x216: {  	v49 =	vld [tilespmem:$0xFF1];
	v0 =	vadd.f32 v14, v0;
	v15 =	vsub.f32 $1.500000000e+00, v46;
	v7 =	vmul.f32 v50, v10  }
0x217: {  	v33 =	vbroadcast v37, $0x0;
	v50 =	vld [tilespmem:$0xFF3];
	v13 =	vmul.f32 v18, v34;
	v3 =	vsub.f32 $1.500000000e+00, v35  }
0x218: {  	v44 =	vld [tilespmem:$0xFF0];
	v11 =	vmul.f32 v11, v15;
	v7 =	vsub.f32 $1.500000000e+00, v7;
	v34 =	vbroadcast v37, $0x1  }
0x219: {  	v62 =	vld [tilespmem:$0xFD0];
	v13 =	vsub.f32 $1.500000000e+00, v13;
	v4 =	vmul.f32 v3, v30;
	v3 =	vadd.f32 v21, v20  }
0x21a: {  	v59 =	vld [tilespmem:$0xFC1];
	v15 =	vmul.f32 v11, v16;
	v7 =	vmul.f32 v7, v10;
	v30 =	vsub.f32 v38, v40  }
0x21b: {  	v46 =	vld [tilespmem:$0xFF2];
	v38 =	vsub.f32 v38, v33;
	v39 =	vsub.f32 v39, v34;
	v13 =	vmul.f32 v18, v13  }
0x21c: {  	v37 =	vld [tilespmem:$0xFE0];
	v24 =	vsub.f32 v49, v50;
	v53 =	vmul.f32 $5.000000000e-01, v3;
	v15 =	vmul.f32 v15, v11  }
0x21d: {  	v40 =	vld [tilespmem:$0xFE2];
	v52 =	vshra.s32 v3, $0x1;
	v5 =	vmul.f32 v4, v5;
	v4 =	vmul.f32 v7, v8  }
0x21e: {  	v43 =	vld [tilespmem:$0xFE3];
	v8 =	vsub.f32 v62, v28;
	v17 =	vsub.s32 $0x5F3759DF, v52;
	v51 =	vmul.f32 v13, v19  }
0x21f: {  	v41 =	vld [tilespmem:$0xFE1];
	v42 =	vsel vm1, v32, v39;
	v58 =	vmul.f32 v17, v53;
	v60 =	vsub.f32 $1.500000000e+00, v15  }
0x220: {  	v31 =	vld [tilespmem:$0xFD1];
	v15 =	vsub.f32 v59, v61;
	v8 =	vmul.f32 v8, v8;
	v57 =	vmul.f32 v51, v13  }
0x221: {  	v35 =	vld [tilespmem:$0xFD3];
	v18 =	vsub.f32 v44, v46;
	v16 =	vmul.f32 v17, v58;
	v63 =	vmul.f32 v60, v11  }
0x222: {  	v19 =	vsub.f32 v37, v40;
	v15 =	vmul.f32 v15, v15;
	v6 =	vsub.f32 $1.500000000e+00, v57  }
0x223: {  	v29 =	vsub.f32 $1.500000000e+00, v16;
	v7 =	vmul.f32 v63, v12;
	v12 =	vmul.f32 v36, v36  }
0x224: {  	v11 =	vmul.f32 v42, v42;
	v16 =	vsub.f32 v41, v43;
	v6 =	vmul.f32 v6, v13  }
0x225: {  	v19 =	vmul.f32 v19, v19;
	v10 =	vmul.f32 v17, v29;
	v12 =	vadd.f32 v15, v12  }
0x226: {  	v13 =	vsub.f32 v31, v35;
	v16 =	vmul.f32 v16, v16;
	v6 =	vmul.f32 v6, v9  }
0x227: {  	v9 =	vsel vm1, v30, v38;
	v17 =	vmul.f32 v10, v53;
	v47 =	vshra.s32 v12, $0x1  }
0x228: {  	v13 =	vmul.f32 v13, v13;
	v53 =	vbroadcast v55, $0x0;
	v55 =	vsub.f32 v49, v54  }
0x229: {  	v48 =	vmul.f32 $5.000000000e-01, v12;
	v16 =	vadd.f32 v16, v19;
	v9 =	vmul.f32 v9, v9  }
0x22a: {  	v8 =	vadd.f32 v13, v8;
	v15 =	vsub.f32 v44, v53;
	v58 =	vsel vm1, v24, v55  }
0x22b: {  	v60 =	vshra.s32 v16, $0x1;
	v9 =	vadd.f32 v11, v9;
	v11 =	vsub.s32 $0x5F3759DF, v47  }
0x22c: {  	v61 =	vmul.f32 $5.000000000e-01, v16;
	v21 =	vsub.s32 $0x5F3759DF, v60;
	v27 =	vmul.f32 v11, v48  }
0x22d: {  	v57 =	vmul.f32 $5.000000000e-01, v8;
	v15 =	vsel vm1, v18, v15;
	v59 =	vshra.s32 v8, $0x1  }
0x22e: {  	v18 =	vmul.f32 v58, v58;
	v63 =	vmul.f32 v21, v61;
	v51 =	vshra.s32 v9, $0x1  }
0x22f: {  	v26 =	vmul.f32 $5.000000000e-01, v9;
	v15 =	vmul.f32 v15, v15;
	v19 =	vsub.s32 $0x5F3759DF, v59  }
0x230: {  	v25 =	vsub.s32 $0x5F3759DF, v51;
	v27 =	vmul.f32 v11, v27;
	v62 =	vmul.f32 v19, v57  }
0x231: {  	v5 =	vnsel vm0, $0x0, v5;
	v52 =	vmul.f32 v25, v26;
	v15 =	vadd.f32 v18, v15  }
0x232: {  	v18 =	vmul.f32 v21, v63;
	v56 =	vsub.f32 $1.500000000e+00, v27;
	v32 =	vmul.f32 v19, v62  }
0x233: {  	v13 =	vmul.f32 v25, v52;
	v33 =	vshra.s32 v15, $0x1;
	v34 =	vmul.f32 $5.000000000e-01, v15  }
0x234: {  	v18 =	vsub.f32 $1.500000000e+00, v18;
	v11 =	vmul.f32 v11, v56;
	v27 =	vsub.s32 $0x5F3759DF, v33  }
0x235: {  	v17 =	vmul.f32 v17, v10;
	v35 =	vsub.f32 $1.500000000e+00, v32;
	v36 =	vmul.f32 v27, v34  }
0x236: {  	v13 =	vsub.f32 $1.500000000e+00, v13;
	v18 =	vmul.f32 v21, v18;
	v20 =	vmul.f32 v11, v48  }
0x237: {  	v17 =	vsub.f32 $1.500000000e+00, v17;
	v37 =	vmul.f32 v19, v35;
	v38 =	vmul.f32 v27, v36  }
0x238: {  	v4 =	vnsel vm0, $0x0, v4;
	v13 =	vmul.f32 v25, v13;
	v20 =	vmul.f32 v20, v11  }
0x239: {  	v10 =	vmul.f32 v17, v10;
	v40 =	vmul.f32 v37, v57;
	v17 =	vsub.f32 $1.500000000e+00, v38  }
0x23a: {  	v42 =	vmul.f32 v18, v61;
	v44 =	vmul.f32 v13, v26;
	v39 =	vsub.f32 $1.500000000e+00, v20  }
0x23b: {  	v0 =	vadd.f32 v5, v0;
	v43 =	vmul.f32 v40, v37;
	v17 =	vmul.f32 v27, v17  }
0x23c: {  	v7 =	vnsel vm0, $0x0, v7;
	v41 =	vmul.f32 v39, v11;
	v11 =	vmul.f32 v42, v18  }
0x23d: {  	v7 =	vadd.f32 v7, v45;
	v45 =	vsub.f32 $1.500000000e+00, v43;
	v46 =	vmul.f32 v17, v34  }
0x23e: {  	v20 =	vmul.f32 v44, v13;
	v5 =	vmul.f32 v41, v12;
	v11 =	vsub.f32 $1.500000000e+00, v11  }
0x23f: {  	v6 =	vnsel vm0, $0x0, v6;
	v47 =	vmul.f32 v45, v37;
	v48 =	vmul.f32 v46, v17  }
0x240: {  	v6 =	vadd.f32 v6, v7;
	v50 =	vsub.f32 $1.500000000e+00, v20;
	v49 =	vmul.f32 v11, v18  }
0x241: {  	v7 =	vmul.f32 v47, v8;
	v5 =	vnsel vm0, $0x0, v5;
	v51 =	vsub.f32 $1.500000000e+00, v48  }
0x242: {  	v3 =	vmul.f32 v10, v3;
	v11 =	vmul.f32 v50, v13;
	v1 =	vadd.f32 v5, v1  }
0x243: {  	v52 =	vmul.f32 v49, v16;
	v7 =	vnsel vm0, $0x0, v7;
	v8 =	vmul.f32 v51, v17  }
0x244: {  	v3 =	vnsel vm0, $0x0, v3;
	v53 =	vmul.f32 v11, v9;
	v1 =	vadd.f32 v7, v1  }
0x245: {  	v3 =	vadd.f32 v3, v6;
	v5 =	vnsel vm0, $0x0, v52;
	v54 =	vmul.f32 v8, v15  }
0x246: {  	v0 =	vadd.f32 v4, v0;
	v55 =	vnsel vm0, $0x0, v53;
	v1 =	vadd.f32 v5, v1  }
0x247: {  	(xrf2) =	vadd.scan.msk.f32 $0xffff, v2;
	v56 =	vadd.f32 v55, v3;
	v57 =	vnsel vm0, $0x0, v54  }
0x248: {  	(xrf2) =	vadd.scan.msk.f32 $0xffff, v0;
	v58 =	vadd.f32 v57, v1  }
0x249: {  	(xrf2) =	vadd.scan.msk.f32 $0xffff, v56  }
0x24a: {  	(xrf2) =	vadd.scan.msk.f32 $0xffff, v58;
	_ =	sdelay $0x4  }
0x24b: {  	v61 =	vld [tilespmem:$0x1FFF0];
	_ =	sdelay $0x1  }
0x24c: {  	v59, _, _ =	vpop (xrf2)  }
0x24d: {  	v60, _, _ =	vpop (xrf2);
	v0 =	vbroadcast v59, $0xF  }
0x24e: {  	v1 =	vbroadcast v60, $0xF;
	v2, _, _ =	vpop (xrf2)  }
0x24f: {  	v0 =	vsel vm5, v0, v61;
	v2 =	vbroadcast v2, $0xF;
	v62, _, _ =	vpop (xrf2)  }
0x250: {  	v0 =	vsel vm2, v0, v1;
	v63 =	vbroadcast v62, $0xF  }
0x251: {  	s19 =	sadd.s32 $0x1, s19;
	v0 =	vsel vm3, v0, v2  }
0x252: {  	p0 =	sne.s32 s19, s8;
	v0 =	vsel vm4, v0, v63  }
.Ltmp4:
0x253: {  	[tilespmem:$0x1080] =	vst v0;
	(pc) =	sbr.rel @p0 .LBB2_1-.Ltmp4, $4  }
0x254: {  	[hbm4b:s7+s1] =	stream.linear.scatter [tilespmem:s17], [sflag:$0x5], $0x80, $0x38;
	[tilespmem:$0x1100] =	vst v63  }
0x255: {  	_ =	swait.ge [sflag:s18], $0x80  }
0x256: {  	[sflag:s18] =	ssyncset.done $0x0  }
0x257: {  	[sflag:s18] =	ssyncadd.s32 $0xFFFFFF80  }
0x258: {  	_ =	sfence.sel $0x180000  }
0x259: {  	[bflag:$0x0] =	sbarrier.arrive $0xFFFF  }
0x25a: {  	p0 =	sne.s32 s2, $0x0;
	_ =	strace $0x90000047  }
0x25b: {  	s0 =	sadd.s32 @!p0 $0x100000, s0;
	[bflag:$0x2] =	sbarrier.arrive $0xFFFF  }
0x25c: {  	[sflag:s0] =	ssyncadd.tile.s32 @!p0 $0x1;
	_ =	shalt  }
.Lfunc_end2:
_tile_overlayer_lowered:
.L_overlay_start_2:
0x25d: {  	(tag) =	ssettag $0x2  }
0x25e: {  	s0 =	rddreg [dreg:$0x0];
	s2 =	stileid.u32  }
0x25f: {  	s1 =	rddreg [dreg:$0x1];
	p0 =	sne.s32 s2, $0x0  }
0x260: {  	s3 =	rddreg [dreg:$0x2];
	[bflag:$0x3] =	sbarrier.arrive $0xFFFF;
	s2 =	simm.s32 @!p0 $0x1C05  }
0x261: {  	[timem:s3], [sflag:s2] =	dma.local @!p0 [hbm:s0], s1  }
0x262: {  	s0 =	simm.s32 @!p0 $0x5  }
0x263: {  	_ =	swait.ge @!p0 [sflag:s0], s1  }
0x264: {  	s1 =	ssub.s32 @!p0 $0x0, s1;
	[sflag:s0] =	ssyncset.done @!p0 $0x0  }
0x265: {  	[sflag:s0] =	ssyncadd.s32 @!p0 s1  }
0x266: {  	[bflag:$0x3] =	sbarrier.arrive $0xFFFF  }
0x267: {  	_ =	shalt  }

</sc_bundles>
